<compile_context>
chip_gen: v7x
topology: tpu7x:2x2x1
jax: 0.10.2.dev20260603
libtpu: 0.0.44.dev20260713+nightly
codegen_flags: <defaults>
</compile_context>

<pallas_src>
import functools

import jax
import jax.numpy as jnp
from jax import lax
from jax.experimental import pallas as pl
from jax.experimental.pallas import tpu as pltpu
from jax.experimental.pallas import tpu_sc as plsc

N = 10000
NP = 10112
E = 320000
H = 16
OUT = 40
NC = 2
NS = 16
NW = NC * NS
CH = 128
NCT = E // CH
NCW = 78
NT = NCT - NW * NCW
RPT = NP // NS
NBUF = 6
D = 3
NGRP = NCW // NBUF
NI = 1000
NI_P = 1024


def _worker_ids():
    cid = lax.axis_index("c")
    sid = lax.axis_index("s")
    return cid, sid, sid * NC + cid


EW = NCW * CH


def _stage_chunks(EI, row, idx_v, wid):
    pltpu.sync_copy(EI.at[row, pl.ds(wid * EW, EW)], idx_v.at[pl.ds(0, EW)])

    @pl.when(wid < NT)
    def _():
        pltpu.sync_copy(EI.at[row, pl.ds(NW * EW + wid * CH, CH)],
                        idx_v.at[pl.ds(EW, CH)])


def _deg_body(EI, ones, zeros1, outP, dst_v, ones_v, acc, sem):
    cid, sid, wid = _worker_ids()
    _stage_chunks(EI, 1, dst_v, wid)
    pltpu.sync_copy(ones, ones_v)
    pltpu.sync_copy(zeros1.at[pl.ds(sid * RPT, RPT)],
                    acc.at[pl.ds(sid * RPT, RPT)])
    plsc.subcore_barrier()

    K = 6

    def group(gi, c):
        for b in range(K):
            pltpu.async_copy(ones_v, acc.at[_ck(dst_v, gi * K + b)], sem,
                             add=True)
        for b in range(K):
            pltpu.make_async_copy(ones_v, acc.at[_ck(dst_v, gi * K + b)],
                                  sem).wait()
        return c

    lax.fori_loop(0, NCW // K, group, 0)

    @pl.when(wid < NT)
    def _():
        pltpu.sync_copy(ones_v, acc.at[_ck(dst_v, NCW)], add=True)

    plsc.subcore_barrier()
    pltpu.sync_copy(acc.at[pl.ds(sid * RPT, RPT)],
                    outP.at[pl.ds(cid * NP + sid * RPT, RPT)])


def _ck(idx_v, j):
    return idx_v.at[pl.ds(j * CH, CH)]


def _prop_loop(SRC, src_v, dst_v, rows_v, acc, sem_g, sem_s, wid):
    for d in range(D):
        pltpu.async_copy(SRC.at[_ck(src_v, d)], rows_v.at[d], sem_g)

    def group(gi, c):
        for b in range(NBUF):
            j = gi * NBUF + b
            pltpu.make_async_copy(SRC.at[_ck(src_v, j)], rows_v.at[b],
                                  sem_g).wait()
            pltpu.async_copy(rows_v.at[b], acc.at[_ck(dst_v, j)], sem_s,
                             add=True)

            @pl.when(j >= NBUF - D)
            def _():
                pltpu.make_async_copy(rows_v.at[b], acc.at[_ck(dst_v, b)],
                                      sem_s).wait()

            @pl.when(j + D < NCW)
            def _():
                pltpu.async_copy(SRC.at[_ck(src_v, j + D)],
                                 rows_v.at[(b + D) % NBUF], sem_g)

        return c

    lax.fori_loop(0, NGRP, group, 0)

    @pl.when(wid < NT)
    def _():
        pltpu.async_copy(SRC.at[_ck(src_v, NCW)], rows_v.at[0], sem_g)
        pltpu.make_async_copy(SRC.at[_ck(src_v, NCW)], rows_v.at[0],
                              sem_g).wait()
        pltpu.async_copy(rows_v.at[0], acc.at[_ck(dst_v, NCW)], sem_s,
                         add=True)
        pltpu.make_async_copy(rows_v.at[0], acc.at[_ck(dst_v, NCW)],
                              sem_s).wait()

    for k in range(NBUF - D):
        pltpu.make_async_copy(rows_v.at[k], acc.at[_ck(dst_v, k)], sem_s).wait()


def _prop1_body(g, EI, zeros16, outP, src_v, dst_v, rows_v, g0s, acc,
                sem_g, sem_s):
    cid, sid, wid = _worker_ids()
    _stage_chunks(EI, 0, src_v, wid)
    _stage_chunks(EI, 1, dst_v, wid)
    pltpu.sync_copy(zeros16.at[pl.ds(sid * RPT, RPT)],
                    acc.at[pl.ds(sid * RPT, RPT)])
    pltpu.sync_copy(g.at[pl.ds(sid * RPT, RPT)], g0s.at[pl.ds(sid * RPT, RPT)])
    plsc.subcore_barrier()
    _prop_loop(g0s, src_v, dst_v, rows_v, acc, sem_g, sem_s, wid)
    plsc.subcore_barrier()
    pltpu.sync_copy(acc.at[pl.ds(sid * RPT, RPT)],
                    outP.at[pl.ds(cid * NP + sid * RPT, RPT)])


def _prop2g_body(pP, EI, niI, dinv, zeros16, GD,
                 src_v, dst_v, rows_v, pv0, pv1, dv, gv, ni_v, grows_v,
                 g1s, acc, sem_g, sem_s):
    cid, sid, wid = _worker_ids()
    _stage_chunks(EI, 0, src_v, wid)
    _stage_chunks(EI, 1, dst_v, wid)
    pltpu.sync_copy(zeros16.at[pl.ds(sid * RPT, RPT)],
                    acc.at[pl.ds(sid * RPT, RPT)])

    r0 = sid * RPT
    pltpu.sync_copy(pP.at[pl.ds(r0, RPT)], pv0)
    pltpu.sync_copy(pP.at[pl.ds(NP + r0, RPT)], pv1)
    pltpu.sync_copy(dinv.at[pl.ds(r0, RPT)], dv)

    def row(i, c):
        t = (pv0[i] + pv1[i]) * dv[i]
        gv[i] = jnp.maximum(t, 0.0) * dv[i]
        return c

    lax.fori_loop(0, RPT, row, 0)
    pltpu.sync_copy(gv, g1s.at[pl.ds(r0, RPT)])
    plsc.subcore_barrier()

    _prop_loop(g1s, src_v, dst_v, rows_v, acc, sem_g, sem_s, wid)
    plsc.subcore_barrier()

    @pl.when(sid < 8)
    def _():
        pltpu.sync_copy(niI.at[pl.ds(sid * CH, CH)], ni_v)
        pltpu.async_copy(acc.at[ni_v], grows_v, sem_g).wait()
        pltpu.sync_copy(grows_v, GD.at[pl.ds(cid * NI_P + sid * CH, CH)])

    @pl.when((sid >= 8) & (cid == 0))
    def _():
        pltpu.sync_copy(niI.at[pl.ds((sid - 8) * CH, CH)], ni_v)
        pltpu.async_copy(dinv.at[ni_v], grows_v, sem_g).wait()
        pltpu.sync_copy(grows_v, GD.at[pl.ds(2 * NI_P + (sid - 8) * CH, CH)])


@functools.lru_cache(maxsize=None)
def _sc_kernels():
    mesh = plsc.VectorSubcoreMesh(core_axis_name="c", subcore_axis_name="s",
                                  num_cores=NC, num_subcores=NS)
    params = pltpu.CompilerParams(use_tc_tiling_on_sc=False)
    deg = pl.kernel(
        _deg_body,
        out_type=jax.ShapeDtypeStruct((NC * NP,), jnp.float32),
        mesh=mesh,
        compiler_params=params,
        scratch_types=[
            pltpu.VMEM(((NCW + 1) * CH,), jnp.int32),
            pltpu.VMEM((CH,), jnp.float32),
            pltpu.VMEM_SHARED((NP,), jnp.float32),
            pltpu.SemaphoreType.DMA,
        ],
    )
    prop1 = pl.kernel(
        _prop1_body,
        out_type=jax.ShapeDtypeStruct((NC * NP, H), jnp.float32),
        mesh=mesh,
        compiler_params=params,
        scratch_types=[
            pltpu.VMEM(((NCW + 1) * CH,), jnp.int32),
            pltpu.VMEM(((NCW + 1) * CH,), jnp.int32),
            pltpu.VMEM((NBUF, CH, H), jnp.float32),
            pltpu.VMEM_SHARED((NP, H), jnp.float32),
            pltpu.VMEM_SHARED((NP, H), jnp.float32),
            pltpu.SemaphoreType.DMA,
            pltpu.SemaphoreType.DMA,
        ],
    )
    prop2g = pl.kernel(
        _prop2g_body,
        out_type=jax.ShapeDtypeStruct((3 * NI_P, H), jnp.float32),
        mesh=mesh,
        compiler_params=params,
        scratch_types=[
            pltpu.VMEM(((NCW + 1) * CH,), jnp.int32),
            pltpu.VMEM(((NCW + 1) * CH,), jnp.int32),
            pltpu.VMEM((NBUF, CH, H), jnp.float32),
            pltpu.VMEM((RPT, H), jnp.float32),
            pltpu.VMEM((RPT, H), jnp.float32),
            pltpu.VMEM((RPT, H), jnp.float32),
            pltpu.VMEM((RPT, H), jnp.float32),
            pltpu.VMEM((CH,), jnp.int32),
            pltpu.VMEM((CH, H), jnp.float32),
            pltpu.VMEM_SHARED((NP, H), jnp.float32),
            pltpu.VMEM_SHARED((NP, H), jnp.float32),
            pltpu.SemaphoreType.DMA,
            pltpu.SemaphoreType.DMA,
        ],
    )
    return deg, prop1, prop2g


def _fuse1_body(x_ref, w1_ref, degp_ref, dinv_ref, g0_ref):
    deg = jnp.maximum(degp_ref[:NP] + degp_ref[NP:], 1.0)
    dinv = lax.rsqrt(deg)
    dinv16 = jnp.broadcast_to(dinv[:, None], (NP, H))
    dinv_ref[...] = dinv16
    xw = jnp.dot(x_ref[...], w1_ref[...], preferred_element_type=jnp.float32)
    xwp = jnp.concatenate([xw, jnp.zeros((NP - N, H), jnp.float32)], axis=0)
    g0_ref[...] = xwp * dinv16


_fuse1 = pl.pallas_call(
    _fuse1_body,
    out_shape=(jax.ShapeDtypeStruct((NP, H), jnp.float32),
               jax.ShapeDtypeStruct((NP, H), jnp.float32)),
)


RB = NI_P * H // 128


def _fuse3_body(gd_ref, w2b_ref, out_ref):
    rows = (gd_ref[:RB] + gd_ref[RB:2 * RB]) * gd_ref[2 * RB:]
    out_ref[...] = jnp.dot(rows, w2b_ref[...],
                           preferred_element_type=jnp.float32)


_fuse3 = pl.pallas_call(
    _fuse3_body,
    out_shape=jax.ShapeDtypeStruct((RB, 8 * OUT), jnp.float32),
)


def kernel(x, edge_index, node_index, W1, W2):
    deg_k, prop1_k, prop2g_k = _sc_kernels()
    EI = edge_index.astype(jnp.int32)
    niP = jnp.concatenate([node_index.astype(jnp.int32),
                           jnp.zeros((NI_P - NI,), jnp.int32)])
    zeros1 = jnp.zeros((NP,), jnp.float32)
    zeros16 = jnp.zeros((NP, H), jnp.float32)
    ones1 = jnp.ones((CH,), jnp.float32)

    degp = deg_k(EI, ones1, zeros1)
    dinv16, g0 = _fuse1(x, W1, degp)
    pP = prop1_k(g0, EI, zeros16)
    GD = prop2g_k(pP, EI, niP, dinv16, zeros16)
    w2b = jnp.kron(jnp.eye(8, dtype=jnp.float32), W2)
    out = _fuse3(GD.reshape(3 * RB, 128), w2b).reshape(NI_P, OUT)
    return out[:NI]

# --- scband reference (transcript-rebuilt; emitter-appended) ---
"""Pipeline reference for scband-gcn-26654567039562 (READ-ONLY COPY).

The authoritative reference and input builder live on the scoring server;
editing this copy changes nothing except your own understanding.
"""

import jax, jax.numpy as jnp
import numpy as np

N_NODES = 10000
N_EDGES = 320000
IN_CH = 128
HIDDEN = 16
OUT_CH = 40


def setup_inputs(seed: int = 0) -> dict:
    key = jax.random.key(seed)
    k1, k2, k3, k4, k5 = jax.random.split(key, 5)
    x = jax.random.normal(k1, (N_NODES, IN_CH), dtype=jnp.float32)
    edge_index = jax.random.randint(k2, (2, N_EDGES), 0, N_NODES, dtype=jnp.int64)
    node_index = jax.random.randint(k3, (1000,), 0, N_NODES, dtype=jnp.int64)
    # Glorot-uniform style init for GraphConvolution kernels
    lim1 = float(np.sqrt(6.0 / (IN_CH + HIDDEN)))
    W1 = jax.random.uniform(k4, (IN_CH, HIDDEN), dtype=jnp.float32, minval=-lim1, maxval=lim1)
    lim2 = float(np.sqrt(6.0 / (HIDDEN + OUT_CH)))
    W2 = jax.random.uniform(k5, (HIDDEN, OUT_CH), dtype=jnp.float32, minval=-lim2, maxval=lim2)
    return {"x": x, "edge_index": edge_index, "node_index": node_index, "W1": W1, "W2": W2}


def reference(x, edge_index, node_index, W1, W2):
    # GCN forward (inference mode: dropout disabled).
    # The Keras model consumes a pre-normalized sparse adjacency; here we
    # materialize the symmetric GCN normalization D^-1/2 A D^-1/2 from edge_index.
    N = x.shape[0]
    src = edge_index[0]
    dst = edge_index[1]
    deg = jnp.zeros((N,), dtype=x.dtype).at[dst].add(1.0)
    deg = jnp.maximum(deg, 1.0)
    dinv = jax.lax.rsqrt(deg)
    norm = dinv[src] * dinv[dst]  # [E]

    def propagate(h):
        msgs = jnp.take(h, src, axis=0) * norm[:, None]  # gather + scale
        return jnp.zeros((N, h.shape[1]), dtype=h.dtype).at[dst].add(msgs)  # scatter-add

    # Layer 1: GraphConvolution(hidden=16, relu)
    h = jax.nn.relu(propagate(x @ W1))
    # (Dropout rate=0.5 is identity at inference)
    # Layer 2: GraphConvolution(out_channels=40, linear)
    h = propagate(h @ W2)
    # Gather logits at the requested node indices
    out = jnp.take(h, node_index, axis=0)
    return out

if __name__ == "__main__":
    import jax
    _d = setup_inputs()
    print(jax.jit(kernel)(*tuple(_d.values())))

</pallas_src>

<mosaic_0001>
#map = affine_map<(d0, d1) -> (0, 0)>
#map1 = affine_map<(d0, d1) -> (0)>
module attributes {stable_mosaic.version = 14 : i64} {
  func.func @_deg_body(%arg0: i32, %arg1: i32, %arg2: memref<2x320000xi32, #tpu.memory_space<hbm>>, %arg3: memref<128xf32, #tpu.memory_space<hbm>>, %arg4: memref<10112xf32, #tpu.memory_space<hbm>>, %arg5: memref<20224xf32, #tpu.memory_space<hbm>>, %arg6: memref<10112xi32, #tpu.memory_space<vmem>>, %arg7: memref<128xf32, #tpu.memory_space<vmem>>, %arg8: memref<10112xf32, #tpu.memory_space<vmem_shared>>, %arg9: memref<!tpu.dma_semaphore, #tpu.memory_space<semaphore_mem>>) attributes {dimension_semantics = [#tpu.dimension_semantics<core_parallel>, #tpu.dimension_semantics<subcore_parallel>], iteration_bounds = array<i64: 2, 16>, scalar_prefetch = 0 : i64, scratch_operands = 4 : i64, tpu.core_type = #tpu.core_type<sc_vector_subcore>, window_params = [{transform_indices = #map}, {transform_indices = #map1}, {transform_indices = #map1}, {transform_indices = #map1}]} {
    %mul3A = arith.constant 2 : i32
    %mul3A_0 = arith.muli %arg1, %mul3A : i32
    %add3A = arith.addi %mul3A_0, %arg0 : i32
    %mul3A_1 = arith.constant 9984 : i32
    %mul3A_2 = arith.muli %add3A, %mul3A_1 : i32
    %run_scoped3A = arith.constant 1 : i32
    "tpu.region"() ({
      %run_scoped3A_27 = tpu.sem_alloc : memref<!tpu.dma_semaphore, #tpu.memory_space<semaphore_mem>>
      %dma_start3A = arith.constant 0 : i32
      %dma_start3A_28 = tpu.memref_slice %arg6[%dma_start3A] : memref<10112xi32, #tpu.memory_space<vmem>> -> memref<9984xi32, #tpu.memory_space<vmem>>
      %dma_start3A_29 = tpu.memref_slice %arg2[%run_scoped3A, %mul3A_2] : memref<2x320000xi32, #tpu.memory_space<hbm>> -> memref<1x9984xi32, #tpu.memory_space<hbm>>
      %dma_start3A_30 = tpu.memref_squeeze %dma_start3A_29 : memref<1x9984xi32, #tpu.memory_space<hbm>> -> memref<9984xi32, #tpu.memory_space<hbm>>
      %dma_start3A_31 = arith.constant 0 : i32
      %dma_start3A_32 = tpu.memref_slice %arg6[%dma_start3A_31] : memref<10112xi32, #tpu.memory_space<vmem>> -> memref<9984xi32, #tpu.memory_space<vmem>>
      %dma_start3A_33 = tpu.memref_slice %arg2[%run_scoped3A, %mul3A_2] : memref<2x320000xi32, #tpu.memory_space<hbm>> -> memref<1x9984xi32, #tpu.memory_space<hbm>>
      %dma_start3A_34 = tpu.memref_squeeze %dma_start3A_33 : memref<1x9984xi32, #tpu.memory_space<hbm>> -> memref<9984xi32, #tpu.memory_space<hbm>>
      tpu.enqueue_dma source(%dma_start3A_34 : memref<9984xi32, #tpu.memory_space<hbm>>) target(%dma_start3A_32 : memref<9984xi32, #tpu.memory_space<vmem>>) target_semaphore(%run_scoped3A_27 : memref<!tpu.dma_semaphore, #tpu.memory_space<semaphore_mem>>)
      %dma_wait3A = arith.constant 0 : i32
      %dma_wait3A_35 = tpu.memref_slice %arg6[%dma_wait3A] : memref<10112xi32, #tpu.memory_space<vmem>> -> memref<9984xi32, #tpu.memory_space<vmem>>
      %dma_wait3A_36 = tpu.memref_slice %arg2[%run_scoped3A, %mul3A_2] : memref<2x320000xi32, #tpu.memory_space<hbm>> -> memref<1x9984xi32, #tpu.memory_space<hbm>>
      %dma_wait3A_37 = tpu.memref_squeeze %dma_wait3A_36 : memref<1x9984xi32, #tpu.memory_space<hbm>> -> memref<9984xi32, #tpu.memory_space<hbm>>
      %dma_wait3A_38 = arith.constant 0 : i32
      %dma_wait3A_39 = tpu.memref_slice %arg6[%dma_wait3A_38] : memref<10112xi32, #tpu.memory_space<vmem>> -> memref<9984xi32, #tpu.memory_space<vmem>>
      %dma_wait3A_40 = tpu.memref_slice %arg2[%run_scoped3A, %mul3A_2] : memref<2x320000xi32, #tpu.memory_space<hbm>> -> memref<1x9984xi32, #tpu.memory_space<hbm>>
      %dma_wait3A_41 = tpu.memref_squeeze %dma_wait3A_40 : memref<1x9984xi32, #tpu.memory_space<hbm>> -> memref<9984xi32, #tpu.memory_space<hbm>>
      tpu.wait_dma2 semaphore(%run_scoped3A_27 : memref<!tpu.dma_semaphore, #tpu.memory_space<semaphore_mem>>) src(%dma_wait3A_41 : memref<9984xi32, #tpu.memory_space<hbm>>) dst(%dma_wait3A_39 : memref<9984xi32, #tpu.memory_space<vmem>>)
      tpu.yield
    }) : () -> ()
    %lt3A = arith.constant 4 : i32
    %lt3A_3 = arith.cmpi slt, %add3A, %lt3A : i32
    %convert_element_type3A = arith.extui %lt3A_3 : i1 to i32
    %cond3A = arith.constant 0 : i32
    %cond3A_4 = arith.cmpi ne, %convert_element_type3A, %cond3A : i32
    scf.if %cond3A_4 {
      %mul3A_27 = arith.constant 128 : i32
      %mul3A_28 = arith.muli %add3A, %mul3A_27 : i32
      %add3A_29 = arith.constant 319488 : i32
      %add3A_30 = arith.addi %add3A_29, %mul3A_28 : i32
      %run_scoped3A_31 = arith.constant 1 : i32
      "tpu.region"() ({
        %run_scoped3A_32 = tpu.sem_alloc : memref<!tpu.dma_semaphore, #tpu.memory_space<semaphore_mem>>
        %dma_start3A = arith.constant 9984 : i32
        %dma_start3A_33 = tpu.memref_slice %arg6[%dma_start3A] : memref<10112xi32, #tpu.memory_space<vmem>> -> memref<128xi32, #tpu.memory_space<vmem>>
        %dma_start3A_34 = tpu.memref_slice %arg2[%run_scoped3A_31, %add3A_30] : memref<2x320000xi32, #tpu.memory_space<hbm>> -> memref<1x128xi32, #tpu.memory_space<hbm>>
        %dma_start3A_35 = tpu.memref_squeeze %dma_start3A_34 : memref<1x128xi32, #tpu.memory_space<hbm>> -> memref<128xi32, #tpu.memory_space<hbm>>
        %dma_start3A_36 = arith.constant 9984 : i32
        %dma_start3A_37 = tpu.memref_slice %arg6[%dma_start3A_36] : memref<10112xi32, #tpu.memory_space<vmem>> -> memref<128xi32, #tpu.memory_space<vmem>>
        %dma_start3A_38 = tpu.memref_slice %arg2[%run_scoped3A_31, %add3A_30] : memref<2x320000xi32, #tpu.memory_space<hbm>> -> memref<1x128xi32, #tpu.memory_space<hbm>>
        %dma_start3A_39 = tpu.memref_squeeze %dma_start3A_38 : memref<1x128xi32, #tpu.memory_space<hbm>> -> memref<128xi32, #tpu.memory_space<hbm>>
        tpu.enqueue_dma source(%dma_start3A_39 : memref<128xi32, #tpu.memory_space<hbm>>) target(%dma_start3A_37 : memref<128xi32, #tpu.memory_space<vmem>>) target_semaphore(%run_scoped3A_32 : memref<!tpu.dma_semaphore, #tpu.memory_space<semaphore_mem>>)
        %dma_wait3A = arith.constant 9984 : i32
        %dma_wait3A_40 = tpu.memref_slice %arg6[%dma_wait3A] : memref<10112xi32, #tpu.memory_space<vmem>> -> memref<128xi32, #tpu.memory_space<vmem>>
        %dma_wait3A_41 = tpu.memref_slice %arg2[%run_scoped3A_31, %add3A_30] : memref<2x320000xi32, #tpu.memory_space<hbm>> -> memref<1x128xi32, #tpu.memory_space<hbm>>
        %dma_wait3A_42 = tpu.memref_squeeze %dma_wait3A_41 : memref<1x128xi32, #tpu.memory_space<hbm>> -> memref<128xi32, #tpu.memory_space<hbm>>
        %dma_wait3A_43 = arith.constant 9984 : i32
        %dma_wait3A_44 = tpu.memref_slice %arg6[%dma_wait3A_43] : memref<10112xi32, #tpu.memory_space<vmem>> -> memref<128xi32, #tpu.memory_space<vmem>>
        %dma_wait3A_45 = tpu.memref_slice %arg2[%run_scoped3A_31, %add3A_30] : memref<2x320000xi32, #tpu.memory_space<hbm>> -> memref<1x128xi32, #tpu.memory_space<hbm>>
        %dma_wait3A_46 = tpu.memref_squeeze %dma_wait3A_45 : memref<1x128xi32, #tpu.memory_space<hbm>> -> memref<128xi32, #tpu.memory_space<hbm>>
        tpu.wait_dma2 semaphore(%run_scoped3A_32 : memref<!tpu.dma_semaphore, #tpu.memory_space<semaphore_mem>>) src(%dma_wait3A_46 : memref<128xi32, #tpu.memory_space<hbm>>) dst(%dma_wait3A_44 : memref<128xi32, #tpu.memory_space<vmem>>)
        tpu.yield
      }) : () -> ()
    } else {
    }
    "tpu.region"() ({
      %run_scoped3A_27 = tpu.sem_alloc : memref<!tpu.dma_semaphore, #tpu.memory_space<semaphore_mem>>
      tpu.enqueue_dma source(%arg3 : memref<128xf32, #tpu.memory_space<hbm>>) target(%arg7 : memref<128xf32, #tpu.memory_space<vmem>>) target_semaphore(%run_scoped3A_27 : memref<!tpu.dma_semaphore, #tpu.memory_space<semaphore_mem>>)
      tpu.wait_dma2 semaphore(%run_scoped3A_27 : memref<!tpu.dma_semaphore, #tpu.memory_space<semaphore_mem>>) src(%arg3 : memref<128xf32, #tpu.memory_space<hbm>>) dst(%arg7 : memref<128xf32, #tpu.memory_space<vmem>>)
      tpu.yield
    }) : () -> ()
    %mul3A_5 = arith.constant 632 : i32
    %mul3A_6 = arith.muli %arg1, %mul3A_5 : i32
    %mul3A_7 = arith.constant 632 : i32
    %mul3A_8 = arith.muli %arg1, %mul3A_7 : i32
    "tpu.region"() ({
      %run_scoped3A_27 = tpu.sem_alloc : memref<!tpu.dma_semaphore, #tpu.memory_space<semaphore_mem>>
      %dma_start3A = tpu.memref_slice %arg8[%mul3A_8] : memref<10112xf32, #tpu.memory_space<vmem_shared>> -> memref<632xf32, #tpu.memory_space<vmem_shared>>
      %dma_start3A_28 = tpu.memref_slice %arg4[%mul3A_6] : memref<10112xf32, #tpu.memory_space<hbm>> -> memref<632xf32, #tpu.memory_space<hbm>>
      tpu.enqueue_dma source(%dma_start3A_28 : memref<632xf32, #tpu.memory_space<hbm>>) target(%dma_start3A : memref<632xf32, #tpu.memory_space<vmem_shared>>) target_semaphore(%run_scoped3A_27 : memref<!tpu.dma_semaphore, #tpu.memory_space<semaphore_mem>>)
      %dma_wait3A = tpu.memref_slice %arg8[%mul3A_8] : memref<10112xf32, #tpu.memory_space<vmem_shared>> -> memref<632xf32, #tpu.memory_space<vmem_shared>>
      %dma_wait3A_29 = tpu.memref_slice %arg4[%mul3A_6] : memref<10112xf32, #tpu.memory_space<hbm>> -> memref<632xf32, #tpu.memory_space<hbm>>
      tpu.wait_dma2 semaphore(%run_scoped3A_27 : memref<!tpu.dma_semaphore, #tpu.memory_space<semaphore_mem>>) src(%dma_wait3A_29 : memref<632xf32, #tpu.memory_space<hbm>>) dst(%dma_wait3A : memref<632xf32, #tpu.memory_space<vmem_shared>>)
      tpu.yield
    }) : () -> ()
    %barrier3A = arith.constant 0 : index
    tpu.barrier barrier_id(%barrier3A)
    %scan3A = arith.constant 0 : i32
    %scan3A_9 = arith.constant 0 : i32
    %scan3A_10 = arith.constant 13 : i32
    %scan3A_11 = arith.addi %scan3A_9, %scan3A_10 : i32
    %scan3A_12 = arith.constant 1 : i32
    scf.for %scan3A_27 = %scan3A_9 to %scan3A_11 step %scan3A_12  : i32 {
      %mul3A_28 = arith.constant 6 : i32
      %mul3A_29 = arith.muli %scan3A_27, %mul3A_28 : i32
      %add3A_30 = arith.constant 0 : i32
      %add3A_31 = arith.addi %mul3A_29, %add3A_30 : i32
      %mul3A_32 = arith.constant 128 : i32
      %mul3A_33 = arith.muli %add3A_31, %mul3A_32 : i32
      %dma_start3A = tpu.memref_slice %arg6[%mul3A_33] : memref<10112xi32, #tpu.memory_space<vmem>> -> memref<128xi32, #tpu.memory_space<vmem>>
      %dma_start3A_34 = arith.constant 0 : i32
      %dma_start3A_35 = tpu.memref_slice %arg8[%dma_start3A_34] : memref<10112xf32, #tpu.memory_space<vmem_shared>> -> memref<10112xf32, #tpu.memory_space<vmem_shared>>
      tpu.enqueue_indirect_dma source(%arg7 : memref<128xf32, #tpu.memory_space<vmem>>) target(%dma_start3A_35 : memref<10112xf32, #tpu.memory_space<vmem_shared>>) offsets(%dma_start3A : memref<128xi32, #tpu.memory_space<vmem>>) semaphore(%arg9 : memref<!tpu.dma_semaphore, #tpu.memory_space<semaphore_mem>>) {add = true}
      %mul3A_36 = arith.constant 6 : i32
      %mul3A_37 = arith.muli %scan3A_27, %mul3A_36 : i32
      %add3A_38 = arith.constant 1 : i32
      %add3A_39 = arith.addi %mul3A_37, %add3A_38 : i32
      %mul3A_40 = arith.constant 128 : i32
      %mul3A_41 = arith.muli %add3A_39, %mul3A_40 : i32
      %dma_start3A_42 = tpu.memref_slice %arg6[%mul3A_41] : memref<10112xi32, #tpu.memory_space<vmem>> -> memref<128xi32, #tpu.memory_space<vmem>>
      %dma_start3A_43 = arith.constant 0 : i32
      %dma_start3A_44 = tpu.memref_slice %arg8[%dma_start3A_43] : memref<10112xf32, #tpu.memory_space<vmem_shared>> -> memref<10112xf32, #tpu.memory_space<vmem_shared>>
      tpu.enqueue_indirect_dma source(%arg7 : memref<128xf32, #tpu.memory_space<vmem>>) target(%dma_start3A_44 : memref<10112xf32, #tpu.memory_space<vmem_shared>>) offsets(%dma_start3A_42 : memref<128xi32, #tpu.memory_space<vmem>>) semaphore(%arg9 : memref<!tpu.dma_semaphore, #tpu.memory_space<semaphore_mem>>) {add = true}
      %mul3A_45 = arith.constant 6 : i32
      %mul3A_46 = arith.muli %scan3A_27, %mul3A_45 : i32
      %add3A_47 = arith.constant 2 : i32
      %add3A_48 = arith.addi %mul3A_46, %add3A_47 : i32
      %mul3A_49 = arith.constant 128 : i32
      %mul3A_50 = arith.muli %add3A_48, %mul3A_49 : i32
      %dma_start3A_51 = tpu.memref_slice %arg6[%mul3A_50] : memref<10112xi32, #tpu.memory_space<vmem>> -> memref<128xi32, #tpu.memory_space<vmem>>
      %dma_start3A_52 = arith.constant 0 : i32
      %dma_start3A_53 = tpu.memref_slice %arg8[%dma_start3A_52] : memref<10112xf32, #tpu.memory_space<vmem_shared>> -> memref<10112xf32, #tpu.memory_space<vmem_shared>>
      tpu.enqueue_indirect_dma source(%arg7 : memref<128xf32, #tpu.memory_space<vmem>>) target(%dma_start3A_53 : memref<10112xf32, #tpu.memory_space<vmem_shared>>) offsets(%dma_start3A_51 : memref<128xi32, #tpu.memory_space<vmem>>) semaphore(%arg9 : memref<!tpu.dma_semaphore, #tpu.memory_space<semaphore_mem>>) {add = true}
      %mul3A_54 = arith.constant 6 : i32
      %mul3A_55 = arith.muli %scan3A_27, %mul3A_54 : i32
      %add3A_56 = arith.constant 3 : i32
      %add3A_57 = arith.addi %mul3A_55, %add3A_56 : i32
      %mul3A_58 = arith.constant 128 : i32
      %mul3A_59 = arith.muli %add3A_57, %mul3A_58 : i32
      %dma_start3A_60 = tpu.memref_slice %arg6[%mul3A_59] : memref<10112xi32, #tpu.memory_space<vmem>> -> memref<128xi32, #tpu.memory_space<vmem>>
      %dma_start3A_61 = arith.constant 0 : i32
      %dma_start3A_62 = tpu.memref_slice %arg8[%dma_start3A_61] : memref<10112xf32, #tpu.memory_space<vmem_shared>> -> memref<10112xf32, #tpu.memory_space<vmem_shared>>
      tpu.enqueue_indirect_dma source(%arg7 : memref<128xf32, #tpu.memory_space<vmem>>) target(%dma_start3A_62 : memref<10112xf32, #tpu.memory_space<vmem_shared>>) offsets(%dma_start3A_60 : memref<128xi32, #tpu.memory_space<vmem>>) semaphore(%arg9 : memref<!tpu.dma_semaphore, #tpu.memory_space<semaphore_mem>>) {add = true}
      %mul3A_63 = arith.constant 6 : i32
      %mul3A_64 = arith.muli %scan3A_27, %mul3A_63 : i32
      %add3A_65 = arith.constant 4 : i32
      %add3A_66 = arith.addi %mul3A_64, %add3A_65 : i32
      %mul3A_67 = arith.constant 128 : i32
      %mul3A_68 = arith.muli %add3A_66, %mul3A_67 : i32
      %dma_start3A_69 = tpu.memref_slice %arg6[%mul3A_68] : memref<10112xi32, #tpu.memory_space<vmem>> -> memref<128xi32, #tpu.memory_space<vmem>>
      %dma_start3A_70 = arith.constant 0 : i32
      %dma_start3A_71 = tpu.memref_slice %arg8[%dma_start3A_70] : memref<10112xf32, #tpu.memory_space<vmem_shared>> -> memref<10112xf32, #tpu.memory_space<vmem_shared>>
      tpu.enqueue_indirect_dma source(%arg7 : memref<128xf32, #tpu.memory_space<vmem>>) target(%dma_start3A_71 : memref<10112xf32, #tpu.memory_space<vmem_shared>>) offsets(%dma_start3A_69 : memref<128xi32, #tpu.memory_space<vmem>>) semaphore(%arg9 : memref<!tpu.dma_semaphore, #tpu.memory_space<semaphore_mem>>) {add = true}
      %mul3A_72 = arith.constant 6 : i32
      %mul3A_73 = arith.muli %scan3A_27, %mul3A_72 : i32
      %add3A_74 = arith.constant 5 : i32
      %add3A_75 = arith.addi %mul3A_73, %add3A_74 : i32
      %mul3A_76 = arith.constant 128 : i32
      %mul3A_77 = arith.muli %add3A_75, %mul3A_76 : i32
      %dma_start3A_78 = tpu.memref_slice %arg6[%mul3A_77] : memref<10112xi32, #tpu.memory_space<vmem>> -> memref<128xi32, #tpu.memory_space<vmem>>
      %dma_start3A_79 = arith.constant 0 : i32
      %dma_start3A_80 = tpu.memref_slice %arg8[%dma_start3A_79] : memref<10112xf32, #tpu.memory_space<vmem_shared>> -> memref<10112xf32, #tpu.memory_space<vmem_shared>>
      tpu.enqueue_indirect_dma source(%arg7 : memref<128xf32, #tpu.memory_space<vmem>>) target(%dma_start3A_80 : memref<10112xf32, #tpu.memory_space<vmem_shared>>) offsets(%dma_start3A_78 : memref<128xi32, #tpu.memory_space<vmem>>) semaphore(%arg9 : memref<!tpu.dma_semaphore, #tpu.memory_space<semaphore_mem>>) {add = true}
      %mul3A_81 = arith.constant 6 : i32
      %mul3A_82 = arith.muli %scan3A_27, %mul3A_81 : i32
      %add3A_83 = arith.constant 0 : i32
      %add3A_84 = arith.addi %mul3A_82, %add3A_83 : i32
      %mul3A_85 = arith.constant 128 : i32
      %mul3A_86 = arith.muli %add3A_84, %mul3A_85 : i32
      %dma_wait3A = tpu.memref_slice %arg6[%mul3A_86] : memref<10112xi32, #tpu.memory_space<vmem>> -> memref<128xi32, #tpu.memory_space<vmem>>
      %dma_wait3A_87 = arith.constant 0 : i32
      %dma_wait3A_88 = tpu.memref_slice %arg8[%dma_wait3A_87] : memref<10112xf32, #tpu.memory_space<vmem_shared>> -> memref<10112xf32, #tpu.memory_space<vmem_shared>>
      tpu.wait_indirect_dma semaphore(%arg9 : memref<!tpu.dma_semaphore, #tpu.memory_space<semaphore_mem>>) src(%arg7 : memref<128xf32, #tpu.memory_space<vmem>>) dst(%dma_wait3A_88 : memref<10112xf32, #tpu.memory_space<vmem_shared>>)
      %mul3A_89 = arith.constant 6 : i32
      %mul3A_90 = arith.muli %scan3A_27, %mul3A_89 : i32
      %add3A_91 = arith.constant 1 : i32
      %add3A_92 = arith.addi %mul3A_90, %add3A_91 : i32
      %mul3A_93 = arith.constant 128 : i32
      %mul3A_94 = arith.muli %add3A_92, %mul3A_93 : i32
      %dma_wait3A_95 = tpu.memref_slice %arg6[%mul3A_94] : memref<10112xi32, #tpu.memory_space<vmem>> -> memref<128xi32, #tpu.memory_space<vmem>>
      %dma_wait3A_96 = arith.constant 0 : i32
      %dma_wait3A_97 = tpu.memref_slice %arg8[%dma_wait3A_96] : memref<10112xf32, #tpu.memory_space<vmem_shared>> -> memref<10112xf32, #tpu.memory_space<vmem_shared>>
      tpu.wait_indirect_dma semaphore(%arg9 : memref<!tpu.dma_semaphore, #tpu.memory_space<semaphore_mem>>) src(%arg7 : memref<128xf32, #tpu.memory_space<vmem>>) dst(%dma_wait3A_97 : memref<10112xf32, #tpu.memory_space<vmem_shared>>)
      %mul3A_98 = arith.constant 6 : i32
      %mul3A_99 = arith.muli %scan3A_27, %mul3A_98 : i32
      %add3A_100 = arith.constant 2 : i32
      %add3A_101 = arith.addi %mul3A_99, %add3A_100 : i32
      %mul3A_102 = arith.constant 128 : i32
      %mul3A_103 = arith.muli %add3A_101, %mul3A_102 : i32
      %dma_wait3A_104 = tpu.memref_slice %arg6[%mul3A_103] : memref<10112xi32, #tpu.memory_space<vmem>> -> memref<128xi32, #tpu.memory_space<vmem>>
      %dma_wait3A_105 = arith.constant 0 : i32
      %dma_wait3A_106 = tpu.memref_slice %arg8[%dma_wait3A_105] : memref<10112xf32, #tpu.memory_space<vmem_shared>> -> memref<10112xf32, #tpu.memory_space<vmem_shared>>
      tpu.wait_indirect_dma semaphore(%arg9 : memref<!tpu.dma_semaphore, #tpu.memory_space<semaphore_mem>>) src(%arg7 : memref<128xf32, #tpu.memory_space<vmem>>) dst(%dma_wait3A_106 : memref<10112xf32, #tpu.memory_space<vmem_shared>>)
      %mul3A_107 = arith.constant 6 : i32
      %mul3A_108 = arith.muli %scan3A_27, %mul3A_107 : i32
      %add3A_109 = arith.constant 3 : i32
      %add3A_110 = arith.addi %mul3A_108, %add3A_109 : i32
      %mul3A_111 = arith.constant 128 : i32
      %mul3A_112 = arith.muli %add3A_110, %mul3A_111 : i32
      %dma_wait3A_113 = tpu.memref_slice %arg6[%mul3A_112] : memref<10112xi32, #tpu.memory_space<vmem>> -> memref<128xi32, #tpu.memory_space<vmem>>
      %dma_wait3A_114 = arith.constant 0 : i32
      %dma_wait3A_115 = tpu.memref_slice %arg8[%dma_wait3A_114] : memref<10112xf32, #tpu.memory_space<vmem_shared>> -> memref<10112xf32, #tpu.memory_space<vmem_shared>>
      tpu.wait_indirect_dma semaphore(%arg9 : memref<!tpu.dma_semaphore, #tpu.memory_space<semaphore_mem>>) src(%arg7 : memref<128xf32, #tpu.memory_space<vmem>>) dst(%dma_wait3A_115 : memref<10112xf32, #tpu.memory_space<vmem_shared>>)
      %mul3A_116 = arith.constant 6 : i32
      %mul3A_117 = arith.muli %scan3A_27, %mul3A_116 : i32
      %add3A_118 = arith.constant 4 : i32
      %add3A_119 = arith.addi %mul3A_117, %add3A_118 : i32
      %mul3A_120 = arith.constant 128 : i32
      %mul3A_121 = arith.muli %add3A_119, %mul3A_120 : i32
      %dma_wait3A_122 = tpu.memref_slice %arg6[%mul3A_121] : memref<10112xi32, #tpu.memory_space<vmem>> -> memref<128xi32, #tpu.memory_space<vmem>>
      %dma_wait3A_123 = arith.constant 0 : i32
      %dma_wait3A_124 = tpu.memref_slice %arg8[%dma_wait3A_123] : memref<10112xf32, #tpu.memory_space<vmem_shared>> -> memref<10112xf32, #tpu.memory_space<vmem_shared>>
      tpu.wait_indirect_dma semaphore(%arg9 : memref<!tpu.dma_semaphore, #tpu.memory_space<semaphore_mem>>) src(%arg7 : memref<128xf32, #tpu.memory_space<vmem>>) dst(%dma_wait3A_124 : memref<10112xf32, #tpu.memory_space<vmem_shared>>)
      %mul3A_125 = arith.constant 6 : i32
      %mul3A_126 = arith.muli %scan3A_27, %mul3A_125 : i32
      %add3A_127 = arith.constant 5 : i32
      %add3A_128 = arith.addi %mul3A_126, %add3A_127 : i32
      %mul3A_129 = arith.constant 128 : i32
      %mul3A_130 = arith.muli %add3A_128, %mul3A_129 : i32
      %dma_wait3A_131 = tpu.memref_slice %arg6[%mul3A_130] : memref<10112xi32, #tpu.memory_space<vmem>> -> memref<128xi32, #tpu.memory_space<vmem>>
      %dma_wait3A_132 = arith.constant 0 : i32
      %dma_wait3A_133 = tpu.memref_slice %arg8[%dma_wait3A_132] : memref<10112xf32, #tpu.memory_space<vmem_shared>> -> memref<10112xf32, #tpu.memory_space<vmem_shared>>
      tpu.wait_indirect_dma semaphore(%arg9 : memref<!tpu.dma_semaphore, #tpu.memory_space<semaphore_mem>>) src(%arg7 : memref<128xf32, #tpu.memory_space<vmem>>) dst(%dma_wait3A_133 : memref<10112xf32, #tpu.memory_space<vmem_shared>>)
    }
    %scan3A_13 = arith.constant 13 : i32
    %lt3A_14 = arith.constant 4 : i32
    %lt3A_15 = arith.cmpi slt, %add3A, %lt3A_14 : i32
    %convert_element_type3A_16 = arith.extui %lt3A_15 : i1 to i32
    %cond3A_17 = arith.constant 0 : i32
    %cond3A_18 = arith.cmpi ne, %convert_element_type3A_16, %cond3A_17 : i32
    scf.if %cond3A_18 {
      "tpu.region"() ({
        %run_scoped3A_27 = tpu.sem_alloc : memref<!tpu.dma_semaphore, #tpu.memory_space<semaphore_mem>>
        %dma_start3A = arith.constant 9984 : i32
        %dma_start3A_28 = tpu.memref_slice %arg6[%dma_start3A] : memref<10112xi32, #tpu.memory_space<vmem>> -> memref<128xi32, #tpu.memory_space<vmem>>
        %dma_start3A_29 = arith.constant 0 : i32
        %dma_start3A_30 = tpu.memref_slice %arg8[%dma_start3A_29] : memref<10112xf32, #tpu.memory_space<vmem_shared>> -> memref<10112xf32, #tpu.memory_space<vmem_shared>>
        tpu.enqueue_indirect_dma source(%arg7 : memref<128xf32, #tpu.memory_space<vmem>>) target(%dma_start3A_30 : memref<10112xf32, #tpu.memory_space<vmem_shared>>) offsets(%dma_start3A_28 : memref<128xi32, #tpu.memory_space<vmem>>) semaphore(%run_scoped3A_27 : memref<!tpu.dma_semaphore, #tpu.memory_space<semaphore_mem>>) {add = true}
        %dma_wait3A = arith.constant 9984 : i32
        %dma_wait3A_31 = tpu.memref_slice %arg6[%dma_wait3A] : memref<10112xi32, #tpu.memory_space<vmem>> -> memref<128xi32, #tpu.memory_space<vmem>>
        %dma_wait3A_32 = arith.constant 0 : i32
        %dma_wait3A_33 = tpu.memref_slice %arg8[%dma_wait3A_32] : memref<10112xf32, #tpu.memory_space<vmem_shared>> -> memref<10112xf32, #tpu.memory_space<vmem_shared>>
        tpu.wait_indirect_dma semaphore(%run_scoped3A_27 : memref<!tpu.dma_semaphore, #tpu.memory_space<semaphore_mem>>) src(%arg7 : memref<128xf32, #tpu.memory_space<vmem>>) dst(%dma_wait3A_33 : memref<10112xf32, #tpu.memory_space<vmem_shared>>)
        tpu.yield
      }) : () -> ()
    } else {
    }
    %barrier3A_19 = arith.constant 0 : index
    tpu.barrier barrier_id(%barrier3A_19)
    %mul3A_20 = arith.constant 632 : i32
    %mul3A_21 = arith.muli %arg1, %mul3A_20 : i32
    %mul3A_22 = arith.constant 10112 : i32
    %mul3A_23 = arith.muli %arg0, %mul3A_22 : i32
    %mul3A_24 = arith.constant 632 : i32
    %mul3A_25 = arith.muli %arg1, %mul3A_24 : i32
    %add3A_26 = arith.addi %mul3A_23, %mul3A_25 : i32
    "tpu.region"() ({
      %run_scoped3A_27 = tpu.sem_alloc : memref<!tpu.dma_semaphore, #tpu.memory_space<semaphore_mem>>
      %dma_start3A = tpu.memref_slice %arg5[%add3A_26] : memref<20224xf32, #tpu.memory_space<hbm>> -> memref<632xf32, #tpu.memory_space<hbm>>
      %dma_start3A_28 = tpu.memref_slice %arg8[%mul3A_21] : memref<10112xf32, #tpu.memory_space<vmem_shared>> -> memref<632xf32, #tpu.memory_space<vmem_shared>>
      tpu.enqueue_dma source(%dma_start3A_28 : memref<632xf32, #tpu.memory_space<vmem_shared>>) target(%dma_start3A : memref<632xf32, #tpu.memory_space<hbm>>) target_semaphore(%run_scoped3A_27 : memref<!tpu.dma_semaphore, #tpu.memory_space<semaphore_mem>>)
      %dma_wait3A = tpu.memref_slice %arg5[%add3A_26] : memref<20224xf32, #tpu.memory_space<hbm>> -> memref<632xf32, #tpu.memory_space<hbm>>
      %dma_wait3A_29 = tpu.memref_slice %arg8[%mul3A_21] : memref<10112xf32, #tpu.memory_space<vmem_shared>> -> memref<632xf32, #tpu.memory_space<vmem_shared>>
      tpu.wait_dma2 semaphore(%run_scoped3A_27 : memref<!tpu.dma_semaphore, #tpu.memory_space<semaphore_mem>>) src(%dma_wait3A_29 : memref<632xf32, #tpu.memory_space<vmem_shared>>) dst(%dma_wait3A : memref<632xf32, #tpu.memory_space<hbm>>)
      tpu.yield
    }) : () -> ()
    return
  }
}

#map = affine_map<(d0, d1) -> (0, 0)>
#map1 = affine_map<(d0, d1) -> (0)>
module attributes {stable_mosaic.version = 14 : i64} {
  func.func @_prop2g_body(%arg0: i32, %arg1: i32, %arg2: memref<20224x16xf32, #tpu.memory_space<hbm>>, %arg3: memref<2x320000xi32, #tpu.memory_space<hbm>>, %arg4: memref<1024xi32, #tpu.memory_space<hbm>>, %arg5: memref<10112x16xf32, #tpu.memory_space<hbm>>, %arg6: memref<10112x16xf32, #tpu.memory_space<hbm>>, %arg7: memref<3072x16xf32, #tpu.memory_space<hbm>>, %arg8: memref<10112xi32, #tpu.memory_space<vmem>>, %arg9: memref<10112xi32, #tpu.memory_space<vmem>>, %arg10: memref<6x128x16xf32, #tpu.memory_space<vmem>>, %arg11: memref<632x16xf32, #tpu.memory_space<vmem>>, %arg12: memref<632x16xf32, #tpu.memory_space<vmem>>, %arg13: memref<632x16xf32, #tpu.memory_space<vmem>>, %arg14: memref<632x16xf32, #tpu.memory_space<vmem>>, %arg15: memref<128xi32, #tpu.memory_space<vmem>>, %arg16: memref<128x16xf32, #tpu.memory_space<vmem>>, %arg17: memref<10112x16xf32, #tpu.memory_space<vmem_shared>>, %arg18: memref<10112x16xf32, #tpu.memory_space<vmem_shared>>, %arg19: memref<!tpu.dma_semaphore, #tpu.memory_space<semaphore_mem>>, %arg20: memref<!tpu.dma_semaphore, #tpu.memory_space<semaphore_mem>>) attributes {dimension_semantics = [#tpu.dimension_semantics<core_parallel>, #tpu.dimension_semantics<subcore_parallel>], iteration_bounds = array<i64: 2, 16>, scalar_prefetch = 0 : i64, scratch_operands = 13 : i64, tpu.core_type = #tpu.core_type<sc_vector_subcore>, window_params = [{transform_indices = #map}, {transform_indices = #map}, {transform_indices = #map1}, {transform_indices = #map}, {transform_indices = #map}, {transform_indices = #map}]} {
    %mul3A = arith.constant 2 : i32
    %mul3A_0 = arith.muli %arg1, %mul3A : i32
    %add3A = arith.addi %mul3A_0, %arg0 : i32
    %mul3A_1 = arith.constant 9984 : i32
    %mul3A_2 = arith.muli %add3A, %mul3A_1 : i32
    %run_scoped3A = arith.constant 0 : i32
    "tpu.region"() ({
      %run_scoped3A_106 = tpu.sem_alloc : memref<!tpu.dma_semaphore, #tpu.memory_space<semaphore_mem>>
      %dma_start3A_107 = arith.constant 0 : i32
      %dma_start3A_108 = tpu.memref_slice %arg8[%dma_start3A_107] : memref<10112xi32, #tpu.memory_space<vmem>> -> memref<9984xi32, #tpu.memory_space<vmem>>
      %dma_start3A_109 = tpu.memref_slice %arg3[%run_scoped3A, %mul3A_2] : memref<2x320000xi32, #tpu.memory_space<hbm>> -> memref<1x9984xi32, #tpu.memory_space<hbm>>
      %dma_start3A_110 = tpu.memref_squeeze %dma_start3A_109 : memref<1x9984xi32, #tpu.memory_space<hbm>> -> memref<9984xi32, #tpu.memory_space<hbm>>
      %dma_start3A_111 = arith.constant 0 : i32
      %dma_start3A_112 = tpu.memref_slice %arg8[%dma_start3A_111] : memref<10112xi32, #tpu.memory_space<vmem>> -> memref<9984xi32, #tpu.memory_space<vmem>>
      %dma_start3A_113 = tpu.memref_slice %arg3[%run_scoped3A, %mul3A_2] : memref<2x320000xi32, #tpu.memory_space<hbm>> -> memref<1x9984xi32, #tpu.memory_space<hbm>>
      %dma_start3A_114 = tpu.memref_squeeze %dma_start3A_113 : memref<1x9984xi32, #tpu.memory_space<hbm>> -> memref<9984xi32, #tpu.memory_space<hbm>>
      tpu.enqueue_dma source(%dma_start3A_114 : memref<9984xi32, #tpu.memory_space<hbm>>) target(%dma_start3A_112 : memref<9984xi32, #tpu.memory_space<vmem>>) target_semaphore(%run_scoped3A_106 : memref<!tpu.dma_semaphore, #tpu.memory_space<semaphore_mem>>)
      %dma_wait3A_115 = arith.constant 0 : i32
      %dma_wait3A_116 = tpu.memref_slice %arg8[%dma_wait3A_115] : memref<10112xi32, #tpu.memory_space<vmem>> -> memref<9984xi32, #tpu.memory_space<vmem>>
      %dma_wait3A_117 = tpu.memref_slice %arg3[%run_scoped3A, %mul3A_2] : memref<2x320000xi32, #tpu.memory_space<hbm>> -> memref<1x9984xi32, #tpu.memory_space<hbm>>
      %dma_wait3A_118 = tpu.memref_squeeze %dma_wait3A_117 : memref<1x9984xi32, #tpu.memory_space<hbm>> -> memref<9984xi32, #tpu.memory_space<hbm>>
      %dma_wait3A_119 = arith.constant 0 : i32
      %dma_wait3A_120 = tpu.memref_slice %arg8[%dma_wait3A_119] : memref<10112xi32, #tpu.memory_space<vmem>> -> memref<9984xi32, #tpu.memory_space<vmem>>
      %dma_wait3A_121 = tpu.memref_slice %arg3[%run_scoped3A, %mul3A_2] : memref<2x320000xi32, #tpu.memory_space<hbm>> -> memref<1x9984xi32, #tpu.memory_space<hbm>>
      %dma_wait3A_122 = tpu.memref_squeeze %dma_wait3A_121 : memref<1x9984xi32, #tpu.memory_space<hbm>> -> memref<9984xi32, #tpu.memory_space<hbm>>
      tpu.wait_dma2 semaphore(%run_scoped3A_106 : memref<!tpu.dma_semaphore, #tpu.memory_space<semaphore_mem>>) src(%dma_wait3A_122 : memref<9984xi32, #tpu.memory_space<hbm>>) dst(%dma_wait3A_120 : memref<9984xi32, #tpu.memory_space<vmem>>)
      tpu.yield
    }) : () -> ()
    %lt3A = arith.constant 4 : i32
    %lt3A_3 = arith.cmpi slt, %add3A, %lt3A : i32
    %convert_element_type3A = arith.extui %lt3A_3 : i1 to i32
    %cond3A = arith.constant 0 : i32
    %cond3A_4 = arith.cmpi ne, %convert_element_type3A, %cond3A : i32
    scf.if %cond3A_4 {
      %mul3A_106 = arith.constant 128 : i32
      %mul3A_107 = arith.muli %add3A, %mul3A_106 : i32
      %add3A_108 = arith.constant 319488 : i32
      %add3A_109 = arith.addi %add3A_108, %mul3A_107 : i32
      %run_scoped3A_110 = arith.constant 0 : i32
      "tpu.region"() ({
        %run_scoped3A_111 = tpu.sem_alloc : memref<!tpu.dma_semaphore, #tpu.memory_space<semaphore_mem>>
        %dma_start3A_112 = arith.constant 9984 : i32
        %dma_start3A_113 = tpu.memref_slice %arg8[%dma_start3A_112] : memref<10112xi32, #tpu.memory_space<vmem>> -> memref<128xi32, #tpu.memory_space<vmem>>
        %dma_start3A_114 = tpu.memref_slice %arg3[%run_scoped3A_110, %add3A_109] : memref<2x320000xi32, #tpu.memory_space<hbm>> -> memref<1x128xi32, #tpu.memory_space<hbm>>
        %dma_start3A_115 = tpu.memref_squeeze %dma_start3A_114 : memref<1x128xi32, #tpu.memory_space<hbm>> -> memref<128xi32, #tpu.memory_space<hbm>>
        %dma_start3A_116 = arith.constant 9984 : i32
        %dma_start3A_117 = tpu.memref_slice %arg8[%dma_start3A_116] : memref<10112xi32, #tpu.memory_space<vmem>> -> memref<128xi32, #tpu.memory_space<vmem>>
        %dma_start3A_118 = tpu.memref_slice %arg3[%run_scoped3A_110, %add3A_109] : memref<2x320000xi32, #tpu.memory_space<hbm>> -> memref<1x128xi32, #tpu.memory_space<hbm>>
        %dma_start3A_119 = tpu.memref_squeeze %dma_start3A_118 : memref<1x128xi32, #tpu.memory_space<hbm>> -> memref<128xi32, #tpu.memory_space<hbm>>
        tpu.enqueue_dma source(%dma_start3A_119 : memref<128xi32, #tpu.memory_space<hbm>>) target(%dma_start3A_117 : memref<128xi32, #tpu.memory_space<vmem>>) target_semaphore(%run_scoped3A_111 : memref<!tpu.dma_semaphore, #tpu.memory_space<semaphore_mem>>)
        %dma_wait3A_120 = arith.constant 9984 : i32
        %dma_wait3A_121 = tpu.memref_slice %arg8[%dma_wait3A_120] : memref<10112xi32, #tpu.memory_space<vmem>> -> memref<128xi32, #tpu.memory_space<vmem>>
        %dma_wait3A_122 = tpu.memref_slice %arg3[%run_scoped3A_110, %add3A_109] : memref<2x320000xi32, #tpu.memory_space<hbm>> -> memref<1x128xi32, #tpu.memory_space<hbm>>
        %dma_wait3A_123 = tpu.memref_squeeze %dma_wait3A_122 : memref<1x128xi32, #tpu.memory_space<hbm>> -> memref<128xi32, #tpu.memory_space<hbm>>
        %dma_wait3A_124 = arith.constant 9984 : i32
        %dma_wait3A_125 = tpu.memref_slice %arg8[%dma_wait3A_124] : memref<10112xi32, #tpu.memory_space<vmem>> -> memref<128xi32, #tpu.memory_space<vmem>>
        %dma_wait3A_126 = tpu.memref_slice %arg3[%run_scoped3A_110, %add3A_109] : memref<2x320000xi32, #tpu.memory_space<hbm>> -> memref<1x128xi32, #tpu.memory_space<hbm>>
        %dma_wait3A_127 = tpu.memref_squeeze %dma_wait3A_126 : memref<1x128xi32, #tpu.memory_space<hbm>> -> memref<128xi32, #tpu.memory_space<hbm>>
        tpu.wait_dma2 semaphore(%run_scoped3A_111 : memref<!tpu.dma_semaphore, #tpu.memory_space<semaphore_mem>>) src(%dma_wait3A_127 : memref<128xi32, #tpu.memory_space<hbm>>) dst(%dma_wait3A_125 : memref<128xi32, #tpu.memory_space<vmem>>)
        tpu.yield
      }) : () -> ()
    } else {
    }
    %mul3A_5 = arith.constant 9984 : i32
    %mul3A_6 = arith.muli %add3A, %mul3A_5 : i32
    %run_scoped3A_7 = arith.constant 1 : i32
    "tpu.region"() ({
      %run_scoped3A_106 = tpu.sem_alloc : memref<!tpu.dma_semaphore, #tpu.memory_space<semaphore_mem>>
      %dma_start3A_107 = arith.constant 0 : i32
      %dma_start3A_108 = tpu.memref_slice %arg9[%dma_start3A_107] : memref<10112xi32, #tpu.memory_space<vmem>> -> memref<9984xi32, #tpu.memory_space<vmem>>
      %dma_start3A_109 = tpu.memref_slice %arg3[%run_scoped3A_7, %mul3A_6] : memref<2x320000xi32, #tpu.memory_space<hbm>> -> memref<1x9984xi32, #tpu.memory_space<hbm>>
      %dma_start3A_110 = tpu.memref_squeeze %dma_start3A_109 : memref<1x9984xi32, #tpu.memory_space<hbm>> -> memref<9984xi32, #tpu.memory_space<hbm>>
      %dma_start3A_111 = arith.constant 0 : i32
      %dma_start3A_112 = tpu.memref_slice %arg9[%dma_start3A_111] : memref<10112xi32, #tpu.memory_space<vmem>> -> memref<9984xi32, #tpu.memory_space<vmem>>
      %dma_start3A_113 = tpu.memref_slice %arg3[%run_scoped3A_7, %mul3A_6] : memref<2x320000xi32, #tpu.memory_space<hbm>> -> memref<1x9984xi32, #tpu.memory_space<hbm>>
      %dma_start3A_114 = tpu.memref_squeeze %dma_start3A_113 : memref<1x9984xi32, #tpu.memory_space<hbm>> -> memref<9984xi32, #tpu.memory_space<hbm>>
      tpu.enqueue_dma source(%dma_start3A_114 : memref<9984xi32, #tpu.memory_space<hbm>>) target(%dma_start3A_112 : memref<9984xi32, #tpu.memory_space<vmem>>) target_semaphore(%run_scoped3A_106 : memref<!tpu.dma_semaphore, #tpu.memory_space<semaphore_mem>>)
      %dma_wait3A_115 = arith.constant 0 : i32
      %dma_wait3A_116 = tpu.memref_slice %arg9[%dma_wait3A_115] : memref<10112xi32, #tpu.memory_space<vmem>> -> memref<9984xi32, #tpu.memory_space<vmem>>
      %dma_wait3A_117 = tpu.memref_slice %arg3[%run_scoped3A_7, %mul3A_6] : memref<2x320000xi32, #tpu.memory_space<hbm>> -> memref<1x9984xi32, #tpu.memory_space<hbm>>
      %dma_wait3A_118 = tpu.memref_squeeze %dma_wait3A_117 : memref<1x9984xi32, #tpu.memory_space<hbm>> -> memref<9984xi32, #tpu.memory_space<hbm>>
      %dma_wait3A_119 = arith.constant 0 : i32
      %dma_wait3A_120 = tpu.memref_slice %arg9[%dma_wait3A_119] : memref<10112xi32, #tpu.memory_space<vmem>> -> memref<9984xi32, #tpu.memory_space<vmem>>
      %dma_wait3A_121 = tpu.memref_slice %arg3[%run_scoped3A_7, %mul3A_6] : memref<2x320000xi32, #tpu.memory_space<hbm>> -> memref<1x9984xi32, #tpu.memory_space<hbm>>
      %dma_wait3A_122 = tpu.memref_squeeze %dma_wait3A_121 : memref<1x9984xi32, #tpu.memory_space<hbm>> -> memref<9984xi32, #tpu.memory_space<hbm>>
      tpu.wait_dma2 semaphore(%run_scoped3A_106 : memref<!tpu.dma_semaphore, #tpu.memory_space<semaphore_mem>>) src(%dma_wait3A_122 : memref<9984xi32, #tpu.memory_space<hbm>>) dst(%dma_wait3A_120 : memref<9984xi32, #tpu.memory_space<vmem>>)
      tpu.yield
    }) : () -> ()
    %lt3A_8 = arith.constant 4 : i32
    %lt3A_9 = arith.cmpi slt, %add3A, %lt3A_8 : i32
    %convert_element_type3A_10 = arith.extui %lt3A_9 : i1 to i32
    %cond3A_11 = arith.constant 0 : i32
    %cond3A_12 = arith.cmpi ne, %convert_element_type3A_10, %cond3A_11 : i32
    scf.if %cond3A_12 {
      %mul3A_106 = arith.constant 128 : i32
      %mul3A_107 = arith.muli %add3A, %mul3A_106 : i32
      %add3A_108 = arith.constant 319488 : i32
      %add3A_109 = arith.addi %add3A_108, %mul3A_107 : i32
      %run_scoped3A_110 = arith.constant 1 : i32
      "tpu.region"() ({
        %run_scoped3A_111 = tpu.sem_alloc : memref<!tpu.dma_semaphore, #tpu.memory_space<semaphore_mem>>
        %dma_start3A_112 = arith.constant 9984 : i32
        %dma_start3A_113 = tpu.memref_slice %arg9[%dma_start3A_112] : memref<10112xi32, #tpu.memory_space<vmem>> -> memref<128xi32, #tpu.memory_space<vmem>>
        %dma_start3A_114 = tpu.memref_slice %arg3[%run_scoped3A_110, %add3A_109] : memref<2x320000xi32, #tpu.memory_space<hbm>> -> memref<1x128xi32, #tpu.memory_space<hbm>>
        %dma_start3A_115 = tpu.memref_squeeze %dma_start3A_114 : memref<1x128xi32, #tpu.memory_space<hbm>> -> memref<128xi32, #tpu.memory_space<hbm>>
        %dma_start3A_116 = arith.constant 9984 : i32
        %dma_start3A_117 = tpu.memref_slice %arg9[%dma_start3A_116] : memref<10112xi32, #tpu.memory_space<vmem>> -> memref<128xi32, #tpu.memory_space<vmem>>
        %dma_start3A_118 = tpu.memref_slice %arg3[%run_scoped3A_110, %add3A_109] : memref<2x320000xi32, #tpu.memory_space<hbm>> -> memref<1x128xi32, #tpu.memory_space<hbm>>
        %dma_start3A_119 = tpu.memref_squeeze %dma_start3A_118 : memref<1x128xi32, #tpu.memory_space<hbm>> -> memref<128xi32, #tpu.memory_space<hbm>>
        tpu.enqueue_dma source(%dma_start3A_119 : memref<128xi32, #tpu.memory_space<hbm>>) target(%dma_start3A_117 : memref<128xi32, #tpu.memory_space<vmem>>) target_semaphore(%run_scoped3A_111 : memref<!tpu.dma_semaphore, #tpu.memory_space<semaphore_mem>>)
        %dma_wait3A_120 = arith.constant 9984 : i32
        %dma_wait3A_121 = tpu.memref_slice %arg9[%dma_wait3A_120] : memref<10112xi32, #tpu.memory_space<vmem>> -> memref<128xi32, #tpu.memory_space<vmem>>
        %dma_wait3A_122 = tpu.memref_slice %arg3[%run_scoped3A_110, %add3A_109] : memref<2x320000xi32, #tpu.memory_space<hbm>> -> memref<1x128xi32, #tpu.memory_space<hbm>>
        %dma_wait3A_123 = tpu.memref_squeeze %dma_wait3A_122 : memref<1x128xi32, #tpu.memory_space<hbm>> -> memref<128xi32, #tpu.memory_space<hbm>>
        %dma_wait3A_124 = arith.constant 9984 : i32
        %dma_wait3A_125 = tpu.memref_slice %arg9[%dma_wait3A_124] : memref<10112xi32, #tpu.memory_space<vmem>> -> memref<128xi32, #tpu.memory_space<vmem>>
        %dma_wait3A_126 = tpu.memref_slice %arg3[%run_scoped3A_110, %add3A_109] : memref<2x320000xi32, #tpu.memory_space<hbm>> -> memref<1x128xi32, #tpu.memory_space<hbm>>
        %dma_wait3A_127 = tpu.memref_squeeze %dma_wait3A_126 : memref<1x128xi32, #tpu.memory_space<hbm>> -> memref<128xi32, #tpu.memory_space<hbm>>
        tpu.wait_dma2 semaphore(%run_scoped3A_111 : memref<!tpu.dma_semaphore, #tpu.memory_space<semaphore_mem>>) src(%dma_wait3A_127 : memref<128xi32, #tpu.memory_space<hbm>>) dst(%dma_wait3A_125 : memref<128xi32, #tpu.memory_space<vmem>>)
        tpu.yield
      }) : () -> ()
    } else {
    }
    %mul3A_13 = arith.constant 632 : i32
    %mul3A_14 = arith.muli %arg1, %mul3A_13 : i32
    %mul3A_15 = arith.constant 632 : i32
    %mul3A_16 = arith.muli %arg1, %mul3A_15 : i32
    "tpu.region"() ({
      %run_scoped3A_106 = tpu.sem_alloc : memref<!tpu.dma_semaphore, #tpu.memory_space<semaphore_mem>>
      %dma_start3A_107 = arith.constant 0 : i32
      %dma_start3A_108 = tpu.memref_slice %arg18[%mul3A_16, %dma_start3A_107] : memref<10112x16xf32, #tpu.memory_space<vmem_shared>> -> memref<632x16xf32, #tpu.memory_space<vmem_shared>>
      %dma_start3A_109 = arith.constant 0 : i32
      %dma_start3A_110 = tpu.memref_slice %arg6[%mul3A_14, %dma_start3A_109] : memref<10112x16xf32, #tpu.memory_space<hbm>> -> memref<632x16xf32, #tpu.memory_space<hbm>>
      tpu.enqueue_dma source(%dma_start3A_110 : memref<632x16xf32, #tpu.memory_space<hbm>>) target(%dma_start3A_108 : memref<632x16xf32, #tpu.memory_space<vmem_shared>>) target_semaphore(%run_scoped3A_106 : memref<!tpu.dma_semaphore, #tpu.memory_space<semaphore_mem>>)
      %dma_wait3A_111 = arith.constant 0 : i32
      %dma_wait3A_112 = tpu.memref_slice %arg18[%mul3A_16, %dma_wait3A_111] : memref<10112x16xf32, #tpu.memory_space<vmem_shared>> -> memref<632x16xf32, #tpu.memory_space<vmem_shared>>
      %dma_wait3A_113 = arith.constant 0 : i32
      %dma_wait3A_114 = tpu.memref_slice %arg6[%mul3A_14, %dma_wait3A_113] : memref<10112x16xf32, #tpu.memory_space<hbm>> -> memref<632x16xf32, #tpu.memory_space<hbm>>
      tpu.wait_dma2 semaphore(%run_scoped3A_106 : memref<!tpu.dma_semaphore, #tpu.memory_space<semaphore_mem>>) src(%dma_wait3A_114 : memref<632x16xf32, #tpu.memory_space<hbm>>) dst(%dma_wait3A_112 : memref<632x16xf32, #tpu.memory_space<vmem_shared>>)
      tpu.yield
    }) : () -> ()
    %mul3A_17 = arith.constant 632 : i32
    %mul3A_18 = arith.muli %arg1, %mul3A_17 : i32
    "tpu.region"() ({
      %run_scoped3A_106 = tpu.sem_alloc : memref<!tpu.dma_semaphore, #tpu.memory_space<semaphore_mem>>
      %dma_start3A_107 = arith.constant 0 : i32
      %dma_start3A_108 = tpu.memref_slice %arg2[%mul3A_18, %dma_start3A_107] : memref<20224x16xf32, #tpu.memory_space<hbm>> -> memref<632x16xf32, #tpu.memory_space<hbm>>
      %dma_start3A_109 = arith.constant 0 : i32
      %dma_start3A_110 = tpu.memref_slice %arg2[%mul3A_18, %dma_start3A_109] : memref<20224x16xf32, #tpu.memory_space<hbm>> -> memref<632x16xf32, #tpu.memory_space<hbm>>
      tpu.enqueue_dma source(%dma_start3A_110 : memref<632x16xf32, #tpu.memory_space<hbm>>) target(%arg11 : memref<632x16xf32, #tpu.memory_space<vmem>>) target_semaphore(%run_scoped3A_106 : memref<!tpu.dma_semaphore, #tpu.memory_space<semaphore_mem>>)
      %dma_wait3A_111 = arith.constant 0 : i32
      %dma_wait3A_112 = tpu.memref_slice %arg2[%mul3A_18, %dma_wait3A_111] : memref<20224x16xf32, #tpu.memory_space<hbm>> -> memref<632x16xf32, #tpu.memory_space<hbm>>
      %dma_wait3A_113 = arith.constant 0 : i32
      %dma_wait3A_114 = tpu.memref_slice %arg2[%mul3A_18, %dma_wait3A_113] : memref<20224x16xf32, #tpu.memory_space<hbm>> -> memref<632x16xf32, #tpu.memory_space<hbm>>
      tpu.wait_dma2 semaphore(%run_scoped3A_106 : memref<!tpu.dma_semaphore, #tpu.memory_space<semaphore_mem>>) src(%dma_wait3A_114 : memref<632x16xf32, #tpu.memory_space<hbm>>) dst(%arg11 : memref<632x16xf32, #tpu.memory_space<vmem>>)
      tpu.yield
    }) : () -> ()
    %add3A_19 = arith.constant 10112 : i32
    %add3A_20 = arith.addi %add3A_19, %mul3A_18 : i32
    "tpu.region"() ({
      %run_scoped3A_106 = tpu.sem_alloc : memref<!tpu.dma_semaphore, #tpu.memory_space<semaphore_mem>>
      %dma_start3A_107 = arith.constant 0 : i32
      %dma_start3A_108 = tpu.memref_slice %arg2[%add3A_20, %dma_start3A_107] : memref<20224x16xf32, #tpu.memory_space<hbm>> -> memref<632x16xf32, #tpu.memory_space<hbm>>
      %dma_start3A_109 = arith.constant 0 : i32
      %dma_start3A_110 = tpu.memref_slice %arg2[%add3A_20, %dma_start3A_109] : memref<20224x16xf32, #tpu.memory_space<hbm>> -> memref<632x16xf32, #tpu.memory_space<hbm>>
      tpu.enqueue_dma source(%dma_start3A_110 : memref<632x16xf32, #tpu.memory_space<hbm>>) target(%arg12 : memref<632x16xf32, #tpu.memory_space<vmem>>) target_semaphore(%run_scoped3A_106 : memref<!tpu.dma_semaphore, #tpu.memory_space<semaphore_mem>>)
      %dma_wait3A_111 = arith.constant 0 : i32
      %dma_wait3A_112 = tpu.memref_slice %arg2[%add3A_20, %dma_wait3A_111] : memref<20224x16xf32, #tpu.memory_space<hbm>> -> memref<632x16xf32, #tpu.memory_space<hbm>>
      %dma_wait3A_113 = arith.constant 0 : i32
      %dma_wait3A_114 = tpu.memref_slice %arg2[%add3A_20, %dma_wait3A_113] : memref<20224x16xf32, #tpu.memory_space<hbm>> -> memref<632x16xf32, #tpu.memory_space<hbm>>
      tpu.wait_dma2 semaphore(%run_scoped3A_106 : memref<!tpu.dma_semaphore, #tpu.memory_space<semaphore_mem>>) src(%dma_wait3A_114 : memref<632x16xf32, #tpu.memory_space<hbm>>) dst(%arg12 : memref<632x16xf32, #tpu.memory_space<vmem>>)
      tpu.yield
    }) : () -> ()
    "tpu.region"() ({
      %run_scoped3A_106 = tpu.sem_alloc : memref<!tpu.dma_semaphore, #tpu.memory_space<semaphore_mem>>
      %dma_start3A_107 = arith.constant 0 : i32
      %dma_start3A_108 = tpu.memref_slice %arg5[%mul3A_18, %dma_start3A_107] : memref<10112x16xf32, #tpu.memory_space<hbm>> -> memref<632x16xf32, #tpu.memory_space<hbm>>
      %dma_start3A_109 = arith.constant 0 : i32
      %dma_start3A_110 = tpu.memref_slice %arg5[%mul3A_18, %dma_start3A_109] : memref<10112x16xf32, #tpu.memory_space<hbm>> -> memref<632x16xf32, #tpu.memory_space<hbm>>
      tpu.enqueue_dma source(%dma_start3A_110 : memref<632x16xf32, #tpu.memory_space<hbm>>) target(%arg13 : memref<632x16xf32, #tpu.memory_space<vmem>>) target_semaphore(%run_scoped3A_106 : memref<!tpu.dma_semaphore, #tpu.memory_space<semaphore_mem>>)
      %dma_wait3A_111 = arith.constant 0 : i32
      %dma_wait3A_112 = tpu.memref_slice %arg5[%mul3A_18, %dma_wait3A_111] : memref<10112x16xf32, #tpu.memory_space<hbm>> -> memref<632x16xf32, #tpu.memory_space<hbm>>
      %dma_wait3A_113 = arith.constant 0 : i32
      %dma_wait3A_114 = tpu.memref_slice %arg5[%mul3A_18, %dma_wait3A_113] : memref<10112x16xf32, #tpu.memory_space<hbm>> -> memref<632x16xf32, #tpu.memory_space<hbm>>
      tpu.wait_dma2 semaphore(%run_scoped3A_106 : memref<!tpu.dma_semaphore, #tpu.memory_space<semaphore_mem>>) src(%dma_wait3A_114 : memref<632x16xf32, #tpu.memory_space<hbm>>) dst(%arg13 : memref<632x16xf32, #tpu.memory_space<vmem>>)
      tpu.yield
    }) : () -> ()
    %scan3A = arith.constant 0 : i32
    %scan3A_21 = arith.constant 0 : i32
    %scan3A_22 = arith.constant 632 : i32
    %scan3A_23 = arith.addi %scan3A_21, %scan3A_22 : i32
    %scan3A_24 = arith.constant 1 : i32
    scf.for %scan3A_106 = %scan3A_21 to %scan3A_23 step %scan3A_24  : i32 {
      %get3A = arith.index_cast %scan3A_106 : i32 to index
      %get3A_107 = arith.constant 0 : index
      %get3A_108 = tpu.vector_load %arg11[%get3A, %get3A_107] {strides = array<i32>} : memref<632x16xf32, #tpu.memory_space<vmem>>, vector<1x16xf32>,
      %get3A_109 = vector.shape_cast %get3A_108 : vector<1x16xf32> to vector<16xf32>
      %get3A_110 = arith.index_cast %scan3A_106 : i32 to index
      %get3A_111 = arith.constant 0 : index
      %get3A_112 = tpu.vector_load %arg12[%get3A_110, %get3A_111] {strides = array<i32>} : memref<632x16xf32, #tpu.memory_space<vmem>>, vector<1x16xf32>,
      %get3A_113 = vector.shape_cast %get3A_112 : vector<1x16xf32> to vector<16xf32>
      %add3A_114 = arith.addf %get3A_109, %get3A_113 : vector<16xf32>
      %get3A_115 = arith.index_cast %scan3A_106 : i32 to index
      %get3A_116 = arith.constant 0 : index
      %get3A_117 = tpu.vector_load %arg13[%get3A_115, %get3A_116] {strides = array<i32>} : memref<632x16xf32, #tpu.memory_space<vmem>>, vector<1x16xf32>,
      %get3A_118 = vector.shape_cast %get3A_117 : vector<1x16xf32> to vector<16xf32>
      %mul3A_119 = arith.mulf %add3A_114, %get3A_118 : vector<16xf32>
      %max3A = arith.constant 0.000000e+00 : f32
      %max3A_120 = vector.broadcast %max3A : f32 to vector<16xf32>
      %max3A_121 = arith.maximumf %mul3A_119, %max3A_120 : vector<16xf32>
      %get3A_122 = arith.index_cast %scan3A_106 : i32 to index
      %get3A_123 = arith.constant 0 : index
      %get3A_124 = tpu.vector_load %arg13[%get3A_122, %get3A_123] {strides = array<i32>} : memref<632x16xf32, #tpu.memory_space<vmem>>, vector<1x16xf32>,
      %get3A_125 = vector.shape_cast %get3A_124 : vector<1x16xf32> to vector<16xf32>
      %mul3A_126 = arith.mulf %max3A_121, %get3A_125 : vector<16xf32>
      %swap3A = arith.index_cast %scan3A_106 : i32 to index
      %swap3A_127 = arith.constant 0 : index
      %swap3A_128 = tpu.vector_load %arg14[%swap3A, %swap3A_127] {strides = array<i32>} : memref<632x16xf32, #tpu.memory_space<vmem>>, vector<1x16xf32>,
      %swap3A_129 = vector.shape_cast %swap3A_128 : vector<1x16xf32> to vector<16xf32>
      %swap3A_130 = vector.shape_cast %mul3A_126 : vector<16xf32> to vector<1x16xf32>
      tpu.vector_store %arg14[%swap3A, %swap3A_127], %swap3A_130 {strides = array<i32>} : memref<632x16xf32, #tpu.memory_space<vmem>>, vector<1x16xf32>,
    }
    %scan3A_25 = arith.constant 632 : i32
    "tpu.region"() ({
      %run_scoped3A_106 = tpu.sem_alloc : memref<!tpu.dma_semaphore, #tpu.memory_space<semaphore_mem>>
      %dma_start3A_107 = arith.constant 0 : i32
      %dma_start3A_108 = tpu.memref_slice %arg17[%mul3A_18, %dma_start3A_107] : memref<10112x16xf32, #tpu.memory_space<vmem_shared>> -> memref<632x16xf32, #tpu.memory_space<vmem_shared>>
      %dma_start3A_109 = arith.constant 0 : i32
      %dma_start3A_110 = tpu.memref_slice %arg17[%mul3A_18, %dma_start3A_109] : memref<10112x16xf32, #tpu.memory_space<vmem_shared>> -> memref<632x16xf32, #tpu.memory_space<vmem_shared>>
      tpu.enqueue_dma source(%arg14 : memref<632x16xf32, #tpu.memory_space<vmem>>) target(%dma_start3A_110 : memref<632x16xf32, #tpu.memory_space<vmem_shared>>) target_semaphore(%run_scoped3A_106 : memref<!tpu.dma_semaphore, #tpu.memory_space<semaphore_mem>>)
      %dma_wait3A_111 = arith.constant 0 : i32
      %dma_wait3A_112 = tpu.memref_slice %arg17[%mul3A_18, %dma_wait3A_111] : memref<10112x16xf32, #tpu.memory_space<vmem_shared>> -> memref<632x16xf32, #tpu.memory_space<vmem_shared>>
      %dma_wait3A_113 = arith.constant 0 : i32
      %dma_wait3A_114 = tpu.memref_slice %arg17[%mul3A_18, %dma_wait3A_113] : memref<10112x16xf32, #tpu.memory_space<vmem_shared>> -> memref<632x16xf32, #tpu.memory_space<vmem_shared>>
      tpu.wait_dma2 semaphore(%run_scoped3A_106 : memref<!tpu.dma_semaphore, #tpu.memory_space<semaphore_mem>>) src(%arg14 : memref<632x16xf32, #tpu.memory_space<vmem>>) dst(%dma_wait3A_114 : memref<632x16xf32, #tpu.memory_space<vmem_shared>>)
      tpu.yield
    }) : () -> ()
    %barrier3A = arith.constant 0 : index
    tpu.barrier barrier_id(%barrier3A)
    %dma_start3A = arith.constant 0 : i32
    %dma_start3A_26 = arith.constant 0 : i32
    %dma_start3A_27 = arith.constant 0 : i32
    %dma_start3A_28 = tpu.memref_slice %arg10[%dma_start3A, %dma_start3A_26, %dma_start3A_27] : memref<6x128x16xf32, #tpu.memory_space<vmem>> -> memref<1x128x16xf32, #tpu.memory_space<vmem>>
    %dma_start3A_29 = tpu.memref_squeeze %dma_start3A_28 : memref<1x128x16xf32, #tpu.memory_space<vmem>> -> memref<128x16xf32, #tpu.memory_space<vmem>>
    %dma_start3A_30 = arith.constant 0 : i32
    %dma_start3A_31 = tpu.memref_slice %arg8[%dma_start3A_30] : memref<10112xi32, #tpu.memory_space<vmem>> -> memref<128xi32, #tpu.memory_space<vmem>>
    %dma_start3A_32 = arith.constant 0 : i32
    %dma_start3A_33 = arith.constant 0 : i32
    %dma_start3A_34 = tpu.memref_slice %arg17[%dma_start3A_32, %dma_start3A_33] : memref<10112x16xf32, #tpu.memory_space<vmem_shared>> -> memref<10112x16xf32, #tpu.memory_space<vmem_shared>>
    tpu.enqueue_indirect_dma source(%dma_start3A_34 : memref<10112x16xf32, #tpu.memory_space<vmem_shared>>) target(%dma_start3A_29 : memref<128x16xf32, #tpu.memory_space<vmem>>) offsets(%dma_start3A_31 : memref<128xi32, #tpu.memory_space<vmem>>) semaphore(%arg19 : memref<!tpu.dma_semaphore, #tpu.memory_space<semaphore_mem>>)
    %dma_start3A_35 = arith.constant 1 : i32
    %dma_start3A_36 = arith.constant 0 : i32
    %dma_start3A_37 = arith.constant 0 : i32
    %dma_start3A_38 = tpu.memref_slice %arg10[%dma_start3A_35, %dma_start3A_36, %dma_start3A_37] : memref<6x128x16xf32, #tpu.memory_space<vmem>> -> memref<1x128x16xf32, #tpu.memory_space<vmem>>
    %dma_start3A_39 = tpu.memref_squeeze %dma_start3A_38 : memref<1x128x16xf32, #tpu.memory_space<vmem>> -> memref<128x16xf32, #tpu.memory_space<vmem>>
    %dma_start3A_40 = arith.constant 128 : i32
    %dma_start3A_41 = tpu.memref_slice %arg8[%dma_start3A_40] : memref<10112xi32, #tpu.memory_space<vmem>> -> memref<128xi32, #tpu.memory_space<vmem>>
    %dma_start3A_42 = arith.constant 0 : i32
    %dma_start3A_43 = arith.constant 0 : i32
    %dma_start3A_44 = tpu.memref_slice %arg17[%dma_start3A_42, %dma_start3A_43] : memref<10112x16xf32, #tpu.memory_space<vmem_shared>> -> memref<10112x16xf32, #tpu.memory_space<vmem_shared>>
    tpu.enqueue_indirect_dma source(%dma_start3A_44 : memref<10112x16xf32, #tpu.memory_space<vmem_shared>>) target(%dma_start3A_39 : memref<128x16xf32, #tpu.memory_space<vmem>>) offsets(%dma_start3A_41 : memref<128xi32, #tpu.memory_space<vmem>>) semaphore(%arg19 : memref<!tpu.dma_semaphore, #tpu.memory_space<semaphore_mem>>)
    %dma_start3A_45 = arith.constant 2 : i32
    %dma_start3A_46 = arith.constant 0 : i32
    %dma_start3A_47 = arith.constant 0 : i32
    %dma_start3A_48 = tpu.memref_slice %arg10[%dma_start3A_45, %dma_start3A_46, %dma_start3A_47] : memref<6x128x16xf32, #tpu.memory_space<vmem>> -> memref<1x128x16xf32, #tpu.memory_space<vmem>>
    %dma_start3A_49 = tpu.memref_squeeze %dma_start3A_48 : memref<1x128x16xf32, #tpu.memory_space<vmem>> -> memref<128x16xf32, #tpu.memory_space<vmem>>
    %dma_start3A_50 = arith.constant 256 : i32
    %dma_start3A_51 = tpu.memref_slice %arg8[%dma_start3A_50] : memref<10112xi32, #tpu.memory_space<vmem>> -> memref<128xi32, #tpu.memory_space<vmem>>
    %dma_start3A_52 = arith.constant 0 : i32
    %dma_start3A_53 = arith.constant 0 : i32
    %dma_start3A_54 = tpu.memref_slice %arg17[%dma_start3A_52, %dma_start3A_53] : memref<10112x16xf32, #tpu.memory_space<vmem_shared>> -> memref<10112x16xf32, #tpu.memory_space<vmem_shared>>
    tpu.enqueue_indirect_dma source(%dma_start3A_54 : memref<10112x16xf32, #tpu.memory_space<vmem_shared>>) target(%dma_start3A_49 : memref<128x16xf32, #tpu.memory_space<vmem>>) offsets(%dma_start3A_51 : memref<128xi32, #tpu.memory_space<vmem>>) semaphore(%arg19 : memref<!tpu.dma_semaphore, #tpu.memory_space<semaphore_mem>>)
    %scan3A_55 = arith.constant 0 : i32
    %scan3A_56 = arith.constant 0 : i32
    %scan3A_57 = arith.constant 13 : i32
    %scan3A_58 = arith.addi %scan3A_56, %scan3A_57 : i32
    %scan3A_59 = arith.constant 1 : i32
    scf.for %scan3A_106 = %scan3A_56 to %scan3A_58 step %scan3A_59  : i32 {
      %mul3A_107 = arith.constant 6 : i32
      %mul3A_108 = arith.muli %scan3A_106, %mul3A_107 : i32
      %add3A_109 = arith.constant 0 : i32
      %add3A_110 = arith.addi %mul3A_108, %add3A_109 : i32
      %mul3A_111 = arith.constant 128 : i32
      %mul3A_112 = arith.muli %add3A_110, %mul3A_111 : i32
      %dma_wait3A_113 = arith.constant 0 : i32
      %dma_wait3A_114 = arith.constant 0 : i32
      %dma_wait3A_115 = arith.constant 0 : i32
      %dma_wait3A_116 = tpu.memref_slice %arg10[%dma_wait3A_113, %dma_wait3A_114, %dma_wait3A_115] : memref<6x128x16xf32, #tpu.memory_space<vmem>> -> memref<1x128x16xf32, #tpu.memory_space<vmem>>
      %dma_wait3A_117 = tpu.memref_squeeze %dma_wait3A_116 : memref<1x128x16xf32, #tpu.memory_space<vmem>> -> memref<128x16xf32, #tpu.memory_space<vmem>>
      %dma_wait3A_118 = tpu.memref_slice %arg8[%mul3A_112] : memref<10112xi32, #tpu.memory_space<vmem>> -> memref<128xi32, #tpu.memory_space<vmem>>
      %dma_wait3A_119 = arith.constant 0 : i32
      %dma_wait3A_120 = arith.constant 0 : i32
      %dma_wait3A_121 = tpu.memref_slice %arg17[%dma_wait3A_119, %dma_wait3A_120] : memref<10112x16xf32, #tpu.memory_space<vmem_shared>> -> memref<10112x16xf32, #tpu.memory_space<vmem_shared>>
      tpu.wait_indirect_dma semaphore(%arg19 : memref<!tpu.dma_semaphore, #tpu.memory_space<semaphore_mem>>) src(%dma_wait3A_121 : memref<10112x16xf32, #tpu.memory_space<vmem_shared>>) dst(%dma_wait3A_117 : memref<128x16xf32, #tpu.memory_space<vmem>>)
      %mul3A_122 = arith.constant 128 : i32
      %mul3A_123 = arith.muli %add3A_110, %mul3A_122 : i32
      %dma_start3A_124 = arith.constant 0 : i32
      %dma_start3A_125 = arith.constant 0 : i32
      %dma_start3A_126 = arith.constant 0 : i32
      %dma_start3A_127 = tpu.memref_slice %arg10[%dma_start3A_124, %dma_start3A_125, %dma_start3A_126] : memref<6x128x16xf32, #tpu.memory_space<vmem>> -> memref<1x128x16xf32, #tpu.memory_space<vmem>>
      %dma_start3A_128 = tpu.memref_squeeze %dma_start3A_127 : memref<1x128x16xf32, #tpu.memory_space<vmem>> -> memref<128x16xf32, #tpu.memory_space<vmem>>
      %dma_start3A_129 = tpu.memref_slice %arg9[%mul3A_123] : memref<10112xi32, #tpu.memory_space<vmem>> -> memref<128xi32, #tpu.memory_space<vmem>>
      %dma_start3A_130 = arith.constant 0 : i32
      %dma_start3A_131 = arith.constant 0 : i32
      %dma_start3A_132 = tpu.memref_slice %arg18[%dma_start3A_130, %dma_start3A_131] : memref<10112x16xf32, #tpu.memory_space<vmem_shared>> -> memref<10112x16xf32, #tpu.memory_space<vmem_shared>>
      tpu.enqueue_indirect_dma source(%dma_start3A_128 : memref<128x16xf32, #tpu.memory_space<vmem>>) target(%dma_start3A_132 : memref<10112x16xf32, #tpu.memory_space<vmem_shared>>) offsets(%dma_start3A_129 : memref<128xi32, #tpu.memory_space<vmem>>) semaphore(%arg20 : memref<!tpu.dma_semaphore, #tpu.memory_space<semaphore_mem>>) {add = true}
      %ge3A_133 = arith.constant 3 : i32
      %ge3A_134 = arith.cmpi sge, %add3A_110, %ge3A_133 : i32
      %convert_element_type3A_135 = arith.extui %ge3A_134 : i1 to i32
      %cond3A_136 = arith.constant 0 : i32
      %cond3A_137 = arith.cmpi ne, %convert_element_type3A_135, %cond3A_136 : i32
      scf.if %cond3A_137 {
        %dma_wait3A_335 = arith.constant 0 : i32
        %dma_wait3A_336 = arith.constant 0 : i32
        %dma_wait3A_337 = arith.constant 0 : i32
        %dma_wait3A_338 = tpu.memref_slice %arg10[%dma_wait3A_335, %dma_wait3A_336, %dma_wait3A_337] : memref<6x128x16xf32, #tpu.memory_space<vmem>> -> memref<1x128x16xf32, #tpu.memory_space<vmem>>
        %dma_wait3A_339 = tpu.memref_squeeze %dma_wait3A_338 : memref<1x128x16xf32, #tpu.memory_space<vmem>> -> memref<128x16xf32, #tpu.memory_space<vmem>>
        %dma_wait3A_340 = arith.constant 0 : i32
        %dma_wait3A_341 = tpu.memref_slice %arg9[%dma_wait3A_340] : memref<10112xi32, #tpu.memory_space<vmem>> -> memref<128xi32, #tpu.memory_space<vmem>>
        %dma_wait3A_342 = arith.constant 0 : i32
        %dma_wait3A_343 = arith.constant 0 : i32
        %dma_wait3A_344 = tpu.memref_slice %arg18[%dma_wait3A_342, %dma_wait3A_343] : memref<10112x16xf32, #tpu.memory_space<vmem_shared>> -> memref<10112x16xf32, #tpu.memory_space<vmem_shared>>
        tpu.wait_indirect_dma semaphore(%arg20 : memref<!tpu.dma_semaphore, #tpu.memory_space<semaphore_mem>>) src(%dma_wait3A_339 : memref<128x16xf32, #tpu.memory_space<vmem>>) dst(%dma_wait3A_344 : memref<10112x16xf32, #tpu.memory_space<vmem_shared>>)
      } else {
      }
      %add3A_138 = arith.constant 3 : i32
      %add3A_139 = arith.addi %add3A_110, %add3A_138 : i32
      %lt3A_140 = arith.constant 78 : i32
      %lt3A_141 = arith.cmpi slt, %add3A_139, %lt3A_140 : i32
      %convert_element_type3A_142 = arith.extui %lt3A_141 : i1 to i32
      %cond3A_143 = arith.constant 0 : i32
      %cond3A_144 = arith.cmpi ne, %convert_element_type3A_142, %cond3A_143 : i32
      scf.if %cond3A_144 {
        %add3A_335 = arith.constant 3 : i32
        %add3A_336 = arith.addi %add3A_110, %add3A_335 : i32
        %mul3A_337 = arith.constant 128 : i32
        %mul3A_338 = arith.muli %add3A_336, %mul3A_337 : i32
        %dma_start3A_339 = arith.constant 3 : i32
        %dma_start3A_340 = arith.constant 0 : i32
        %dma_start3A_341 = arith.constant 0 : i32
        %dma_start3A_342 = tpu.memref_slice %arg10[%dma_start3A_339, %dma_start3A_340, %dma_start3A_341] : memref<6x128x16xf32, #tpu.memory_space<vmem>> -> memref<1x128x16xf32, #tpu.memory_space<vmem>>
        %dma_start3A_343 = tpu.memref_squeeze %dma_start3A_342 : memref<1x128x16xf32, #tpu.memory_space<vmem>> -> memref<128x16xf32, #tpu.memory_space<vmem>>
        %dma_start3A_344 = tpu.memref_slice %arg8[%mul3A_338] : memref<10112xi32, #tpu.memory_space<vmem>> -> memref<128xi32, #tpu.memory_space<vmem>>
        %dma_start3A_345 = arith.constant 0 : i32
        %dma_start3A_346 = arith.constant 0 : i32
        %dma_start3A_347 = tpu.memref_slice %arg17[%dma_start3A_345, %dma_start3A_346] : memref<10112x16xf32, #tpu.memory_space<vmem_shared>> -> memref<10112x16xf32, #tpu.memory_space<vmem_shared>>
        tpu.enqueue_indirect_dma source(%dma_start3A_347 : memref<10112x16xf32, #tpu.memory_space<vmem_shared>>) target(%dma_start3A_343 : memref<128x16xf32, #tpu.memory_space<vmem>>) offsets(%dma_start3A_344 : memref<128xi32, #tpu.memory_space<vmem>>) semaphore(%arg19 : memref<!tpu.dma_semaphore, #tpu.memory_space<semaphore_mem>>)
      } else {
      }
      %mul3A_145 = arith.constant 6 : i32
      %mul3A_146 = arith.muli %scan3A_106, %mul3A_145 : i32
      %add3A_147 = arith.constant 1 : i32
      %add3A_148 = arith.addi %mul3A_146, %add3A_147 : i32
      %mul3A_149 = arith.constant 128 : i32
      %mul3A_150 = arith.muli %add3A_148, %mul3A_149 : i32
      %dma_wait3A_151 = arith.constant 1 : i32
      %dma_wait3A_152 = arith.constant 0 : i32
      %dma_wait3A_153 = arith.constant 0 : i32
      %dma_wait3A_154 = tpu.memref_slice %arg10[%dma_wait3A_151, %dma_wait3A_152, %dma_wait3A_153] : memref<6x128x16xf32, #tpu.memory_space<vmem>> -> memref<1x128x16xf32, #tpu.memory_space<vmem>>
      %dma_wait3A_155 = tpu.memref_squeeze %dma_wait3A_154 : memref<1x128x16xf32, #tpu.memory_space<vmem>> -> memref<128x16xf32, #tpu.memory_space<vmem>>
      %dma_wait3A_156 = tpu.memref_slice %arg8[%mul3A_150] : memref<10112xi32, #tpu.memory_space<vmem>> -> memref<128xi32, #tpu.memory_space<vmem>>
      %dma_wait3A_157 = arith.constant 0 : i32
      %dma_wait3A_158 = arith.constant 0 : i32
      %dma_wait3A_159 = tpu.memref_slice %arg17[%dma_wait3A_157, %dma_wait3A_158] : memref<10112x16xf32, #tpu.memory_space<vmem_shared>> -> memref<10112x16xf32, #tpu.memory_space<vmem_shared>>
      tpu.wait_indirect_dma semaphore(%arg19 : memref<!tpu.dma_semaphore, #tpu.memory_space<semaphore_mem>>) src(%dma_wait3A_159 : memref<10112x16xf32, #tpu.memory_space<vmem_shared>>) dst(%dma_wait3A_155 : memref<128x16xf32, #tpu.memory_space<vmem>>)
      %mul3A_160 = arith.constant 128 : i32
      %mul3A_161 = arith.muli %add3A_148, %mul3A_160 : i32
      %dma_start3A_162 = arith.constant 1 : i32
      %dma_start3A_163 = arith.constant 0 : i32
      %dma_start3A_164 = arith.constant 0 : i32
      %dma_start3A_165 = tpu.memref_slice %arg10[%dma_start3A_162, %dma_start3A_163, %dma_start3A_164] : memref<6x128x16xf32, #tpu.memory_space<vmem>> -> memref<1x128x16xf32, #tpu.memory_space<vmem>>
      %dma_start3A_166 = tpu.memref_squeeze %dma_start3A_165 : memref<1x128x16xf32, #tpu.memory_space<vmem>> -> memref<128x16xf32, #tpu.memory_space<vmem>>
      %dma_start3A_167 = tpu.memref_slice %arg9[%mul3A_161] : memref<10112xi32, #tpu.memory_space<vmem>> -> memref<128xi32, #tpu.memory_space<vmem>>
      %dma_start3A_168 = arith.constant 0 : i32
      %dma_start3A_169 = arith.constant 0 : i32
      %dma_start3A_170 = tpu.memref_slice %arg18[%dma_start3A_168, %dma_start3A_169] : memref<10112x16xf32, #tpu.memory_space<vmem_shared>> -> memref<10112x16xf32, #tpu.memory_space<vmem_shared>>
      tpu.enqueue_indirect_dma source(%dma_start3A_166 : memref<128x16xf32, #tpu.memory_space<vmem>>) target(%dma_start3A_170 : memref<10112x16xf32, #tpu.memory_space<vmem_shared>>) offsets(%dma_start3A_167 : memref<128xi32, #tpu.memory_space<vmem>>) semaphore(%arg20 : memref<!tpu.dma_semaphore, #tpu.memory_space<semaphore_mem>>) {add = true}
      %ge3A_171 = arith.constant 3 : i32
      %ge3A_172 = arith.cmpi sge, %add3A_148, %ge3A_171 : i32
      %convert_element_type3A_173 = arith.extui %ge3A_172 : i1 to i32
      %cond3A_174 = arith.constant 0 : i32
      %cond3A_175 = arith.cmpi ne, %convert_element_type3A_173, %cond3A_174 : i32
      scf.if %cond3A_175 {
        %dma_wait3A_335 = arith.constant 1 : i32
        %dma_wait3A_336 = arith.constant 0 : i32
        %dma_wait3A_337 = arith.constant 0 : i32
        %dma_wait3A_338 = tpu.memref_slice %arg10[%dma_wait3A_335, %dma_wait3A_336, %dma_wait3A_337] : memref<6x128x16xf32, #tpu.memory_space<vmem>> -> memref<1x128x16xf32, #tpu.memory_space<vmem>>
        %dma_wait3A_339 = tpu.memref_squeeze %dma_wait3A_338 : memref<1x128x16xf32, #tpu.memory_space<vmem>> -> memref<128x16xf32, #tpu.memory_space<vmem>>
        %dma_wait3A_340 = arith.constant 128 : i32
        %dma_wait3A_341 = tpu.memref_slice %arg9[%dma_wait3A_340] : memref<10112xi32, #tpu.memory_space<vmem>> -> memref<128xi32, #tpu.memory_space<vmem>>
        %dma_wait3A_342 = arith.constant 0 : i32
        %dma_wait3A_343 = arith.constant 0 : i32
        %dma_wait3A_344 = tpu.memref_slice %arg18[%dma_wait3A_342, %dma_wait3A_343] : memref<10112x16xf32, #tpu.memory_space<vmem_shared>> -> memref<10112x16xf32, #tpu.memory_space<vmem_shared>>
        tpu.wait_indirect_dma semaphore(%arg20 : memref<!tpu.dma_semaphore, #tpu.memory_space<semaphore_mem>>) src(%dma_wait3A_339 : memref<128x16xf32, #tpu.memory_space<vmem>>) dst(%dma_wait3A_344 : memref<10112x16xf32, #tpu.memory_space<vmem_shared>>)
      } else {
      }
      %add3A_176 = arith.constant 3 : i32
      %add3A_177 = arith.addi %add3A_148, %add3A_176 : i32
      %lt3A_178 = arith.constant 78 : i32
      %lt3A_179 = arith.cmpi slt, %add3A_177, %lt3A_178 : i32
      %convert_element_type3A_180 = arith.extui %lt3A_179 : i1 to i32
      %cond3A_181 = arith.constant 0 : i32
      %cond3A_182 = arith.cmpi ne, %convert_element_type3A_180, %cond3A_181 : i32
      scf.if %cond3A_182 {
        %add3A_335 = arith.constant 3 : i32
        %add3A_336 = arith.addi %add3A_148, %add3A_335 : i32
        %mul3A_337 = arith.constant 128 : i32
        %mul3A_338 = arith.muli %add3A_336, %mul3A_337 : i32
        %dma_start3A_339 = arith.constant 4 : i32
        %dma_start3A_340 = arith.constant 0 : i32
        %dma_start3A_341 = arith.constant 0 : i32
        %dma_start3A_342 = tpu.memref_slice %arg10[%dma_start3A_339, %dma_start3A_340, %dma_start3A_341] : memref<6x128x16xf32, #tpu.memory_space<vmem>> -> memref<1x128x16xf32, #tpu.memory_space<vmem>>
        %dma_start3A_343 = tpu.memref_squeeze %dma_start3A_342 : memref<1x128x16xf32, #tpu.memory_space<vmem>> -> memref<128x16xf32, #tpu.memory_space<vmem>>
        %dma_start3A_344 = tpu.memref_slice %arg8[%mul3A_338] : memref<10112xi32, #tpu.memory_space<vmem>> -> memref<128xi32, #tpu.memory_space<vmem>>
        %dma_start3A_345 = arith.constant 0 : i32
        %dma_start3A_346 = arith.constant 0 : i32
        %dma_start3A_347 = tpu.memref_slice %arg17[%dma_start3A_345, %dma_start3A_346] : memref<10112x16xf32, #tpu.memory_space<vmem_shared>> -> memref<10112x16xf32, #tpu.memory_space<vmem_shared>>
        tpu.enqueue_indirect_dma source(%dma_start3A_347 : memref<10112x16xf32, #tpu.memory_space<vmem_shared>>) target(%dma_start3A_343 : memref<128x16xf32, #tpu.memory_space<vmem>>) offsets(%dma_start3A_344 : memref<128xi32, #tpu.memory_space<vmem>>) semaphore(%arg19 : memref<!tpu.dma_semaphore, #tpu.memory_space<semaphore_mem>>)
      } else {
      }
      %mul3A_183 = arith.constant 6 : i32
      %mul3A_184 = arith.muli %scan3A_106, %mul3A_183 : i32
      %add3A_185 = arith.constant 2 : i32
      %add3A_186 = arith.addi %mul3A_184, %add3A_185 : i32
      %mul3A_187 = arith.constant 128 : i32
      %mul3A_188 = arith.muli %add3A_186, %mul3A_187 : i32
      %dma_wait3A_189 = arith.constant 2 : i32
      %dma_wait3A_190 = arith.constant 0 : i32
      %dma_wait3A_191 = arith.constant 0 : i32
      %dma_wait3A_192 = tpu.memref_slice %arg10[%dma_wait3A_189, %dma_wait3A_190, %dma_wait3A_191] : memref<6x128x16xf32, #tpu.memory_space<vmem>> -> memref<1x128x16xf32, #tpu.memory_space<vmem>>
      %dma_wait3A_193 = tpu.memref_squeeze %dma_wait3A_192 : memref<1x128x16xf32, #tpu.memory_space<vmem>> -> memref<128x16xf32, #tpu.memory_space<vmem>>
      %dma_wait3A_194 = tpu.memref_slice %arg8[%mul3A_188] : memref<10112xi32, #tpu.memory_space<vmem>> -> memref<128xi32, #tpu.memory_space<vmem>>
      %dma_wait3A_195 = arith.constant 0 : i32
      %dma_wait3A_196 = arith.constant 0 : i32
      %dma_wait3A_197 = tpu.memref_slice %arg17[%dma_wait3A_195, %dma_wait3A_196] : memref<10112x16xf32, #tpu.memory_space<vmem_shared>> -> memref<10112x16xf32, #tpu.memory_space<vmem_shared>>
      tpu.wait_indirect_dma semaphore(%arg19 : memref<!tpu.dma_semaphore, #tpu.memory_space<semaphore_mem>>) src(%dma_wait3A_197 : memref<10112x16xf32, #tpu.memory_space<vmem_shared>>) dst(%dma_wait3A_193 : memref<128x16xf32, #tpu.memory_space<vmem>>)
      %mul3A_198 = arith.constant 128 : i32
      %mul3A_199 = arith.muli %add3A_186, %mul3A_198 : i32
      %dma_start3A_200 = arith.constant 2 : i32
      %dma_start3A_201 = arith.constant 0 : i32
      %dma_start3A_202 = arith.constant 0 : i32
      %dma_start3A_203 = tpu.memref_slice %arg10[%dma_start3A_200, %dma_start3A_201, %dma_start3A_202] : memref<6x128x16xf32, #tpu.memory_space<vmem>> -> memref<1x128x16xf32, #tpu.memory_space<vmem>>
      %dma_start3A_204 = tpu.memref_squeeze %dma_start3A_203 : memref<1x128x16xf32, #tpu.memory_space<vmem>> -> memref<128x16xf32, #tpu.memory_space<vmem>>
      %dma_start3A_205 = tpu.memref_slice %arg9[%mul3A_199] : memref<10112xi32, #tpu.memory_space<vmem>> -> memref<128xi32, #tpu.memory_space<vmem>>
      %dma_start3A_206 = arith.constant 0 : i32
      %dma_start3A_207 = arith.constant 0 : i32
      %dma_start3A_208 = tpu.memref_slice %arg18[%dma_start3A_206, %dma_start3A_207] : memref<10112x16xf32, #tpu.memory_space<vmem_shared>> -> memref<10112x16xf32, #tpu.memory_space<vmem_shared>>
      tpu.enqueue_indirect_dma source(%dma_start3A_204 : memref<128x16xf32, #tpu.memory_space<vmem>>) target(%dma_start3A_208 : memref<10112x16xf32, #tpu.memory_space<vmem_shared>>) offsets(%dma_start3A_205 : memref<128xi32, #tpu.memory_space<vmem>>) semaphore(%arg20 : memref<!tpu.dma_semaphore, #tpu.memory_space<semaphore_mem>>) {add = true}
      %ge3A_209 = arith.constant 3 : i32
      %ge3A_210 = arith.cmpi sge, %add3A_186, %ge3A_209 : i32
      %convert_element_type3A_211 = arith.extui %ge3A_210 : i1 to i32
      %cond3A_212 = arith.constant 0 : i32
      %cond3A_213 = arith.cmpi ne, %convert_element_type3A_211, %cond3A_212 : i32
      scf.if %cond3A_213 {
        %dma_wait3A_335 = arith.constant 2 : i32
        %dma_wait3A_336 = arith.constant 0 : i32
        %dma_wait3A_337 = arith.constant 0 : i32
        %dma_wait3A_338 = tpu.memref_slice %arg10[%dma_wait3A_335, %dma_wait3A_336, %dma_wait3A_337] : memref<6x128x16xf32, #tpu.memory_space<vmem>> -> memref<1x128x16xf32, #tpu.memory_space<vmem>>
        %dma_wait3A_339 = tpu.memref_squeeze %dma_wait3A_338 : memref<1x128x16xf32, #tpu.memory_space<vmem>> -> memref<128x16xf32, #tpu.memory_space<vmem>>
        %dma_wait3A_340 = arith.constant 256 : i32
        %dma_wait3A_341 = tpu.memref_slice %arg9[%dma_wait3A_340] : memref<10112xi32, #tpu.memory_space<vmem>> -> memref<128xi32, #tpu.memory_space<vmem>>
        %dma_wait3A_342 = arith.constant 0 : i32
        %dma_wait3A_343 = arith.constant 0 : i32
        %dma_wait3A_344 = tpu.memref_slice %arg18[%dma_wait3A_342, %dma_wait3A_343] : memref<10112x16xf32, #tpu.memory_space<vmem_shared>> -> memref<10112x16xf32, #tpu.memory_space<vmem_shared>>
        tpu.wait_indirect_dma semaphore(%arg20 : memref<!tpu.dma_semaphore, #tpu.memory_space<semaphore_mem>>) src(%dma_wait3A_339 : memref<128x16xf32, #tpu.memory_space<vmem>>) dst(%dma_wait3A_344 : memref<10112x16xf32, #tpu.memory_space<vmem_shared>>)
      } else {
      }
      %add3A_214 = arith.constant 3 : i32
      %add3A_215 = arith.addi %add3A_186, %add3A_214 : i32
      %lt3A_216 = arith.constant 78 : i32
      %lt3A_217 = arith.cmpi slt, %add3A_215, %lt3A_216 : i32
      %convert_element_type3A_218 = arith.extui %lt3A_217 : i1 to i32
      %cond3A_219 = arith.constant 0 : i32
      %cond3A_220 = arith.cmpi ne, %convert_element_type3A_218, %cond3A_219 : i32
      scf.if %cond3A_220 {
        %add3A_335 = arith.constant 3 : i32
        %add3A_336 = arith.addi %add3A_186, %add3A_335 : i32
        %mul3A_337 = arith.constant 128 : i32
        %mul3A_338 = arith.muli %add3A_336, %mul3A_337 : i32
        %dma_start3A_339 = arith.constant 5 : i32
        %dma_start3A_340 = arith.constant 0 : i32
        %dma_start3A_341 = arith.constant 0 : i32
        %dma_start3A_342 = tpu.memref_slice %arg10[%dma_start3A_339, %dma_start3A_340, %dma_start3A_341] : memref<6x128x16xf32, #tpu.memory_space<vmem>> -> memref<1x128x16xf32, #tpu.memory_space<vmem>>
        %dma_start3A_343 = tpu.memref_squeeze %dma_start3A_342 : memref<1x128x16xf32, #tpu.memory_space<vmem>> -> memref<128x16xf32, #tpu.memory_space<vmem>>
        %dma_start3A_344 = tpu.memref_slice %arg8[%mul3A_338] : memref<10112xi32, #tpu.memory_space<vmem>> -> memref<128xi32, #tpu.memory_space<vmem>>
        %dma_start3A_345 = arith.constant 0 : i32
        %dma_start3A_346 = arith.constant 0 : i32
        %dma_start3A_347 = tpu.memref_slice %arg17[%dma_start3A_345, %dma_start3A_346] : memref<10112x16xf32, #tpu.memory_space<vmem_shared>> -> memref<10112x16xf32, #tpu.memory_space<vmem_shared>>
        tpu.enqueue_indirect_dma source(%dma_start3A_347 : memref<10112x16xf32, #tpu.memory_space<vmem_shared>>) target(%dma_start3A_343 : memref<128x16xf32, #tpu.memory_space<vmem>>) offsets(%dma_start3A_344 : memref<128xi32, #tpu.memory_space<vmem>>) semaphore(%arg19 : memref<!tpu.dma_semaphore, #tpu.memory_space<semaphore_mem>>)
      } else {
      }
      %mul3A_221 = arith.constant 6 : i32
      %mul3A_222 = arith.muli %scan3A_106, %mul3A_221 : i32
      %add3A_223 = arith.constant 3 : i32
      %add3A_224 = arith.addi %mul3A_222, %add3A_223 : i32
      %mul3A_225 = arith.constant 128 : i32
      %mul3A_226 = arith.muli %add3A_224, %mul3A_225 : i32
      %dma_wait3A_227 = arith.constant 3 : i32
      %dma_wait3A_228 = arith.constant 0 : i32
      %dma_wait3A_229 = arith.constant 0 : i32
      %dma_wait3A_230 = tpu.memref_slice %arg10[%dma_wait3A_227, %dma_wait3A_228, %dma_wait3A_229] : memref<6x128x16xf32, #tpu.memory_space<vmem>> -> memref<1x128x16xf32, #tpu.memory_space<vmem>>
      %dma_wait3A_231 = tpu.memref_squeeze %dma_wait3A_230 : memref<1x128x16xf32, #tpu.memory_space<vmem>> -> memref<128x16xf32, #tpu.memory_space<vmem>>
      %dma_wait3A_232 = tpu.memref_slice %arg8[%mul3A_226] : memref<10112xi32, #tpu.memory_space<vmem>> -> memref<128xi32, #tpu.memory_space<vmem>>
      %dma_wait3A_233 = arith.constant 0 : i32
      %dma_wait3A_234 = arith.constant 0 : i32
      %dma_wait3A_235 = tpu.memref_slice %arg17[%dma_wait3A_233, %dma_wait3A_234] : memref<10112x16xf32, #tpu.memory_space<vmem_shared>> -> memref<10112x16xf32, #tpu.memory_space<vmem_shared>>
      tpu.wait_indirect_dma semaphore(%arg19 : memref<!tpu.dma_semaphore, #tpu.memory_space<semaphore_mem>>) src(%dma_wait3A_235 : memref<10112x16xf32, #tpu.memory_space<vmem_shared>>) dst(%dma_wait3A_231 : memref<128x16xf32, #tpu.memory_space<vmem>>)
      %mul3A_236 = arith.constant 128 : i32
      %mul3A_237 = arith.muli %add3A_224, %mul3A_236 : i32
      %dma_start3A_238 = arith.constant 3 : i32
      %dma_start3A_239 = arith.constant 0 : i32
      %dma_start3A_240 = arith.constant 0 : i32
      %dma_start3A_241 = tpu.memref_slice %arg10[%dma_start3A_238, %dma_start3A_239, %dma_start3A_240] : memref<6x128x16xf32, #tpu.memory_space<vmem>> -> memref<1x128x16xf32, #tpu.memory_space<vmem>>
      %dma_start3A_242 = tpu.memref_squeeze %dma_start3A_241 : memref<1x128x16xf32, #tpu.memory_space<vmem>> -> memref<128x16xf32, #tpu.memory_space<vmem>>
      %dma_start3A_243 = tpu.memref_slice %arg9[%mul3A_237] : memref<10112xi32, #tpu.memory_space<vmem>> -> memref<128xi32, #tpu.memory_space<vmem>>
      %dma_start3A_244 = arith.constant 0 : i32
      %dma_start3A_245 = arith.constant 0 : i32
      %dma_start3A_246 = tpu.memref_slice %arg18[%dma_start3A_244, %dma_start3A_245] : memref<10112x16xf32, #tpu.memory_space<vmem_shared>> -> memref<10112x16xf32, #tpu.memory_space<vmem_shared>>
      tpu.enqueue_indirect_dma source(%dma_start3A_242 : memref<128x16xf32, #tpu.memory_space<vmem>>) target(%dma_start3A_246 : memref<10112x16xf32, #tpu.memory_space<vmem_shared>>) offsets(%dma_start3A_243 : memref<128xi32, #tpu.memory_space<vmem>>) semaphore(%arg20 : memref<!tpu.dma_semaphore, #tpu.memory_space<semaphore_mem>>) {add = true}
      %ge3A_247 = arith.constant 3 : i32
      %ge3A_248 = arith.cmpi sge, %add3A_224, %ge3A_247 : i32
      %convert_element_type3A_249 = arith.extui %ge3A_248 : i1 to i32
      %cond3A_250 = arith.constant 0 : i32
      %cond3A_251 = arith.cmpi ne, %convert_element_type3A_249, %cond3A_250 : i32
      scf.if %cond3A_251 {
        %dma_wait3A_335 = arith.constant 3 : i32
        %dma_wait3A_336 = arith.constant 0 : i32
        %dma_wait3A_337 = arith.constant 0 : i32
        %dma_wait3A_338 = tpu.memref_slice %arg10[%dma_wait3A_335, %dma_wait3A_336, %dma_wait3A_337] : memref<6x128x16xf32, #tpu.memory_space<vmem>> -> memref<1x128x16xf32, #tpu.memory_space<vmem>>
        %dma_wait3A_339 = tpu.memref_squeeze %dma_wait3A_338 : memref<1x128x16xf32, #tpu.memory_space<vmem>> -> memref<128x16xf32, #tpu.memory_space<vmem>>
        %dma_wait3A_340 = arith.constant 384 : i32
        %dma_wait3A_341 = tpu.memref_slice %arg9[%dma_wait3A_340] : memref<10112xi32, #tpu.memory_space<vmem>> -> memref<128xi32, #tpu.memory_space<vmem>>
        %dma_wait3A_342 = arith.constant 0 : i32
        %dma_wait3A_343 = arith.constant 0 : i32
        %dma_wait3A_344 = tpu.memref_slice %arg18[%dma_wait3A_342, %dma_wait3A_343] : memref<10112x16xf32, #tpu.memory_space<vmem_shared>> -> memref<10112x16xf32, #tpu.memory_space<vmem_shared>>
        tpu.wait_indirect_dma semaphore(%arg20 : memref<!tpu.dma_semaphore, #tpu.memory_space<semaphore_mem>>) src(%dma_wait3A_339 : memref<128x16xf32, #tpu.memory_space<vmem>>) dst(%dma_wait3A_344 : memref<10112x16xf32, #tpu.memory_space<vmem_shared>>)
      } else {
      }
      %add3A_252 = arith.constant 3 : i32
      %add3A_253 = arith.addi %add3A_224, %add3A_252 : i32
      %lt3A_254 = arith.constant 78 : i32
      %lt3A_255 = arith.cmpi slt, %add3A_253, %lt3A_254 : i32
      %convert_element_type3A_256 = arith.extui %lt3A_255 : i1 to i32
      %cond3A_257 = arith.constant 0 : i32
      %cond3A_258 = arith.cmpi ne, %convert_element_type3A_256, %cond3A_257 : i32
      scf.if %cond3A_258 {
        %add3A_335 = arith.constant 3 : i32
        %add3A_336 = arith.addi %add3A_224, %add3A_335 : i32
        %mul3A_337 = arith.constant 128 : i32
        %mul3A_338 = arith.muli %add3A_336, %mul3A_337 : i32
        %dma_start3A_339 = arith.constant 0 : i32
        %dma_start3A_340 = arith.constant 0 : i32
        %dma_start3A_341 = arith.constant 0 : i32
        %dma_start3A_342 = tpu.memref_slice %arg10[%dma_start3A_339, %dma_start3A_340, %dma_start3A_341] : memref<6x128x16xf32, #tpu.memory_space<vmem>> -> memref<1x128x16xf32, #tpu.memory_space<vmem>>
        %dma_start3A_343 = tpu.memref_squeeze %dma_start3A_342 : memref<1x128x16xf32, #tpu.memory_space<vmem>> -> memref<128x16xf32, #tpu.memory_space<vmem>>
        %dma_start3A_344 = tpu.memref_slice %arg8[%mul3A_338] : memref<10112xi32, #tpu.memory_space<vmem>> -> memref<128xi32, #tpu.memory_space<vmem>>
        %dma_start3A_345 = arith.constant 0 : i32
        %dma_start3A_346 = arith.constant 0 : i32
        %dma_start3A_347 = tpu.memref_slice %arg17[%dma_start3A_345, %dma_start3A_346] : memref<10112x16xf32, #tpu.memory_space<vmem_shared>> -> memref<10112x16xf32, #tpu.memory_space<vmem_shared>>
        tpu.enqueue_indirect_dma source(%dma_start3A_347 : memref<10112x16xf32, #tpu.memory_space<vmem_shared>>) target(%dma_start3A_343 : memref<128x16xf32, #tpu.memory_space<vmem>>) offsets(%dma_start3A_344 : memref<128xi32, #tpu.memory_space<vmem>>) semaphore(%arg19 : memref<!tpu.dma_semaphore, #tpu.memory_space<semaphore_mem>>)
      } else {
      }
      %mul3A_259 = arith.constant 6 : i32
      %mul3A_260 = arith.muli %scan3A_106, %mul3A_259 : i32
      %add3A_261 = arith.constant 4 : i32
      %add3A_262 = arith.addi %mul3A_260, %add3A_261 : i32
      %mul3A_263 = arith.constant 128 : i32
      %mul3A_264 = arith.muli %add3A_262, %mul3A_263 : i32
      %dma_wait3A_265 = arith.constant 4 : i32
      %dma_wait3A_266 = arith.constant 0 : i32
      %dma_wait3A_267 = arith.constant 0 : i32
      %dma_wait3A_268 = tpu.memref_slice %arg10[%dma_wait3A_265, %dma_wait3A_266, %dma_wait3A_267] : memref<6x128x16xf32, #tpu.memory_space<vmem>> -> memref<1x128x16xf32, #tpu.memory_space<vmem>>
      %dma_wait3A_269 = tpu.memref_squeeze %dma_wait3A_268 : memref<1x128x16xf32, #tpu.memory_space<vmem>> -> memref<128x16xf32, #tpu.memory_space<vmem>>
      %dma_wait3A_270 = tpu.memref_slice %arg8[%mul3A_264] : memref<10112xi32, #tpu.memory_space<vmem>> -> memref<128xi32, #tpu.memory_space<vmem>>
      %dma_wait3A_271 = arith.constant 0 : i32
      %dma_wait3A_272 = arith.constant 0 : i32
      %dma_wait3A_273 = tpu.memref_slice %arg17[%dma_wait3A_271, %dma_wait3A_272] : memref<10112x16xf32, #tpu.memory_space<vmem_shared>> -> memref<10112x16xf32, #tpu.memory_space<vmem_shared>>
      tpu.wait_indirect_dma semaphore(%arg19 : memref<!tpu.dma_semaphore, #tpu.memory_space<semaphore_mem>>) src(%dma_wait3A_273 : memref<10112x16xf32, #tpu.memory_space<vmem_shared>>) dst(%dma_wait3A_269 : memref<128x16xf32, #tpu.memory_space<vmem>>)
      %mul3A_274 = arith.constant 128 : i32
      %mul3A_275 = arith.muli %add3A_262, %mul3A_274 : i32
      %dma_start3A_276 = arith.constant 4 : i32
      %dma_start3A_277 = arith.constant 0 : i32
      %dma_start3A_278 = arith.constant 0 : i32
      %dma_start3A_279 = tpu.memref_slice %arg10[%dma_start3A_276, %dma_start3A_277, %dma_start3A_278] : memref<6x128x16xf32, #tpu.memory_space<vmem>> -> memref<1x128x16xf32, #tpu.memory_space<vmem>>
      %dma_start3A_280 = tpu.memref_squeeze %dma_start3A_279 : memref<1x128x16xf32, #tpu.memory_space<vmem>> -> memref<128x16xf32, #tpu.memory_space<vmem>>
      %dma_start3A_281 = tpu.memref_slice %arg9[%mul3A_275] : memref<10112xi32, #tpu.memory_space<vmem>> -> memref<128xi32, #tpu.memory_space<vmem>>
      %dma_start3A_282 = arith.constant 0 : i32
      %dma_start3A_283 = arith.constant 0 : i32
      %dma_start3A_284 = tpu.memref_slice %arg18[%dma_start3A_282, %dma_start3A_283] : memref<10112x16xf32, #tpu.memory_space<vmem_shared>> -> memref<10112x16xf32, #tpu.memory_space<vmem_shared>>
      tpu.enqueue_indirect_dma source(%dma_start3A_280 : memref<128x16xf32, #tpu.memory_space<vmem>>) target(%dma_start3A_284 : memref<10112x16xf32, #tpu.memory_space<vmem_shared>>) offsets(%dma_start3A_281 : memref<128xi32, #tpu.memory_space<vmem>>) semaphore(%arg20 : memref<!tpu.dma_semaphore, #tpu.memory_space<semaphore_mem>>) {add = true}
      %ge3A_285 = arith.constant 3 : i32
      %ge3A_286 = arith.cmpi sge, %add3A_262, %ge3A_285 : i32
      %convert_element_type3A_287 = arith.extui %ge3A_286 : i1 to i32
      %cond3A_288 = arith.constant 0 : i32
      %cond3A_289 = arith.cmpi ne, %convert_element_type3A_287, %cond3A_288 : i32
      scf.if %cond3A_289 {
        %dma_wait3A_335 = arith.constant 4 : i32
        %dma_wait3A_336 = arith.constant 0 : i32
        %dma_wait3A_337 = arith.constant 0 : i32
        %dma_wait3A_338 = tpu.memref_slice %arg10[%dma_wait3A_335, %dma_wait3A_336, %dma_wait3A_337] : memref<6x128x16xf32, #tpu.memory_space<vmem>> -> memref<1x128x16xf32, #tpu.memory_space<vmem>>
        %dma_wait3A_339 = tpu.memref_squeeze %dma_wait3A_338 : memref<1x128x16xf32, #tpu.memory_space<vmem>> -> memref<128x16xf32, #tpu.memory_space<vmem>>
        %dma_wait3A_340 = arith.constant 512 : i32
        %dma_wait3A_341 = tpu.memref_slice %arg9[%dma_wait3A_340] : memref<10112xi32, #tpu.memory_space<vmem>> -> memref<128xi32, #tpu.memory_space<vmem>>
        %dma_wait3A_342 = arith.constant 0 : i32
        %dma_wait3A_343 = arith.constant 0 : i32
        %dma_wait3A_344 = tpu.memref_slice %arg18[%dma_wait3A_342, %dma_wait3A_343] : memref<10112x16xf32, #tpu.memory_space<vmem_shared>> -> memref<10112x16xf32, #tpu.memory_space<vmem_shared>>
        tpu.wait_indirect_dma semaphore(%arg20 : memref<!tpu.dma_semaphore, #tpu.memory_space<semaphore_mem>>) src(%dma_wait3A_339 : memref<128x16xf32, #tpu.memory_space<vmem>>) dst(%dma_wait3A_344 : memref<10112x16xf32, #tpu.memory_space<vmem_shared>>)
      } else {
      }
      %add3A_290 = arith.constant 3 : i32
      %add3A_291 = arith.addi %add3A_262, %add3A_290 : i32
      %lt3A_292 = arith.constant 78 : i32
      %lt3A_293 = arith.cmpi slt, %add3A_291, %lt3A_292 : i32
      %convert_element_type3A_294 = arith.extui %lt3A_293 : i1 to i32
      %cond3A_295 = arith.constant 0 : i32
      %cond3A_296 = arith.cmpi ne, %convert_element_type3A_294, %cond3A_295 : i32
      scf.if %cond3A_296 {
        %add3A_335 = arith.constant 3 : i32
        %add3A_336 = arith.addi %add3A_262, %add3A_335 : i32
        %mul3A_337 = arith.constant 128 : i32
        %mul3A_338 = arith.muli %add3A_336, %mul3A_337 : i32
        %dma_start3A_339 = arith.constant 1 : i32
        %dma_start3A_340 = arith.constant 0 : i32
        %dma_start3A_341 = arith.constant 0 : i32
        %dma_start3A_342 = tpu.memref_slice %arg10[%dma_start3A_339, %dma_start3A_340, %dma_start3A_341] : memref<6x128x16xf32, #tpu.memory_space<vmem>> -> memref<1x128x16xf32, #tpu.memory_space<vmem>>
        %dma_start3A_343 = tpu.memref_squeeze %dma_start3A_342 : memref<1x128x16xf32, #tpu.memory_space<vmem>> -> memref<128x16xf32, #tpu.memory_space<vmem>>
        %dma_start3A_344 = tpu.memref_slice %arg8[%mul3A_338] : memref<10112xi32, #tpu.memory_space<vmem>> -> memref<128xi32, #tpu.memory_space<vmem>>
        %dma_start3A_345 = arith.constant 0 : i32
        %dma_start3A_346 = arith.constant 0 : i32
        %dma_start3A_347 = tpu.memref_slice %arg17[%dma_start3A_345, %dma_start3A_346] : memref<10112x16xf32, #tpu.memory_space<vmem_shared>> -> memref<10112x16xf32, #tpu.memory_space<vmem_shared>>
        tpu.enqueue_indirect_dma source(%dma_start3A_347 : memref<10112x16xf32, #tpu.memory_space<vmem_shared>>) target(%dma_start3A_343 : memref<128x16xf32, #tpu.memory_space<vmem>>) offsets(%dma_start3A_344 : memref<128xi32, #tpu.memory_space<vmem>>) semaphore(%arg19 : memref<!tpu.dma_semaphore, #tpu.memory_space<semaphore_mem>>)
      } else {
      }
      %mul3A_297 = arith.constant 6 : i32
      %mul3A_298 = arith.muli %scan3A_106, %mul3A_297 : i32
      %add3A_299 = arith.constant 5 : i32
      %add3A_300 = arith.addi %mul3A_298, %add3A_299 : i32
      %mul3A_301 = arith.constant 128 : i32
      %mul3A_302 = arith.muli %add3A_300, %mul3A_301 : i32
      %dma_wait3A_303 = arith.constant 5 : i32
      %dma_wait3A_304 = arith.constant 0 : i32
      %dma_wait3A_305 = arith.constant 0 : i32
      %dma_wait3A_306 = tpu.memref_slice %arg10[%dma_wait3A_303, %dma_wait3A_304, %dma_wait3A_305] : memref<6x128x16xf32, #tpu.memory_space<vmem>> -> memref<1x128x16xf32, #tpu.memory_space<vmem>>
      %dma_wait3A_307 = tpu.memref_squeeze %dma_wait3A_306 : memref<1x128x16xf32, #tpu.memory_space<vmem>> -> memref<128x16xf32, #tpu.memory_space<vmem>>
      %dma_wait3A_308 = tpu.memref_slice %arg8[%mul3A_302] : memref<10112xi32, #tpu.memory_space<vmem>> -> memref<128xi32, #tpu.memory_space<vmem>>
      %dma_wait3A_309 = arith.constant 0 : i32
      %dma_wait3A_310 = arith.constant 0 : i32
      %dma_wait3A_311 = tpu.memref_slice %arg17[%dma_wait3A_309, %dma_wait3A_310] : memref<10112x16xf32, #tpu.memory_space<vmem_shared>> -> memref<10112x16xf32, #tpu.memory_space<vmem_shared>>
      tpu.wait_indirect_dma semaphore(%arg19 : memref<!tpu.dma_semaphore, #tpu.memory_space<semaphore_mem>>) src(%dma_wait3A_311 : memref<10112x16xf32, #tpu.memory_space<vmem_shared>>) dst(%dma_wait3A_307 : memref<128x16xf32, #tpu.memory_space<vmem>>)
      %mul3A_312 = arith.constant 128 : i32
      %mul3A_313 = arith.muli %add3A_300, %mul3A_312 : i32
      %dma_start3A_314 = arith.constant 5 : i32
      %dma_start3A_315 = arith.constant 0 : i32
      %dma_start3A_316 = arith.constant 0 : i32
      %dma_start3A_317 = tpu.memref_slice %arg10[%dma_start3A_314, %dma_start3A_315, %dma_start3A_316] : memref<6x128x16xf32, #tpu.memory_space<vmem>> -> memref<1x128x16xf32, #tpu.memory_space<vmem>>
      %dma_start3A_318 = tpu.memref_squeeze %dma_start3A_317 : memref<1x128x16xf32, #tpu.memory_space<vmem>> -> memref<128x16xf32, #tpu.memory_space<vmem>>
      %dma_start3A_319 = tpu.memref_slice %arg9[%mul3A_313] : memref<10112xi32, #tpu.memory_space<vmem>> -> memref<128xi32, #tpu.memory_space<vmem>>
      %dma_start3A_320 = arith.constant 0 : i32
      %dma_start3A_321 = arith.constant 0 : i32
      %dma_start3A_322 = tpu.memref_slice %arg18[%dma_start3A_320, %dma_start3A_321] : memref<10112x16xf32, #tpu.memory_space<vmem_shared>> -> memref<10112x16xf32, #tpu.memory_space<vmem_shared>>
      tpu.enqueue_indirect_dma source(%dma_start3A_318 : memref<128x16xf32, #tpu.memory_space<vmem>>) target(%dma_start3A_322 : memref<10112x16xf32, #tpu.memory_space<vmem_shared>>) offsets(%dma_start3A_319 : memref<128xi32, #tpu.memory_space<vmem>>) semaphore(%arg20 : memref<!tpu.dma_semaphore, #tpu.memory_space<semaphore_mem>>) {add = true}
      %ge3A_323 = arith.constant 3 : i32
      %ge3A_324 = arith.cmpi sge, %add3A_300, %ge3A_323 : i32
      %convert_element_type3A_325 = arith.extui %ge3A_324 : i1 to i32
      %cond3A_326 = arith.constant 0 : i32
      %cond3A_327 = arith.cmpi ne, %convert_element_type3A_325, %cond3A_326 : i32
      scf.if %cond3A_327 {
        %dma_wait3A_335 = arith.constant 5 : i32
        %dma_wait3A_336 = arith.constant 0 : i32
        %dma_wait3A_337 = arith.constant 0 : i32
        %dma_wait3A_338 = tpu.memref_slice %arg10[%dma_wait3A_335, %dma_wait3A_336, %dma_wait3A_337] : memref<6x128x16xf32, #tpu.memory_space<vmem>> -> memref<1x128x16xf32, #tpu.memory_space<vmem>>
        %dma_wait3A_339 = tpu.memref_squeeze %dma_wait3A_338 : memref<1x128x16xf32, #tpu.memory_space<vmem>> -> memref<128x16xf32, #tpu.memory_space<vmem>>
        %dma_wait3A_340 = arith.constant 640 : i32
        %dma_wait3A_341 = tpu.memref_slice %arg9[%dma_wait3A_340] : memref<10112xi32, #tpu.memory_space<vmem>> -> memref<128xi32, #tpu.memory_space<vmem>>
        %dma_wait3A_342 = arith.constant 0 : i32
        %dma_wait3A_343 = arith.constant 0 : i32
        %dma_wait3A_344 = tpu.memref_slice %arg18[%dma_wait3A_342, %dma_wait3A_343] : memref<10112x16xf32, #tpu.memory_space<vmem_shared>> -> memref<10112x16xf32, #tpu.memory_space<vmem_shared>>
        tpu.wait_indirect_dma semaphore(%arg20 : memref<!tpu.dma_semaphore, #tpu.memory_space<semaphore_mem>>) src(%dma_wait3A_339 : memref<128x16xf32, #tpu.memory_space<vmem>>) dst(%dma_wait3A_344 : memref<10112x16xf32, #tpu.memory_space<vmem_shared>>)
      } else {
      }
      %add3A_328 = arith.constant 3 : i32
      %add3A_329 = arith.addi %add3A_300, %add3A_328 : i32
      %lt3A_330 = arith.constant 78 : i32
      %lt3A_331 = arith.cmpi slt, %add3A_329, %lt3A_330 : i32
      %convert_element_type3A_332 = arith.extui %lt3A_331 : i1 to i32
      %cond3A_333 = arith.constant 0 : i32
      %cond3A_334 = arith.cmpi ne, %convert_element_type3A_332, %cond3A_333 : i32
      scf.if %cond3A_334 {
        %add3A_335 = arith.constant 3 : i32
        %add3A_336 = arith.addi %add3A_300, %add3A_335 : i32
        %mul3A_337 = arith.constant 128 : i32
        %mul3A_338 = arith.muli %add3A_336, %mul3A_337 : i32
        %dma_start3A_339 = arith.constant 2 : i32
        %dma_start3A_340 = arith.constant 0 : i32
        %dma_start3A_341 = arith.constant 0 : i32
        %dma_start3A_342 = tpu.memref_slice %arg10[%dma_start3A_339, %dma_start3A_340, %dma_start3A_341] : memref<6x128x16xf32, #tpu.memory_space<vmem>> -> memref<1x128x16xf32, #tpu.memory_space<vmem>>
        %dma_start3A_343 = tpu.memref_squeeze %dma_start3A_342 : memref<1x128x16xf32, #tpu.memory_space<vmem>> -> memref<128x16xf32, #tpu.memory_space<vmem>>
        %dma_start3A_344 = tpu.memref_slice %arg8[%mul3A_338] : memref<10112xi32, #tpu.memory_space<vmem>> -> memref<128xi32, #tpu.memory_space<vmem>>
        %dma_start3A_345 = arith.constant 0 : i32
        %dma_start3A_346 = arith.constant 0 : i32
        %dma_start3A_347 = tpu.memref_slice %arg17[%dma_start3A_345, %dma_start3A_346] : memref<10112x16xf32, #tpu.memory_space<vmem_shared>> -> memref<10112x16xf32, #tpu.memory_space<vmem_shared>>
        tpu.enqueue_indirect_dma source(%dma_start3A_347 : memref<10112x16xf32, #tpu.memory_space<vmem_shared>>) target(%dma_start3A_343 : memref<128x16xf32, #tpu.memory_space<vmem>>) offsets(%dma_start3A_344 : memref<128xi32, #tpu.memory_space<vmem>>) semaphore(%arg19 : memref<!tpu.dma_semaphore, #tpu.memory_space<semaphore_mem>>)
      } else {
      }
    }
    %scan3A_60 = arith.constant 13 : i32
    %lt3A_61 = arith.constant 4 : i32
    %lt3A_62 = arith.cmpi slt, %add3A, %lt3A_61 : i32
    %convert_element_type3A_63 = arith.extui %lt3A_62 : i1 to i32
    %cond3A_64 = arith.constant 0 : i32
    %cond3A_65 = arith.cmpi ne, %convert_element_type3A_63, %cond3A_64 : i32
    scf.if %cond3A_65 {
      %dma_start3A_106 = arith.constant 0 : i32
      %dma_start3A_107 = arith.constant 0 : i32
      %dma_start3A_108 = arith.constant 0 : i32
      %dma_start3A_109 = tpu.memref_slice %arg10[%dma_start3A_106, %dma_start3A_107, %dma_start3A_108] : memref<6x128x16xf32, #tpu.memory_space<vmem>> -> memref<1x128x16xf32, #tpu.memory_space<vmem>>
      %dma_start3A_110 = tpu.memref_squeeze %dma_start3A_109 : memref<1x128x16xf32, #tpu.memory_space<vmem>> -> memref<128x16xf32, #tpu.memory_space<vmem>>
      %dma_start3A_111 = arith.constant 9984 : i32
      %dma_start3A_112 = tpu.memref_slice %arg8[%dma_start3A_111] : memref<10112xi32, #tpu.memory_space<vmem>> -> memref<128xi32, #tpu.memory_space<vmem>>
      %dma_start3A_113 = arith.constant 0 : i32
      %dma_start3A_114 = arith.constant 0 : i32
      %dma_start3A_115 = tpu.memref_slice %arg17[%dma_start3A_113, %dma_start3A_114] : memref<10112x16xf32, #tpu.memory_space<vmem_shared>> -> memref<10112x16xf32, #tpu.memory_space<vmem_shared>>
      tpu.enqueue_indirect_dma source(%dma_start3A_115 : memref<10112x16xf32, #tpu.memory_space<vmem_shared>>) target(%dma_start3A_110 : memref<128x16xf32, #tpu.memory_space<vmem>>) offsets(%dma_start3A_112 : memref<128xi32, #tpu.memory_space<vmem>>) semaphore(%arg19 : memref<!tpu.dma_semaphore, #tpu.memory_space<semaphore_mem>>)
      %dma_wait3A_116 = arith.constant 0 : i32
      %dma_wait3A_117 = arith.constant 0 : i32
      %dma_wait3A_118 = arith.constant 0 : i32
      %dma_wait3A_119 = tpu.memref_slice %arg10[%dma_wait3A_116, %dma_wait3A_117, %dma_wait3A_118] : memref<6x128x16xf32, #tpu.memory_space<vmem>> -> memref<1x128x16xf32, #tpu.memory_space<vmem>>
      %dma_wait3A_120 = tpu.memref_squeeze %dma_wait3A_119 : memref<1x128x16xf32, #tpu.memory_space<vmem>> -> memref<128x16xf32, #tpu.memory_space<vmem>>
      %dma_wait3A_121 = arith.constant 9984 : i32
      %dma_wait3A_122 = tpu.memref_slice %arg8[%dma_wait3A_121] : memref<10112xi32, #tpu.memory_space<vmem>> -> memref<128xi32, #tpu.memory_space<vmem>>
      %dma_wait3A_123 = arith.constant 0 : i32
      %dma_wait3A_124 = arith.constant 0 : i32
      %dma_wait3A_125 = tpu.memref_slice %arg17[%dma_wait3A_123, %dma_wait3A_124] : memref<10112x16xf32, #tpu.memory_space<vmem_shared>> -> memref<10112x16xf32, #tpu.memory_space<vmem_shared>>
      tpu.wait_indirect_dma semaphore(%arg19 : memref<!tpu.dma_semaphore, #tpu.memory_space<semaphore_mem>>) src(%dma_wait3A_125 : memref<10112x16xf32, #tpu.memory_space<vmem_shared>>) dst(%dma_wait3A_120 : memref<128x16xf32, #tpu.memory_space<vmem>>)
      %dma_start3A_126 = arith.constant 0 : i32
      %dma_start3A_127 = arith.constant 0 : i32
      %dma_start3A_128 = arith.constant 0 : i32
      %dma_start3A_129 = tpu.memref_slice %arg10[%dma_start3A_126, %dma_start3A_127, %dma_start3A_128] : memref<6x128x16xf32, #tpu.memory_space<vmem>> -> memref<1x128x16xf32, #tpu.memory_space<vmem>>
      %dma_start3A_130 = tpu.memref_squeeze %dma_start3A_129 : memref<1x128x16xf32, #tpu.memory_space<vmem>> -> memref<128x16xf32, #tpu.memory_space<vmem>>
      %dma_start3A_131 = arith.constant 9984 : i32
      %dma_start3A_132 = tpu.memref_slice %arg9[%dma_start3A_131] : memref<10112xi32, #tpu.memory_space<vmem>> -> memref<128xi32, #tpu.memory_space<vmem>>
      %dma_start3A_133 = arith.constant 0 : i32
      %dma_start3A_134 = arith.constant 0 : i32
      %dma_start3A_135 = tpu.memref_slice %arg18[%dma_start3A_133, %dma_start3A_134] : memref<10112x16xf32, #tpu.memory_space<vmem_shared>> -> memref<10112x16xf32, #tpu.memory_space<vmem_shared>>
      tpu.enqueue_indirect_dma source(%dma_start3A_130 : memref<128x16xf32, #tpu.memory_space<vmem>>) target(%dma_start3A_135 : memref<10112x16xf32, #tpu.memory_space<vmem_shared>>) offsets(%dma_start3A_132 : memref<128xi32, #tpu.memory_space<vmem>>) semaphore(%arg20 : memref<!tpu.dma_semaphore, #tpu.memory_space<semaphore_mem>>) {add = true}
      %dma_wait3A_136 = arith.constant 0 : i32
      %dma_wait3A_137 = arith.constant 0 : i32
      %dma_wait3A_138 = arith.constant 0 : i32
      %dma_wait3A_139 = tpu.memref_slice %arg10[%dma_wait3A_136, %dma_wait3A_137, %dma_wait3A_138] : memref<6x128x16xf32, #tpu.memory_space<vmem>> -> memref<1x128x16xf32, #tpu.memory_space<vmem>>
      %dma_wait3A_140 = tpu.memref_squeeze %dma_wait3A_139 : memref<1x128x16xf32, #tpu.memory_space<vmem>> -> memref<128x16xf32, #tpu.memory_space<vmem>>
      %dma_wait3A_141 = arith.constant 9984 : i32
      %dma_wait3A_142 = tpu.memref_slice %arg9[%dma_wait3A_141] : memref<10112xi32, #tpu.memory_space<vmem>> -> memref<128xi32, #tpu.memory_space<vmem>>
      %dma_wait3A_143 = arith.constant 0 : i32
      %dma_wait3A_144 = arith.constant 0 : i32
      %dma_wait3A_145 = tpu.memref_slice %arg18[%dma_wait3A_143, %dma_wait3A_144] : memref<10112x16xf32, #tpu.memory_space<vmem_shared>> -> memref<10112x16xf32, #tpu.memory_space<vmem_shared>>
      tpu.wait_indirect_dma semaphore(%arg20 : memref<!tpu.dma_semaphore, #tpu.memory_space<semaphore_mem>>) src(%dma_wait3A_140 : memref<128x16xf32, #tpu.memory_space<vmem>>) dst(%dma_wait3A_145 : memref<10112x16xf32, #tpu.memory_space<vmem_shared>>)
    } else {
    }
    %dma_wait3A = arith.constant 0 : i32
    %dma_wait3A_66 = arith.constant 0 : i32
    %dma_wait3A_67 = arith.constant 0 : i32
    %dma_wait3A_68 = tpu.memref_slice %arg10[%dma_wait3A, %dma_wait3A_66, %dma_wait3A_67] : memref<6x128x16xf32, #tpu.memory_space<vmem>> -> memref<1x128x16xf32, #tpu.memory_space<vmem>>
    %dma_wait3A_69 = tpu.memref_squeeze %dma_wait3A_68 : memref<1x128x16xf32, #tpu.memory_space<vmem>> -> memref<128x16xf32, #tpu.memory_space<vmem>>
    %dma_wait3A_70 = arith.constant 0 : i32
    %dma_wait3A_71 = tpu.memref_slice %arg9[%dma_wait3A_70] : memref<10112xi32, #tpu.memory_space<vmem>> -> memref<128xi32, #tpu.memory_space<vmem>>
    %dma_wait3A_72 = arith.constant 0 : i32
    %dma_wait3A_73 = arith.constant 0 : i32
    %dma_wait3A_74 = tpu.memref_slice %arg18[%dma_wait3A_72, %dma_wait3A_73] : memref<10112x16xf32, #tpu.memory_space<vmem_shared>> -> memref<10112x16xf32, #tpu.memory_space<vmem_shared>>
    tpu.wait_indirect_dma semaphore(%arg20 : memref<!tpu.dma_semaphore, #tpu.memory_space<semaphore_mem>>) src(%dma_wait3A_69 : memref<128x16xf32, #tpu.memory_space<vmem>>) dst(%dma_wait3A_74 : memref<10112x16xf32, #tpu.memory_space<vmem_shared>>)
    %dma_wait3A_75 = arith.constant 1 : i32
    %dma_wait3A_76 = arith.constant 0 : i32
    %dma_wait3A_77 = arith.constant 0 : i32
    %dma_wait3A_78 = tpu.memref_slice %arg10[%dma_wait3A_75, %dma_wait3A_76, %dma_wait3A_77] : memref<6x128x16xf32, #tpu.memory_space<vmem>> -> memref<1x128x16xf32, #tpu.memory_space<vmem>>
    %dma_wait3A_79 = tpu.memref_squeeze %dma_wait3A_78 : memref<1x128x16xf32, #tpu.memory_space<vmem>> -> memref<128x16xf32, #tpu.memory_space<vmem>>
    %dma_wait3A_80 = arith.constant 128 : i32
    %dma_wait3A_81 = tpu.memref_slice %arg9[%dma_wait3A_80] : memref<10112xi32, #tpu.memory_space<vmem>> -> memref<128xi32, #tpu.memory_space<vmem>>
    %dma_wait3A_82 = arith.constant 0 : i32
    %dma_wait3A_83 = arith.constant 0 : i32
    %dma_wait3A_84 = tpu.memref_slice %arg18[%dma_wait3A_82, %dma_wait3A_83] : memref<10112x16xf32, #tpu.memory_space<vmem_shared>> -> memref<10112x16xf32, #tpu.memory_space<vmem_shared>>
    tpu.wait_indirect_dma semaphore(%arg20 : memref<!tpu.dma_semaphore, #tpu.memory_space<semaphore_mem>>) src(%dma_wait3A_79 : memref<128x16xf32, #tpu.memory_space<vmem>>) dst(%dma_wait3A_84 : memref<10112x16xf32, #tpu.memory_space<vmem_shared>>)
    %dma_wait3A_85 = arith.constant 2 : i32
    %dma_wait3A_86 = arith.constant 0 : i32
    %dma_wait3A_87 = arith.constant 0 : i32
    %dma_wait3A_88 = tpu.memref_slice %arg10[%dma_wait3A_85, %dma_wait3A_86, %dma_wait3A_87] : memref<6x128x16xf32, #tpu.memory_space<vmem>> -> memref<1x128x16xf32, #tpu.memory_space<vmem>>
    %dma_wait3A_89 = tpu.memref_squeeze %dma_wait3A_88 : memref<1x128x16xf32, #tpu.memory_space<vmem>> -> memref<128x16xf32, #tpu.memory_space<vmem>>
    %dma_wait3A_90 = arith.constant 256 : i32
    %dma_wait3A_91 = tpu.memref_slice %arg9[%dma_wait3A_90] : memref<10112xi32, #tpu.memory_space<vmem>> -> memref<128xi32, #tpu.memory_space<vmem>>
    %dma_wait3A_92 = arith.constant 0 : i32
    %dma_wait3A_93 = arith.constant 0 : i32
    %dma_wait3A_94 = tpu.memref_slice %arg18[%dma_wait3A_92, %dma_wait3A_93] : memref<10112x16xf32, #tpu.memory_space<vmem_shared>> -> memref<10112x16xf32, #tpu.memory_space<vmem_shared>>
    tpu.wait_indirect_dma semaphore(%arg20 : memref<!tpu.dma_semaphore, #tpu.memory_space<semaphore_mem>>) src(%dma_wait3A_89 : memref<128x16xf32, #tpu.memory_space<vmem>>) dst(%dma_wait3A_94 : memref<10112x16xf32, #tpu.memory_space<vmem_shared>>)
    %barrier3A_95 = arith.constant 0 : index
    tpu.barrier barrier_id(%barrier3A_95)
    %lt3A_96 = arith.constant 8 : i32
    %lt3A_97 = arith.cmpi slt, %arg1, %lt3A_96 : i32
    %convert_element_type3A_98 = arith.extui %lt3A_97 : i1 to i32
    %cond3A_99 = arith.constant 0 : i32
    %cond3A_100 = arith.cmpi ne, %convert_element_type3A_98, %cond3A_99 : i32
    scf.if %cond3A_100 {
      %mul3A_106 = arith.constant 128 : i32
      %mul3A_107 = arith.muli %arg1, %mul3A_106 : i32
      "tpu.region"() ({
        %run_scoped3A_119 = tpu.sem_alloc : memref<!tpu.dma_semaphore, #tpu.memory_space<semaphore_mem>>
        %dma_start3A_120 = tpu.memref_slice %arg4[%mul3A_107] : memref<1024xi32, #tpu.memory_space<hbm>> -> memref<128xi32, #tpu.memory_space<hbm>>
        %dma_start3A_121 = tpu.memref_slice %arg4[%mul3A_107] : memref<1024xi32, #tpu.memory_space<hbm>> -> memref<128xi32, #tpu.memory_space<hbm>>
        tpu.enqueue_dma source(%dma_start3A_121 : memref<128xi32, #tpu.memory_space<hbm>>) target(%arg15 : memref<128xi32, #tpu.memory_space<vmem>>) target_semaphore(%run_scoped3A_119 : memref<!tpu.dma_semaphore, #tpu.memory_space<semaphore_mem>>)
        %dma_wait3A_122 = tpu.memref_slice %arg4[%mul3A_107] : memref<1024xi32, #tpu.memory_space<hbm>> -> memref<128xi32, #tpu.memory_space<hbm>>
        %dma_wait3A_123 = tpu.memref_slice %arg4[%mul3A_107] : memref<1024xi32, #tpu.memory_space<hbm>> -> memref<128xi32, #tpu.memory_space<hbm>>
        tpu.wait_dma2 semaphore(%run_scoped3A_119 : memref<!tpu.dma_semaphore, #tpu.memory_space<semaphore_mem>>) src(%dma_wait3A_123 : memref<128xi32, #tpu.memory_space<hbm>>) dst(%arg15 : memref<128xi32, #tpu.memory_space<vmem>>)
        tpu.yield
      }) : () -> ()
      %dma_start3A_108 = arith.constant 0 : i32
      %dma_start3A_109 = arith.constant 0 : i32
      %dma_start3A_110 = tpu.memref_slice %arg18[%dma_start3A_108, %dma_start3A_109] : memref<10112x16xf32, #tpu.memory_space<vmem_shared>> -> memref<10112x16xf32, #tpu.memory_space<vmem_shared>>
      tpu.enqueue_indirect_dma source(%dma_start3A_110 : memref<10112x16xf32, #tpu.memory_space<vmem_shared>>) target(%arg16 : memref<128x16xf32, #tpu.memory_space<vmem>>) offsets(%arg15 : memref<128xi32, #tpu.memory_space<vmem>>) semaphore(%arg19 : memref<!tpu.dma_semaphore, #tpu.memory_space<semaphore_mem>>)
      %dma_wait3A_111 = arith.constant 0 : i32
      %dma_wait3A_112 = arith.constant 0 : i32
      %dma_wait3A_113 = tpu.memref_slice %arg18[%dma_wait3A_111, %dma_wait3A_112] : memref<10112x16xf32, #tpu.memory_space<vmem_shared>> -> memref<10112x16xf32, #tpu.memory_space<vmem_shared>>
      tpu.wait_indirect_dma semaphore(%arg19 : memref<!tpu.dma_semaphore, #tpu.memory_space<semaphore_mem>>) src(%dma_wait3A_113 : memref<10112x16xf32, #tpu.memory_space<vmem_shared>>) dst(%arg16 : memref<128x16xf32, #tpu.memory_space<vmem>>)
      %mul3A_114 = arith.constant 1024 : i32
      %mul3A_115 = arith.muli %arg0, %mul3A_114 : i32
      %mul3A_116 = arith.constant 128 : i32
      %mul3A_117 = arith.muli %arg1, %mul3A_116 : i32
      %add3A_118 = arith.addi %mul3A_115, %mul3A_117 : i32
      "tpu.region"() ({
        %run_scoped3A_119 = tpu.sem_alloc : memref<!tpu.dma_semaphore, #tpu.memory_space<semaphore_mem>>
        %dma_start3A_120 = arith.constant 0 : i32
        %dma_start3A_121 = tpu.memref_slice %arg7[%add3A_118, %dma_start3A_120] : memref<3072x16xf32, #tpu.memory_space<hbm>> -> memref<128x16xf32, #tpu.memory_space<hbm>>
        %dma_start3A_122 = arith.constant 0 : i32
        %dma_start3A_123 = tpu.memref_slice %arg7[%add3A_118, %dma_start3A_122] : memref<3072x16xf32, #tpu.memory_space<hbm>> -> memref<128x16xf32, #tpu.memory_space<hbm>>
        tpu.enqueue_dma source(%arg16 : memref<128x16xf32, #tpu.memory_space<vmem>>) target(%dma_start3A_123 : memref<128x16xf32, #tpu.memory_space<hbm>>) target_semaphore(%run_scoped3A_119 : memref<!tpu.dma_semaphore, #tpu.memory_space<semaphore_mem>>)
        %dma_wait3A_124 = arith.constant 0 : i32
        %dma_wait3A_125 = tpu.memref_slice %arg7[%add3A_118, %dma_wait3A_124] : memref<3072x16xf32, #tpu.memory_space<hbm>> -> memref<128x16xf32, #tpu.memory_space<hbm>>
        %dma_wait3A_126 = arith.constant 0 : i32
        %dma_wait3A_127 = tpu.memref_slice %arg7[%add3A_118, %dma_wait3A_126] : memref<3072x16xf32, #tpu.memory_space<hbm>> -> memref<128x16xf32, #tpu.memory_space<hbm>>
        tpu.wait_dma2 semaphore(%run_scoped3A_119 : memref<!tpu.dma_semaphore, #tpu.memory_space<semaphore_mem>>) src(%arg16 : memref<128x16xf32, #tpu.memory_space<vmem>>) dst(%dma_wait3A_127 : memref<128x16xf32, #tpu.memory_space<hbm>>)
        tpu.yield
      }) : () -> ()
    } else {
    }
    %ge3A = arith.constant 8 : i32
    %ge3A_101 = arith.cmpi sge, %arg1, %ge3A : i32
    %eq3A = arith.constant 0 : i32
    %eq3A_102 = arith.cmpi eq, %arg0, %eq3A : i32
    %and3A = arith.andi %ge3A_101, %eq3A_102 : i1
    %convert_element_type3A_103 = arith.extui %and3A : i1 to i32
    %cond3A_104 = arith.constant 0 : i32
    %cond3A_105 = arith.cmpi ne, %convert_element_type3A_103, %cond3A_104 : i32
    scf.if %cond3A_105 {
      %sub3A = arith.constant 8 : i32
      %sub3A_106 = arith.subi %arg1, %sub3A : i32
      %mul3A_107 = arith.constant 128 : i32
      %mul3A_108 = arith.muli %sub3A_106, %mul3A_107 : i32
      "tpu.region"() ({
        %run_scoped3A_121 = tpu.sem_alloc : memref<!tpu.dma_semaphore, #tpu.memory_space<semaphore_mem>>
        %dma_start3A_122 = tpu.memref_slice %arg4[%mul3A_108] : memref<1024xi32, #tpu.memory_space<hbm>> -> memref<128xi32, #tpu.memory_space<hbm>>
        %dma_start3A_123 = tpu.memref_slice %arg4[%mul3A_108] : memref<1024xi32, #tpu.memory_space<hbm>> -> memref<128xi32, #tpu.memory_space<hbm>>
        tpu.enqueue_dma source(%dma_start3A_123 : memref<128xi32, #tpu.memory_space<hbm>>) target(%arg15 : memref<128xi32, #tpu.memory_space<vmem>>) target_semaphore(%run_scoped3A_121 : memref<!tpu.dma_semaphore, #tpu.memory_space<semaphore_mem>>)
        %dma_wait3A_124 = tpu.memref_slice %arg4[%mul3A_108] : memref<1024xi32, #tpu.memory_space<hbm>> -> memref<128xi32, #tpu.memory_space<hbm>>
        %dma_wait3A_125 = tpu.memref_slice %arg4[%mul3A_108] : memref<1024xi32, #tpu.memory_space<hbm>> -> memref<128xi32, #tpu.memory_space<hbm>>
        tpu.wait_dma2 semaphore(%run_scoped3A_121 : memref<!tpu.dma_semaphore, #tpu.memory_space<semaphore_mem>>) src(%dma_wait3A_125 : memref<128xi32, #tpu.memory_space<hbm>>) dst(%arg15 : memref<128xi32, #tpu.memory_space<vmem>>)
        tpu.yield
      }) : () -> ()
      %dma_start3A_109 = arith.constant 0 : i32
      %dma_start3A_110 = arith.constant 0 : i32
      %dma_start3A_111 = tpu.memref_slice %arg5[%dma_start3A_109, %dma_start3A_110] : memref<10112x16xf32, #tpu.memory_space<hbm>> -> memref<10112x16xf32, #tpu.memory_space<hbm>>
      tpu.enqueue_indirect_dma source(%dma_start3A_111 : memref<10112x16xf32, #tpu.memory_space<hbm>>) target(%arg16 : memref<128x16xf32, #tpu.memory_space<vmem>>) offsets(%arg15 : memref<128xi32, #tpu.memory_space<vmem>>) semaphore(%arg19 : memref<!tpu.dma_semaphore, #tpu.memory_space<semaphore_mem>>)
      %dma_wait3A_112 = arith.constant 0 : i32
      %dma_wait3A_113 = arith.constant 0 : i32
      %dma_wait3A_114 = tpu.memref_slice %arg5[%dma_wait3A_112, %dma_wait3A_113] : memref<10112x16xf32, #tpu.memory_space<hbm>> -> memref<10112x16xf32, #tpu.memory_space<hbm>>
      tpu.wait_indirect_dma semaphore(%arg19 : memref<!tpu.dma_semaphore, #tpu.memory_space<semaphore_mem>>) src(%dma_wait3A_114 : memref<10112x16xf32, #tpu.memory_space<hbm>>) dst(%arg16 : memref<128x16xf32, #tpu.memory_space<vmem>>)
      %sub3A_115 = arith.constant 8 : i32
      %sub3A_116 = arith.subi %arg1, %sub3A_115 : i32
      %mul3A_117 = arith.constant 128 : i32
      %mul3A_118 = arith.muli %sub3A_116, %mul3A_117 : i32
      %add3A_119 = arith.constant 2048 : i32
      %add3A_120 = arith.addi %add3A_119, %mul3A_118 : i32
      "tpu.region"() ({
        %run_scoped3A_121 = tpu.sem_alloc : memref<!tpu.dma_semaphore, #tpu.memory_space<semaphore_mem>>
        %dma_start3A_122 = arith.constant 0 : i32
        %dma_start3A_123 = tpu.memref_slice %arg7[%add3A_120, %dma_start3A_122] : memref<3072x16xf32, #tpu.memory_space<hbm>> -> memref<128x16xf32, #tpu.memory_space<hbm>>
        %dma_start3A_124 = arith.constant 0 : i32
        %dma_start3A_125 = tpu.memref_slice %arg7[%add3A_120, %dma_start3A_124] : memref<3072x16xf32, #tpu.memory_space<hbm>> -> memref<128x16xf32, #tpu.memory_space<hbm>>
        tpu.enqueue_dma source(%arg16 : memref<128x16xf32, #tpu.memory_space<vmem>>) target(%dma_start3A_125 : memref<128x16xf32, #tpu.memory_space<hbm>>) target_semaphore(%run_scoped3A_121 : memref<!tpu.dma_semaphore, #tpu.memory_space<semaphore_mem>>)
        %dma_wait3A_126 = arith.constant 0 : i32
        %dma_wait3A_127 = tpu.memref_slice %arg7[%add3A_120, %dma_wait3A_126] : memref<3072x16xf32, #tpu.memory_space<hbm>> -> memref<128x16xf32, #tpu.memory_space<hbm>>
        %dma_wait3A_128 = arith.constant 0 : i32
        %dma_wait3A_129 = tpu.memref_slice %arg7[%add3A_120, %dma_wait3A_128] : memref<3072x16xf32, #tpu.memory_space<hbm>> -> memref<128x16xf32, #tpu.memory_space<hbm>>
        tpu.wait_dma2 semaphore(%run_scoped3A_121 : memref<!tpu.dma_semaphore, #tpu.memory_space<semaphore_mem>>) src(%arg16 : memref<128x16xf32, #tpu.memory_space<vmem>>) dst(%dma_wait3A_129 : memref<128x16xf32, #tpu.memory_space<hbm>>)
        tpu.yield
      }) : () -> ()
    } else {
    }
    return
  }
}

#map = affine_map<(d0, d1) -> (0, 0)>
module attributes {stable_mosaic.version = 14 : i64} {
  func.func @_prop1_body(%arg0: i32, %arg1: i32, %arg2: memref<10112x16xf32, #tpu.memory_space<hbm>>, %arg3: memref<2x320000xi32, #tpu.memory_space<hbm>>, %arg4: memref<10112x16xf32, #tpu.memory_space<hbm>>, %arg5: memref<20224x16xf32, #tpu.memory_space<hbm>>, %arg6: memref<10112xi32, #tpu.memory_space<vmem>>, %arg7: memref<10112xi32, #tpu.memory_space<vmem>>, %arg8: memref<6x128x16xf32, #tpu.memory_space<vmem>>, %arg9: memref<10112x16xf32, #tpu.memory_space<vmem_shared>>, %arg10: memref<10112x16xf32, #tpu.memory_space<vmem_shared>>, %arg11: memref<!tpu.dma_semaphore, #tpu.memory_space<semaphore_mem>>, %arg12: memref<!tpu.dma_semaphore, #tpu.memory_space<semaphore_mem>>) attributes {dimension_semantics = [#tpu.dimension_semantics<core_parallel>, #tpu.dimension_semantics<subcore_parallel>], iteration_bounds = array<i64: 2, 16>, scalar_prefetch = 0 : i64, scratch_operands = 7 : i64, tpu.core_type = #tpu.core_type<sc_vector_subcore>, window_params = [{transform_indices = #map}, {transform_indices = #map}, {transform_indices = #map}, {transform_indices = #map}]} {
    %mul3A = arith.constant 2 : i32
    %mul3A_0 = arith.muli %arg1, %mul3A : i32
    %add3A = arith.addi %mul3A_0, %arg0 : i32
    %mul3A_1 = arith.constant 9984 : i32
    %mul3A_2 = arith.muli %add3A, %mul3A_1 : i32
    %run_scoped3A = arith.constant 0 : i32
    "tpu.region"() ({
      %run_scoped3A_97 = tpu.sem_alloc : memref<!tpu.dma_semaphore, #tpu.memory_space<semaphore_mem>>
      %dma_start3A_98 = arith.constant 0 : i32
      %dma_start3A_99 = tpu.memref_slice %arg6[%dma_start3A_98] : memref<10112xi32, #tpu.memory_space<vmem>> -> memref<9984xi32, #tpu.memory_space<vmem>>
      %dma_start3A_100 = tpu.memref_slice %arg3[%run_scoped3A, %mul3A_2] : memref<2x320000xi32, #tpu.memory_space<hbm>> -> memref<1x9984xi32, #tpu.memory_space<hbm>>
      %dma_start3A_101 = tpu.memref_squeeze %dma_start3A_100 : memref<1x9984xi32, #tpu.memory_space<hbm>> -> memref<9984xi32, #tpu.memory_space<hbm>>
      %dma_start3A_102 = arith.constant 0 : i32
      %dma_start3A_103 = tpu.memref_slice %arg6[%dma_start3A_102] : memref<10112xi32, #tpu.memory_space<vmem>> -> memref<9984xi32, #tpu.memory_space<vmem>>
      %dma_start3A_104 = tpu.memref_slice %arg3[%run_scoped3A, %mul3A_2] : memref<2x320000xi32, #tpu.memory_space<hbm>> -> memref<1x9984xi32, #tpu.memory_space<hbm>>
      %dma_start3A_105 = tpu.memref_squeeze %dma_start3A_104 : memref<1x9984xi32, #tpu.memory_space<hbm>> -> memref<9984xi32, #tpu.memory_space<hbm>>
      tpu.enqueue_dma source(%dma_start3A_105 : memref<9984xi32, #tpu.memory_space<hbm>>) target(%dma_start3A_103 : memref<9984xi32, #tpu.memory_space<vmem>>) target_semaphore(%run_scoped3A_97 : memref<!tpu.dma_semaphore, #tpu.memory_space<semaphore_mem>>)
      %dma_wait3A_106 = arith.constant 0 : i32
      %dma_wait3A_107 = tpu.memref_slice %arg6[%dma_wait3A_106] : memref<10112xi32, #tpu.memory_space<vmem>> -> memref<9984xi32, #tpu.memory_space<vmem>>
      %dma_wait3A_108 = tpu.memref_slice %arg3[%run_scoped3A, %mul3A_2] : memref<2x320000xi32, #tpu.memory_space<hbm>> -> memref<1x9984xi32, #tpu.memory_space<hbm>>
      %dma_wait3A_109 = tpu.memref_squeeze %dma_wait3A_108 : memref<1x9984xi32, #tpu.memory_space<hbm>> -> memref<9984xi32, #tpu.memory_space<hbm>>
      %dma_wait3A_110 = arith.constant 0 : i32
      %dma_wait3A_111 = tpu.memref_slice %arg6[%dma_wait3A_110] : memref<10112xi32, #tpu.memory_space<vmem>> -> memref<9984xi32, #tpu.memory_space<vmem>>
      %dma_wait3A_112 = tpu.memref_slice %arg3[%run_scoped3A, %mul3A_2] : memref<2x320000xi32, #tpu.memory_space<hbm>> -> memref<1x9984xi32, #tpu.memory_space<hbm>>
      %dma_wait3A_113 = tpu.memref_squeeze %dma_wait3A_112 : memref<1x9984xi32, #tpu.memory_space<hbm>> -> memref<9984xi32, #tpu.memory_space<hbm>>
      tpu.wait_dma2 semaphore(%run_scoped3A_97 : memref<!tpu.dma_semaphore, #tpu.memory_space<semaphore_mem>>) src(%dma_wait3A_113 : memref<9984xi32, #tpu.memory_space<hbm>>) dst(%dma_wait3A_111 : memref<9984xi32, #tpu.memory_space<vmem>>)
      tpu.yield
    }) : () -> ()
    %lt3A = arith.constant 4 : i32
    %lt3A_3 = arith.cmpi slt, %add3A, %lt3A : i32
    %convert_element_type3A = arith.extui %lt3A_3 : i1 to i32
    %cond3A = arith.constant 0 : i32
    %cond3A_4 = arith.cmpi ne, %convert_element_type3A, %cond3A : i32
    scf.if %cond3A_4 {
      %mul3A_97 = arith.constant 128 : i32
      %mul3A_98 = arith.muli %add3A, %mul3A_97 : i32
      %add3A_99 = arith.constant 319488 : i32
      %add3A_100 = arith.addi %add3A_99, %mul3A_98 : i32
      %run_scoped3A_101 = arith.constant 0 : i32
      "tpu.region"() ({
        %run_scoped3A_102 = tpu.sem_alloc : memref<!tpu.dma_semaphore, #tpu.memory_space<semaphore_mem>>
        %dma_start3A_103 = arith.constant 9984 : i32
        %dma_start3A_104 = tpu.memref_slice %arg6[%dma_start3A_103] : memref<10112xi32, #tpu.memory_space<vmem>> -> memref<128xi32, #tpu.memory_space<vmem>>
        %dma_start3A_105 = tpu.memref_slice %arg3[%run_scoped3A_101, %add3A_100] : memref<2x320000xi32, #tpu.memory_space<hbm>> -> memref<1x128xi32, #tpu.memory_space<hbm>>
        %dma_start3A_106 = tpu.memref_squeeze %dma_start3A_105 : memref<1x128xi32, #tpu.memory_space<hbm>> -> memref<128xi32, #tpu.memory_space<hbm>>
        %dma_start3A_107 = arith.constant 9984 : i32
        %dma_start3A_108 = tpu.memref_slice %arg6[%dma_start3A_107] : memref<10112xi32, #tpu.memory_space<vmem>> -> memref<128xi32, #tpu.memory_space<vmem>>
        %dma_start3A_109 = tpu.memref_slice %arg3[%run_scoped3A_101, %add3A_100] : memref<2x320000xi32, #tpu.memory_space<hbm>> -> memref<1x128xi32, #tpu.memory_space<hbm>>
        %dma_start3A_110 = tpu.memref_squeeze %dma_start3A_109 : memref<1x128xi32, #tpu.memory_space<hbm>> -> memref<128xi32, #tpu.memory_space<hbm>>
        tpu.enqueue_dma source(%dma_start3A_110 : memref<128xi32, #tpu.memory_space<hbm>>) target(%dma_start3A_108 : memref<128xi32, #tpu.memory_space<vmem>>) target_semaphore(%run_scoped3A_102 : memref<!tpu.dma_semaphore, #tpu.memory_space<semaphore_mem>>)
        %dma_wait3A_111 = arith.constant 9984 : i32
        %dma_wait3A_112 = tpu.memref_slice %arg6[%dma_wait3A_111] : memref<10112xi32, #tpu.memory_space<vmem>> -> memref<128xi32, #tpu.memory_space<vmem>>
        %dma_wait3A_113 = tpu.memref_slice %arg3[%run_scoped3A_101, %add3A_100] : memref<2x320000xi32, #tpu.memory_space<hbm>> -> memref<1x128xi32, #tpu.memory_space<hbm>>
        %dma_wait3A_114 = tpu.memref_squeeze %dma_wait3A_113 : memref<1x128xi32, #tpu.memory_space<hbm>> -> memref<128xi32, #tpu.memory_space<hbm>>
        %dma_wait3A_115 = arith.constant 9984 : i32
        %dma_wait3A_116 = tpu.memref_slice %arg6[%dma_wait3A_115] : memref<10112xi32, #tpu.memory_space<vmem>> -> memref<128xi32, #tpu.memory_space<vmem>>
        %dma_wait3A_117 = tpu.memref_slice %arg3[%run_scoped3A_101, %add3A_100] : memref<2x320000xi32, #tpu.memory_space<hbm>> -> memref<1x128xi32, #tpu.memory_space<hbm>>
        %dma_wait3A_118 = tpu.memref_squeeze %dma_wait3A_117 : memref<1x128xi32, #tpu.memory_space<hbm>> -> memref<128xi32, #tpu.memory_space<hbm>>
        tpu.wait_dma2 semaphore(%run_scoped3A_102 : memref<!tpu.dma_semaphore, #tpu.memory_space<semaphore_mem>>) src(%dma_wait3A_118 : memref<128xi32, #tpu.memory_space<hbm>>) dst(%dma_wait3A_116 : memref<128xi32, #tpu.memory_space<vmem>>)
        tpu.yield
      }) : () -> ()
    } else {
    }
    %mul3A_5 = arith.constant 9984 : i32
    %mul3A_6 = arith.muli %add3A, %mul3A_5 : i32
    %run_scoped3A_7 = arith.constant 1 : i32
    "tpu.region"() ({
      %run_scoped3A_97 = tpu.sem_alloc : memref<!tpu.dma_semaphore, #tpu.memory_space<semaphore_mem>>
      %dma_start3A_98 = arith.constant 0 : i32
      %dma_start3A_99 = tpu.memref_slice %arg7[%dma_start3A_98] : memref<10112xi32, #tpu.memory_space<vmem>> -> memref<9984xi32, #tpu.memory_space<vmem>>
      %dma_start3A_100 = tpu.memref_slice %arg3[%run_scoped3A_7, %mul3A_6] : memref<2x320000xi32, #tpu.memory_space<hbm>> -> memref<1x9984xi32, #tpu.memory_space<hbm>>
      %dma_start3A_101 = tpu.memref_squeeze %dma_start3A_100 : memref<1x9984xi32, #tpu.memory_space<hbm>> -> memref<9984xi32, #tpu.memory_space<hbm>>
      %dma_start3A_102 = arith.constant 0 : i32
      %dma_start3A_103 = tpu.memref_slice %arg7[%dma_start3A_102] : memref<10112xi32, #tpu.memory_space<vmem>> -> memref<9984xi32, #tpu.memory_space<vmem>>
      %dma_start3A_104 = tpu.memref_slice %arg3[%run_scoped3A_7, %mul3A_6] : memref<2x320000xi32, #tpu.memory_space<hbm>> -> memref<1x9984xi32, #tpu.memory_space<hbm>>
      %dma_start3A_105 = tpu.memref_squeeze %dma_start3A_104 : memref<1x9984xi32, #tpu.memory_space<hbm>> -> memref<9984xi32, #tpu.memory_space<hbm>>
      tpu.enqueue_dma source(%dma_start3A_105 : memref<9984xi32, #tpu.memory_space<hbm>>) target(%dma_start3A_103 : memref<9984xi32, #tpu.memory_space<vmem>>) target_semaphore(%run_scoped3A_97 : memref<!tpu.dma_semaphore, #tpu.memory_space<semaphore_mem>>)
      %dma_wait3A_106 = arith.constant 0 : i32
      %dma_wait3A_107 = tpu.memref_slice %arg7[%dma_wait3A_106] : memref<10112xi32, #tpu.memory_space<vmem>> -> memref<9984xi32, #tpu.memory_space<vmem>>
      %dma_wait3A_108 = tpu.memref_slice %arg3[%run_scoped3A_7, %mul3A_6] : memref<2x320000xi32, #tpu.memory_space<hbm>> -> memref<1x9984xi32, #tpu.memory_space<hbm>>
      %dma_wait3A_109 = tpu.memref_squeeze %dma_wait3A_108 : memref<1x9984xi32, #tpu.memory_space<hbm>> -> memref<9984xi32, #tpu.memory_space<hbm>>
      %dma_wait3A_110 = arith.constant 0 : i32
      %dma_wait3A_111 = tpu.memref_slice %arg7[%dma_wait3A_110] : memref<10112xi32, #tpu.memory_space<vmem>> -> memref<9984xi32, #tpu.memory_space<vmem>>
      %dma_wait3A_112 = tpu.memref_slice %arg3[%run_scoped3A_7, %mul3A_6] : memref<2x320000xi32, #tpu.memory_space<hbm>> -> memref<1x9984xi32, #tpu.memory_space<hbm>>
      %dma_wait3A_113 = tpu.memref_squeeze %dma_wait3A_112 : memref<1x9984xi32, #tpu.memory_space<hbm>> -> memref<9984xi32, #tpu.memory_space<hbm>>
      tpu.wait_dma2 semaphore(%run_scoped3A_97 : memref<!tpu.dma_semaphore, #tpu.memory_space<semaphore_mem>>) src(%dma_wait3A_113 : memref<9984xi32, #tpu.memory_space<hbm>>) dst(%dma_wait3A_111 : memref<9984xi32, #tpu.memory_space<vmem>>)
      tpu.yield
    }) : () -> ()
    %lt3A_8 = arith.constant 4 : i32
    %lt3A_9 = arith.cmpi slt, %add3A, %lt3A_8 : i32
    %convert_element_type3A_10 = arith.extui %lt3A_9 : i1 to i32
    %cond3A_11 = arith.constant 0 : i32
    %cond3A_12 = arith.cmpi ne, %convert_element_type3A_10, %cond3A_11 : i32
    scf.if %cond3A_12 {
      %mul3A_97 = arith.constant 128 : i32
      %mul3A_98 = arith.muli %add3A, %mul3A_97 : i32
      %add3A_99 = arith.constant 319488 : i32
      %add3A_100 = arith.addi %add3A_99, %mul3A_98 : i32
      %run_scoped3A_101 = arith.constant 1 : i32
      "tpu.region"() ({
        %run_scoped3A_102 = tpu.sem_alloc : memref<!tpu.dma_semaphore, #tpu.memory_space<semaphore_mem>>
        %dma_start3A_103 = arith.constant 9984 : i32
        %dma_start3A_104 = tpu.memref_slice %arg7[%dma_start3A_103] : memref<10112xi32, #tpu.memory_space<vmem>> -> memref<128xi32, #tpu.memory_space<vmem>>
        %dma_start3A_105 = tpu.memref_slice %arg3[%run_scoped3A_101, %add3A_100] : memref<2x320000xi32, #tpu.memory_space<hbm>> -> memref<1x128xi32, #tpu.memory_space<hbm>>
        %dma_start3A_106 = tpu.memref_squeeze %dma_start3A_105 : memref<1x128xi32, #tpu.memory_space<hbm>> -> memref<128xi32, #tpu.memory_space<hbm>>
        %dma_start3A_107 = arith.constant 9984 : i32
        %dma_start3A_108 = tpu.memref_slice %arg7[%dma_start3A_107] : memref<10112xi32, #tpu.memory_space<vmem>> -> memref<128xi32, #tpu.memory_space<vmem>>
        %dma_start3A_109 = tpu.memref_slice %arg3[%run_scoped3A_101, %add3A_100] : memref<2x320000xi32, #tpu.memory_space<hbm>> -> memref<1x128xi32, #tpu.memory_space<hbm>>
        %dma_start3A_110 = tpu.memref_squeeze %dma_start3A_109 : memref<1x128xi32, #tpu.memory_space<hbm>> -> memref<128xi32, #tpu.memory_space<hbm>>
        tpu.enqueue_dma source(%dma_start3A_110 : memref<128xi32, #tpu.memory_space<hbm>>) target(%dma_start3A_108 : memref<128xi32, #tpu.memory_space<vmem>>) target_semaphore(%run_scoped3A_102 : memref<!tpu.dma_semaphore, #tpu.memory_space<semaphore_mem>>)
        %dma_wait3A_111 = arith.constant 9984 : i32
        %dma_wait3A_112 = tpu.memref_slice %arg7[%dma_wait3A_111] : memref<10112xi32, #tpu.memory_space<vmem>> -> memref<128xi32, #tpu.memory_space<vmem>>
        %dma_wait3A_113 = tpu.memref_slice %arg3[%run_scoped3A_101, %add3A_100] : memref<2x320000xi32, #tpu.memory_space<hbm>> -> memref<1x128xi32, #tpu.memory_space<hbm>>
        %dma_wait3A_114 = tpu.memref_squeeze %dma_wait3A_113 : memref<1x128xi32, #tpu.memory_space<hbm>> -> memref<128xi32, #tpu.memory_space<hbm>>
        %dma_wait3A_115 = arith.constant 9984 : i32
        %dma_wait3A_116 = tpu.memref_slice %arg7[%dma_wait3A_115] : memref<10112xi32, #tpu.memory_space<vmem>> -> memref<128xi32, #tpu.memory_space<vmem>>
        %dma_wait3A_117 = tpu.memref_slice %arg3[%run_scoped3A_101, %add3A_100] : memref<2x320000xi32, #tpu.memory_space<hbm>> -> memref<1x128xi32, #tpu.memory_space<hbm>>
        %dma_wait3A_118 = tpu.memref_squeeze %dma_wait3A_117 : memref<1x128xi32, #tpu.memory_space<hbm>> -> memref<128xi32, #tpu.memory_space<hbm>>
        tpu.wait_dma2 semaphore(%run_scoped3A_102 : memref<!tpu.dma_semaphore, #tpu.memory_space<semaphore_mem>>) src(%dma_wait3A_118 : memref<128xi32, #tpu.memory_space<hbm>>) dst(%dma_wait3A_116 : memref<128xi32, #tpu.memory_space<vmem>>)
        tpu.yield
      }) : () -> ()
    } else {
    }
    %mul3A_13 = arith.constant 632 : i32
    %mul3A_14 = arith.muli %arg1, %mul3A_13 : i32
    %mul3A_15 = arith.constant 632 : i32
    %mul3A_16 = arith.muli %arg1, %mul3A_15 : i32
    "tpu.region"() ({
      %run_scoped3A_97 = tpu.sem_alloc : memref<!tpu.dma_semaphore, #tpu.memory_space<semaphore_mem>>
      %dma_start3A_98 = arith.constant 0 : i32
      %dma_start3A_99 = tpu.memref_slice %arg10[%mul3A_16, %dma_start3A_98] : memref<10112x16xf32, #tpu.memory_space<vmem_shared>> -> memref<632x16xf32, #tpu.memory_space<vmem_shared>>
      %dma_start3A_100 = arith.constant 0 : i32
      %dma_start3A_101 = tpu.memref_slice %arg4[%mul3A_14, %dma_start3A_100] : memref<10112x16xf32, #tpu.memory_space<hbm>> -> memref<632x16xf32, #tpu.memory_space<hbm>>
      tpu.enqueue_dma source(%dma_start3A_101 : memref<632x16xf32, #tpu.memory_space<hbm>>) target(%dma_start3A_99 : memref<632x16xf32, #tpu.memory_space<vmem_shared>>) target_semaphore(%run_scoped3A_97 : memref<!tpu.dma_semaphore, #tpu.memory_space<semaphore_mem>>)
      %dma_wait3A_102 = arith.constant 0 : i32
      %dma_wait3A_103 = tpu.memref_slice %arg10[%mul3A_16, %dma_wait3A_102] : memref<10112x16xf32, #tpu.memory_space<vmem_shared>> -> memref<632x16xf32, #tpu.memory_space<vmem_shared>>
      %dma_wait3A_104 = arith.constant 0 : i32
      %dma_wait3A_105 = tpu.memref_slice %arg4[%mul3A_14, %dma_wait3A_104] : memref<10112x16xf32, #tpu.memory_space<hbm>> -> memref<632x16xf32, #tpu.memory_space<hbm>>
      tpu.wait_dma2 semaphore(%run_scoped3A_97 : memref<!tpu.dma_semaphore, #tpu.memory_space<semaphore_mem>>) src(%dma_wait3A_105 : memref<632x16xf32, #tpu.memory_space<hbm>>) dst(%dma_wait3A_103 : memref<632x16xf32, #tpu.memory_space<vmem_shared>>)
      tpu.yield
    }) : () -> ()
    %mul3A_17 = arith.constant 632 : i32
    %mul3A_18 = arith.muli %arg1, %mul3A_17 : i32
    %mul3A_19 = arith.constant 632 : i32
    %mul3A_20 = arith.muli %arg1, %mul3A_19 : i32
    "tpu.region"() ({
      %run_scoped3A_97 = tpu.sem_alloc : memref<!tpu.dma_semaphore, #tpu.memory_space<semaphore_mem>>
      %dma_start3A_98 = arith.constant 0 : i32
      %dma_start3A_99 = tpu.memref_slice %arg9[%mul3A_20, %dma_start3A_98] : memref<10112x16xf32, #tpu.memory_space<vmem_shared>> -> memref<632x16xf32, #tpu.memory_space<vmem_shared>>
      %dma_start3A_100 = arith.constant 0 : i32
      %dma_start3A_101 = tpu.memref_slice %arg2[%mul3A_18, %dma_start3A_100] : memref<10112x16xf32, #tpu.memory_space<hbm>> -> memref<632x16xf32, #tpu.memory_space<hbm>>
      tpu.enqueue_dma source(%dma_start3A_101 : memref<632x16xf32, #tpu.memory_space<hbm>>) target(%dma_start3A_99 : memref<632x16xf32, #tpu.memory_space<vmem_shared>>) target_semaphore(%run_scoped3A_97 : memref<!tpu.dma_semaphore, #tpu.memory_space<semaphore_mem>>)
      %dma_wait3A_102 = arith.constant 0 : i32
      %dma_wait3A_103 = tpu.memref_slice %arg9[%mul3A_20, %dma_wait3A_102] : memref<10112x16xf32, #tpu.memory_space<vmem_shared>> -> memref<632x16xf32, #tpu.memory_space<vmem_shared>>
      %dma_wait3A_104 = arith.constant 0 : i32
      %dma_wait3A_105 = tpu.memref_slice %arg2[%mul3A_18, %dma_wait3A_104] : memref<10112x16xf32, #tpu.memory_space<hbm>> -> memref<632x16xf32, #tpu.memory_space<hbm>>
      tpu.wait_dma2 semaphore(%run_scoped3A_97 : memref<!tpu.dma_semaphore, #tpu.memory_space<semaphore_mem>>) src(%dma_wait3A_105 : memref<632x16xf32, #tpu.memory_space<hbm>>) dst(%dma_wait3A_103 : memref<632x16xf32, #tpu.memory_space<vmem_shared>>)
      tpu.yield
    }) : () -> ()
    %barrier3A = arith.constant 0 : index
    tpu.barrier barrier_id(%barrier3A)
    %dma_start3A = arith.constant 0 : i32
    %dma_start3A_21 = arith.constant 0 : i32
    %dma_start3A_22 = arith.constant 0 : i32
    %dma_start3A_23 = tpu.memref_slice %arg8[%dma_start3A, %dma_start3A_21, %dma_start3A_22] : memref<6x128x16xf32, #tpu.memory_space<vmem>> -> memref<1x128x16xf32, #tpu.memory_space<vmem>>
    %dma_start3A_24 = tpu.memref_squeeze %dma_start3A_23 : memref<1x128x16xf32, #tpu.memory_space<vmem>> -> memref<128x16xf32, #tpu.memory_space<vmem>>
    %dma_start3A_25 = arith.constant 0 : i32
    %dma_start3A_26 = tpu.memref_slice %arg6[%dma_start3A_25] : memref<10112xi32, #tpu.memory_space<vmem>> -> memref<128xi32, #tpu.memory_space<vmem>>
    %dma_start3A_27 = arith.constant 0 : i32
    %dma_start3A_28 = arith.constant 0 : i32
    %dma_start3A_29 = tpu.memref_slice %arg9[%dma_start3A_27, %dma_start3A_28] : memref<10112x16xf32, #tpu.memory_space<vmem_shared>> -> memref<10112x16xf32, #tpu.memory_space<vmem_shared>>
    tpu.enqueue_indirect_dma source(%dma_start3A_29 : memref<10112x16xf32, #tpu.memory_space<vmem_shared>>) target(%dma_start3A_24 : memref<128x16xf32, #tpu.memory_space<vmem>>) offsets(%dma_start3A_26 : memref<128xi32, #tpu.memory_space<vmem>>) semaphore(%arg11 : memref<!tpu.dma_semaphore, #tpu.memory_space<semaphore_mem>>)
    %dma_start3A_30 = arith.constant 1 : i32
    %dma_start3A_31 = arith.constant 0 : i32
    %dma_start3A_32 = arith.constant 0 : i32
    %dma_start3A_33 = tpu.memref_slice %arg8[%dma_start3A_30, %dma_start3A_31, %dma_start3A_32] : memref<6x128x16xf32, #tpu.memory_space<vmem>> -> memref<1x128x16xf32, #tpu.memory_space<vmem>>
    %dma_start3A_34 = tpu.memref_squeeze %dma_start3A_33 : memref<1x128x16xf32, #tpu.memory_space<vmem>> -> memref<128x16xf32, #tpu.memory_space<vmem>>
    %dma_start3A_35 = arith.constant 128 : i32
    %dma_start3A_36 = tpu.memref_slice %arg6[%dma_start3A_35] : memref<10112xi32, #tpu.memory_space<vmem>> -> memref<128xi32, #tpu.memory_space<vmem>>
    %dma_start3A_37 = arith.constant 0 : i32
    %dma_start3A_38 = arith.constant 0 : i32
    %dma_start3A_39 = tpu.memref_slice %arg9[%dma_start3A_37, %dma_start3A_38] : memref<10112x16xf32, #tpu.memory_space<vmem_shared>> -> memref<10112x16xf32, #tpu.memory_space<vmem_shared>>
    tpu.enqueue_indirect_dma source(%dma_start3A_39 : memref<10112x16xf32, #tpu.memory_space<vmem_shared>>) target(%dma_start3A_34 : memref<128x16xf32, #tpu.memory_space<vmem>>) offsets(%dma_start3A_36 : memref<128xi32, #tpu.memory_space<vmem>>) semaphore(%arg11 : memref<!tpu.dma_semaphore, #tpu.memory_space<semaphore_mem>>)
    %dma_start3A_40 = arith.constant 2 : i32
    %dma_start3A_41 = arith.constant 0 : i32
    %dma_start3A_42 = arith.constant 0 : i32
    %dma_start3A_43 = tpu.memref_slice %arg8[%dma_start3A_40, %dma_start3A_41, %dma_start3A_42] : memref<6x128x16xf32, #tpu.memory_space<vmem>> -> memref<1x128x16xf32, #tpu.memory_space<vmem>>
    %dma_start3A_44 = tpu.memref_squeeze %dma_start3A_43 : memref<1x128x16xf32, #tpu.memory_space<vmem>> -> memref<128x16xf32, #tpu.memory_space<vmem>>
    %dma_start3A_45 = arith.constant 256 : i32
    %dma_start3A_46 = tpu.memref_slice %arg6[%dma_start3A_45] : memref<10112xi32, #tpu.memory_space<vmem>> -> memref<128xi32, #tpu.memory_space<vmem>>
    %dma_start3A_47 = arith.constant 0 : i32
    %dma_start3A_48 = arith.constant 0 : i32
    %dma_start3A_49 = tpu.memref_slice %arg9[%dma_start3A_47, %dma_start3A_48] : memref<10112x16xf32, #tpu.memory_space<vmem_shared>> -> memref<10112x16xf32, #tpu.memory_space<vmem_shared>>
    tpu.enqueue_indirect_dma source(%dma_start3A_49 : memref<10112x16xf32, #tpu.memory_space<vmem_shared>>) target(%dma_start3A_44 : memref<128x16xf32, #tpu.memory_space<vmem>>) offsets(%dma_start3A_46 : memref<128xi32, #tpu.memory_space<vmem>>) semaphore(%arg11 : memref<!tpu.dma_semaphore, #tpu.memory_space<semaphore_mem>>)
    %scan3A = arith.constant 0 : i32
    %scan3A_50 = arith.constant 0 : i32
    %scan3A_51 = arith.constant 13 : i32
    %scan3A_52 = arith.addi %scan3A_50, %scan3A_51 : i32
    %scan3A_53 = arith.constant 1 : i32
    scf.for %scan3A_97 = %scan3A_50 to %scan3A_52 step %scan3A_53  : i32 {
      %mul3A_98 = arith.constant 6 : i32
      %mul3A_99 = arith.muli %scan3A_97, %mul3A_98 : i32
      %add3A_100 = arith.constant 0 : i32
      %add3A_101 = arith.addi %mul3A_99, %add3A_100 : i32
      %mul3A_102 = arith.constant 128 : i32
      %mul3A_103 = arith.muli %add3A_101, %mul3A_102 : i32
      %dma_wait3A_104 = arith.constant 0 : i32
      %dma_wait3A_105 = arith.constant 0 : i32
      %dma_wait3A_106 = arith.constant 0 : i32
      %dma_wait3A_107 = tpu.memref_slice %arg8[%dma_wait3A_104, %dma_wait3A_105, %dma_wait3A_106] : memref<6x128x16xf32, #tpu.memory_space<vmem>> -> memref<1x128x16xf32, #tpu.memory_space<vmem>>
      %dma_wait3A_108 = tpu.memref_squeeze %dma_wait3A_107 : memref<1x128x16xf32, #tpu.memory_space<vmem>> -> memref<128x16xf32, #tpu.memory_space<vmem>>
      %dma_wait3A_109 = tpu.memref_slice %arg6[%mul3A_103] : memref<10112xi32, #tpu.memory_space<vmem>> -> memref<128xi32, #tpu.memory_space<vmem>>
      %dma_wait3A_110 = arith.constant 0 : i32
      %dma_wait3A_111 = arith.constant 0 : i32
      %dma_wait3A_112 = tpu.memref_slice %arg9[%dma_wait3A_110, %dma_wait3A_111] : memref<10112x16xf32, #tpu.memory_space<vmem_shared>> -> memref<10112x16xf32, #tpu.memory_space<vmem_shared>>
      tpu.wait_indirect_dma semaphore(%arg11 : memref<!tpu.dma_semaphore, #tpu.memory_space<semaphore_mem>>) src(%dma_wait3A_112 : memref<10112x16xf32, #tpu.memory_space<vmem_shared>>) dst(%dma_wait3A_108 : memref<128x16xf32, #tpu.memory_space<vmem>>)
      %mul3A_113 = arith.constant 128 : i32
      %mul3A_114 = arith.muli %add3A_101, %mul3A_113 : i32
      %dma_start3A_115 = arith.constant 0 : i32
      %dma_start3A_116 = arith.constant 0 : i32
      %dma_start3A_117 = arith.constant 0 : i32
      %dma_start3A_118 = tpu.memref_slice %arg8[%dma_start3A_115, %dma_start3A_116, %dma_start3A_117] : memref<6x128x16xf32, #tpu.memory_space<vmem>> -> memref<1x128x16xf32, #tpu.memory_space<vmem>>
      %dma_start3A_119 = tpu.memref_squeeze %dma_start3A_118 : memref<1x128x16xf32, #tpu.memory_space<vmem>> -> memref<128x16xf32, #tpu.memory_space<vmem>>
      %dma_start3A_120 = tpu.memref_slice %arg7[%mul3A_114] : memref<10112xi32, #tpu.memory_space<vmem>> -> memref<128xi32, #tpu.memory_space<vmem>>
      %dma_start3A_121 = arith.constant 0 : i32
      %dma_start3A_122 = arith.constant 0 : i32
      %dma_start3A_123 = tpu.memref_slice %arg10[%dma_start3A_121, %dma_start3A_122] : memref<10112x16xf32, #tpu.memory_space<vmem_shared>> -> memref<10112x16xf32, #tpu.memory_space<vmem_shared>>
      tpu.enqueue_indirect_dma source(%dma_start3A_119 : memref<128x16xf32, #tpu.memory_space<vmem>>) target(%dma_start3A_123 : memref<10112x16xf32, #tpu.memory_space<vmem_shared>>) offsets(%dma_start3A_120 : memref<128xi32, #tpu.memory_space<vmem>>) semaphore(%arg12 : memref<!tpu.dma_semaphore, #tpu.memory_space<semaphore_mem>>) {add = true}
      %ge3A = arith.constant 3 : i32
      %ge3A_124 = arith.cmpi sge, %add3A_101, %ge3A : i32
      %convert_element_type3A_125 = arith.extui %ge3A_124 : i1 to i32
      %cond3A_126 = arith.constant 0 : i32
      %cond3A_127 = arith.cmpi ne, %convert_element_type3A_125, %cond3A_126 : i32
      scf.if %cond3A_127 {
        %dma_wait3A_325 = arith.constant 0 : i32
        %dma_wait3A_326 = arith.constant 0 : i32
        %dma_wait3A_327 = arith.constant 0 : i32
        %dma_wait3A_328 = tpu.memref_slice %arg8[%dma_wait3A_325, %dma_wait3A_326, %dma_wait3A_327] : memref<6x128x16xf32, #tpu.memory_space<vmem>> -> memref<1x128x16xf32, #tpu.memory_space<vmem>>
        %dma_wait3A_329 = tpu.memref_squeeze %dma_wait3A_328 : memref<1x128x16xf32, #tpu.memory_space<vmem>> -> memref<128x16xf32, #tpu.memory_space<vmem>>
        %dma_wait3A_330 = arith.constant 0 : i32
        %dma_wait3A_331 = tpu.memref_slice %arg7[%dma_wait3A_330] : memref<10112xi32, #tpu.memory_space<vmem>> -> memref<128xi32, #tpu.memory_space<vmem>>
        %dma_wait3A_332 = arith.constant 0 : i32
        %dma_wait3A_333 = arith.constant 0 : i32
        %dma_wait3A_334 = tpu.memref_slice %arg10[%dma_wait3A_332, %dma_wait3A_333] : memref<10112x16xf32, #tpu.memory_space<vmem_shared>> -> memref<10112x16xf32, #tpu.memory_space<vmem_shared>>
        tpu.wait_indirect_dma semaphore(%arg12 : memref<!tpu.dma_semaphore, #tpu.memory_space<semaphore_mem>>) src(%dma_wait3A_329 : memref<128x16xf32, #tpu.memory_space<vmem>>) dst(%dma_wait3A_334 : memref<10112x16xf32, #tpu.memory_space<vmem_shared>>)
      } else {
      }
      %add3A_128 = arith.constant 3 : i32
      %add3A_129 = arith.addi %add3A_101, %add3A_128 : i32
      %lt3A_130 = arith.constant 78 : i32
      %lt3A_131 = arith.cmpi slt, %add3A_129, %lt3A_130 : i32
      %convert_element_type3A_132 = arith.extui %lt3A_131 : i1 to i32
      %cond3A_133 = arith.constant 0 : i32
      %cond3A_134 = arith.cmpi ne, %convert_element_type3A_132, %cond3A_133 : i32
      scf.if %cond3A_134 {
        %add3A_325 = arith.constant 3 : i32
        %add3A_326 = arith.addi %add3A_101, %add3A_325 : i32
        %mul3A_327 = arith.constant 128 : i32
        %mul3A_328 = arith.muli %add3A_326, %mul3A_327 : i32
        %dma_start3A_329 = arith.constant 3 : i32
        %dma_start3A_330 = arith.constant 0 : i32
        %dma_start3A_331 = arith.constant 0 : i32
        %dma_start3A_332 = tpu.memref_slice %arg8[%dma_start3A_329, %dma_start3A_330, %dma_start3A_331] : memref<6x128x16xf32, #tpu.memory_space<vmem>> -> memref<1x128x16xf32, #tpu.memory_space<vmem>>
        %dma_start3A_333 = tpu.memref_squeeze %dma_start3A_332 : memref<1x128x16xf32, #tpu.memory_space<vmem>> -> memref<128x16xf32, #tpu.memory_space<vmem>>
        %dma_start3A_334 = tpu.memref_slice %arg6[%mul3A_328] : memref<10112xi32, #tpu.memory_space<vmem>> -> memref<128xi32, #tpu.memory_space<vmem>>
        %dma_start3A_335 = arith.constant 0 : i32
        %dma_start3A_336 = arith.constant 0 : i32
        %dma_start3A_337 = tpu.memref_slice %arg9[%dma_start3A_335, %dma_start3A_336] : memref<10112x16xf32, #tpu.memory_space<vmem_shared>> -> memref<10112x16xf32, #tpu.memory_space<vmem_shared>>
        tpu.enqueue_indirect_dma source(%dma_start3A_337 : memref<10112x16xf32, #tpu.memory_space<vmem_shared>>) target(%dma_start3A_333 : memref<128x16xf32, #tpu.memory_space<vmem>>) offsets(%dma_start3A_334 : memref<128xi32, #tpu.memory_space<vmem>>) semaphore(%arg11 : memref<!tpu.dma_semaphore, #tpu.memory_space<semaphore_mem>>)
      } else {
      }
      %mul3A_135 = arith.constant 6 : i32
      %mul3A_136 = arith.muli %scan3A_97, %mul3A_135 : i32
      %add3A_137 = arith.constant 1 : i32
      %add3A_138 = arith.addi %mul3A_136, %add3A_137 : i32
      %mul3A_139 = arith.constant 128 : i32
      %mul3A_140 = arith.muli %add3A_138, %mul3A_139 : i32
      %dma_wait3A_141 = arith.constant 1 : i32
      %dma_wait3A_142 = arith.constant 0 : i32
      %dma_wait3A_143 = arith.constant 0 : i32
      %dma_wait3A_144 = tpu.memref_slice %arg8[%dma_wait3A_141, %dma_wait3A_142, %dma_wait3A_143] : memref<6x128x16xf32, #tpu.memory_space<vmem>> -> memref<1x128x16xf32, #tpu.memory_space<vmem>>
      %dma_wait3A_145 = tpu.memref_squeeze %dma_wait3A_144 : memref<1x128x16xf32, #tpu.memory_space<vmem>> -> memref<128x16xf32, #tpu.memory_space<vmem>>
      %dma_wait3A_146 = tpu.memref_slice %arg6[%mul3A_140] : memref<10112xi32, #tpu.memory_space<vmem>> -> memref<128xi32, #tpu.memory_space<vmem>>
      %dma_wait3A_147 = arith.constant 0 : i32
      %dma_wait3A_148 = arith.constant 0 : i32
      %dma_wait3A_149 = tpu.memref_slice %arg9[%dma_wait3A_147, %dma_wait3A_148] : memref<10112x16xf32, #tpu.memory_space<vmem_shared>> -> memref<10112x16xf32, #tpu.memory_space<vmem_shared>>
      tpu.wait_indirect_dma semaphore(%arg11 : memref<!tpu.dma_semaphore, #tpu.memory_space<semaphore_mem>>) src(%dma_wait3A_149 : memref<10112x16xf32, #tpu.memory_space<vmem_shared>>) dst(%dma_wait3A_145 : memref<128x16xf32, #tpu.memory_space<vmem>>)
      %mul3A_150 = arith.constant 128 : i32
      %mul3A_151 = arith.muli %add3A_138, %mul3A_150 : i32
      %dma_start3A_152 = arith.constant 1 : i32
      %dma_start3A_153 = arith.constant 0 : i32
      %dma_start3A_154 = arith.constant 0 : i32
      %dma_start3A_155 = tpu.memref_slice %arg8[%dma_start3A_152, %dma_start3A_153, %dma_start3A_154] : memref<6x128x16xf32, #tpu.memory_space<vmem>> -> memref<1x128x16xf32, #tpu.memory_space<vmem>>
      %dma_start3A_156 = tpu.memref_squeeze %dma_start3A_155 : memref<1x128x16xf32, #tpu.memory_space<vmem>> -> memref<128x16xf32, #tpu.memory_space<vmem>>
      %dma_start3A_157 = tpu.memref_slice %arg7[%mul3A_151] : memref<10112xi32, #tpu.memory_space<vmem>> -> memref<128xi32, #tpu.memory_space<vmem>>
      %dma_start3A_158 = arith.constant 0 : i32
      %dma_start3A_159 = arith.constant 0 : i32
      %dma_start3A_160 = tpu.memref_slice %arg10[%dma_start3A_158, %dma_start3A_159] : memref<10112x16xf32, #tpu.memory_space<vmem_shared>> -> memref<10112x16xf32, #tpu.memory_space<vmem_shared>>
      tpu.enqueue_indirect_dma source(%dma_start3A_156 : memref<128x16xf32, #tpu.memory_space<vmem>>) target(%dma_start3A_160 : memref<10112x16xf32, #tpu.memory_space<vmem_shared>>) offsets(%dma_start3A_157 : memref<128xi32, #tpu.memory_space<vmem>>) semaphore(%arg12 : memref<!tpu.dma_semaphore, #tpu.memory_space<semaphore_mem>>) {add = true}
      %ge3A_161 = arith.constant 3 : i32
      %ge3A_162 = arith.cmpi sge, %add3A_138, %ge3A_161 : i32
      %convert_element_type3A_163 = arith.extui %ge3A_162 : i1 to i32
      %cond3A_164 = arith.constant 0 : i32
      %cond3A_165 = arith.cmpi ne, %convert_element_type3A_163, %cond3A_164 : i32
      scf.if %cond3A_165 {
        %dma_wait3A_325 = arith.constant 1 : i32
        %dma_wait3A_326 = arith.constant 0 : i32
        %dma_wait3A_327 = arith.constant 0 : i32
        %dma_wait3A_328 = tpu.memref_slice %arg8[%dma_wait3A_325, %dma_wait3A_326, %dma_wait3A_327] : memref<6x128x16xf32, #tpu.memory_space<vmem>> -> memref<1x128x16xf32, #tpu.memory_space<vmem>>
        %dma_wait3A_329 = tpu.memref_squeeze %dma_wait3A_328 : memref<1x128x16xf32, #tpu.memory_space<vmem>> -> memref<128x16xf32, #tpu.memory_space<vmem>>
        %dma_wait3A_330 = arith.constant 128 : i32
        %dma_wait3A_331 = tpu.memref_slice %arg7[%dma_wait3A_330] : memref<10112xi32, #tpu.memory_space<vmem>> -> memref<128xi32, #tpu.memory_space<vmem>>
        %dma_wait3A_332 = arith.constant 0 : i32
        %dma_wait3A_333 = arith.constant 0 : i32
        %dma_wait3A_334 = tpu.memref_slice %arg10[%dma_wait3A_332, %dma_wait3A_333] : memref<10112x16xf32, #tpu.memory_space<vmem_shared>> -> memref<10112x16xf32, #tpu.memory_space<vmem_shared>>
        tpu.wait_indirect_dma semaphore(%arg12 : memref<!tpu.dma_semaphore, #tpu.memory_space<semaphore_mem>>) src(%dma_wait3A_329 : memref<128x16xf32, #tpu.memory_space<vmem>>) dst(%dma_wait3A_334 : memref<10112x16xf32, #tpu.memory_space<vmem_shared>>)
      } else {
      }
      %add3A_166 = arith.constant 3 : i32
      %add3A_167 = arith.addi %add3A_138, %add3A_166 : i32
      %lt3A_168 = arith.constant 78 : i32
      %lt3A_169 = arith.cmpi slt, %add3A_167, %lt3A_168 : i32
      %convert_element_type3A_170 = arith.extui %lt3A_169 : i1 to i32
      %cond3A_171 = arith.constant 0 : i32
      %cond3A_172 = arith.cmpi ne, %convert_element_type3A_170, %cond3A_171 : i32
      scf.if %cond3A_172 {
        %add3A_325 = arith.constant 3 : i32
        %add3A_326 = arith.addi %add3A_138, %add3A_325 : i32
        %mul3A_327 = arith.constant 128 : i32
        %mul3A_328 = arith.muli %add3A_326, %mul3A_327 : i32
        %dma_start3A_329 = arith.constant 4 : i32
        %dma_start3A_330 = arith.constant 0 : i32
        %dma_start3A_331 = arith.constant 0 : i32
        %dma_start3A_332 = tpu.memref_slice %arg8[%dma_start3A_329, %dma_start3A_330, %dma_start3A_331] : memref<6x128x16xf32, #tpu.memory_space<vmem>> -> memref<1x128x16xf32, #tpu.memory_space<vmem>>
        %dma_start3A_333 = tpu.memref_squeeze %dma_start3A_332 : memref<1x128x16xf32, #tpu.memory_space<vmem>> -> memref<128x16xf32, #tpu.memory_space<vmem>>
        %dma_start3A_334 = tpu.memref_slice %arg6[%mul3A_328] : memref<10112xi32, #tpu.memory_space<vmem>> -> memref<128xi32, #tpu.memory_space<vmem>>
        %dma_start3A_335 = arith.constant 0 : i32
        %dma_start3A_336 = arith.constant 0 : i32
        %dma_start3A_337 = tpu.memref_slice %arg9[%dma_start3A_335, %dma_start3A_336] : memref<10112x16xf32, #tpu.memory_space<vmem_shared>> -> memref<10112x16xf32, #tpu.memory_space<vmem_shared>>
        tpu.enqueue_indirect_dma source(%dma_start3A_337 : memref<10112x16xf32, #tpu.memory_space<vmem_shared>>) target(%dma_start3A_333 : memref<128x16xf32, #tpu.memory_space<vmem>>) offsets(%dma_start3A_334 : memref<128xi32, #tpu.memory_space<vmem>>) semaphore(%arg11 : memref<!tpu.dma_semaphore, #tpu.memory_space<semaphore_mem>>)
      } else {
      }
      %mul3A_173 = arith.constant 6 : i32
      %mul3A_174 = arith.muli %scan3A_97, %mul3A_173 : i32
      %add3A_175 = arith.constant 2 : i32
      %add3A_176 = arith.addi %mul3A_174, %add3A_175 : i32
      %mul3A_177 = arith.constant 128 : i32
      %mul3A_178 = arith.muli %add3A_176, %mul3A_177 : i32
      %dma_wait3A_179 = arith.constant 2 : i32
      %dma_wait3A_180 = arith.constant 0 : i32
      %dma_wait3A_181 = arith.constant 0 : i32
      %dma_wait3A_182 = tpu.memref_slice %arg8[%dma_wait3A_179, %dma_wait3A_180, %dma_wait3A_181] : memref<6x128x16xf32, #tpu.memory_space<vmem>> -> memref<1x128x16xf32, #tpu.memory_space<vmem>>
      %dma_wait3A_183 = tpu.memref_squeeze %dma_wait3A_182 : memref<1x128x16xf32, #tpu.memory_space<vmem>> -> memref<128x16xf32, #tpu.memory_space<vmem>>
      %dma_wait3A_184 = tpu.memref_slice %arg6[%mul3A_178] : memref<10112xi32, #tpu.memory_space<vmem>> -> memref<128xi32, #tpu.memory_space<vmem>>
      %dma_wait3A_185 = arith.constant 0 : i32
      %dma_wait3A_186 = arith.constant 0 : i32
      %dma_wait3A_187 = tpu.memref_slice %arg9[%dma_wait3A_185, %dma_wait3A_186] : memref<10112x16xf32, #tpu.memory_space<vmem_shared>> -> memref<10112x16xf32, #tpu.memory_space<vmem_shared>>
      tpu.wait_indirect_dma semaphore(%arg11 : memref<!tpu.dma_semaphore, #tpu.memory_space<semaphore_mem>>) src(%dma_wait3A_187 : memref<10112x16xf32, #tpu.memory_space<vmem_shared>>) dst(%dma_wait3A_183 : memref<128x16xf32, #tpu.memory_space<vmem>>)
      %mul3A_188 = arith.constant 128 : i32
      %mul3A_189 = arith.muli %add3A_176, %mul3A_188 : i32
      %dma_start3A_190 = arith.constant 2 : i32
      %dma_start3A_191 = arith.constant 0 : i32
      %dma_start3A_192 = arith.constant 0 : i32
      %dma_start3A_193 = tpu.memref_slice %arg8[%dma_start3A_190, %dma_start3A_191, %dma_start3A_192] : memref<6x128x16xf32, #tpu.memory_space<vmem>> -> memref<1x128x16xf32, #tpu.memory_space<vmem>>
      %dma_start3A_194 = tpu.memref_squeeze %dma_start3A_193 : memref<1x128x16xf32, #tpu.memory_space<vmem>> -> memref<128x16xf32, #tpu.memory_space<vmem>>
      %dma_start3A_195 = tpu.memref_slice %arg7[%mul3A_189] : memref<10112xi32, #tpu.memory_space<vmem>> -> memref<128xi32, #tpu.memory_space<vmem>>
      %dma_start3A_196 = arith.constant 0 : i32
      %dma_start3A_197 = arith.constant 0 : i32
      %dma_start3A_198 = tpu.memref_slice %arg10[%dma_start3A_196, %dma_start3A_197] : memref<10112x16xf32, #tpu.memory_space<vmem_shared>> -> memref<10112x16xf32, #tpu.memory_space<vmem_shared>>
      tpu.enqueue_indirect_dma source(%dma_start3A_194 : memref<128x16xf32, #tpu.memory_space<vmem>>) target(%dma_start3A_198 : memref<10112x16xf32, #tpu.memory_space<vmem_shared>>) offsets(%dma_start3A_195 : memref<128xi32, #tpu.memory_space<vmem>>) semaphore(%arg12 : memref<!tpu.dma_semaphore, #tpu.memory_space<semaphore_mem>>) {add = true}
      %ge3A_199 = arith.constant 3 : i32
      %ge3A_200 = arith.cmpi sge, %add3A_176, %ge3A_199 : i32
      %convert_element_type3A_201 = arith.extui %ge3A_200 : i1 to i32
      %cond3A_202 = arith.constant 0 : i32
      %cond3A_203 = arith.cmpi ne, %convert_element_type3A_201, %cond3A_202 : i32
      scf.if %cond3A_203 {
        %dma_wait3A_325 = arith.constant 2 : i32
        %dma_wait3A_326 = arith.constant 0 : i32
        %dma_wait3A_327 = arith.constant 0 : i32
        %dma_wait3A_328 = tpu.memref_slice %arg8[%dma_wait3A_325, %dma_wait3A_326, %dma_wait3A_327] : memref<6x128x16xf32, #tpu.memory_space<vmem>> -> memref<1x128x16xf32, #tpu.memory_space<vmem>>
        %dma_wait3A_329 = tpu.memref_squeeze %dma_wait3A_328 : memref<1x128x16xf32, #tpu.memory_space<vmem>> -> memref<128x16xf32, #tpu.memory_space<vmem>>
        %dma_wait3A_330 = arith.constant 256 : i32
        %dma_wait3A_331 = tpu.memref_slice %arg7[%dma_wait3A_330] : memref<10112xi32, #tpu.memory_space<vmem>> -> memref<128xi32, #tpu.memory_space<vmem>>
        %dma_wait3A_332 = arith.constant 0 : i32
        %dma_wait3A_333 = arith.constant 0 : i32
        %dma_wait3A_334 = tpu.memref_slice %arg10[%dma_wait3A_332, %dma_wait3A_333] : memref<10112x16xf32, #tpu.memory_space<vmem_shared>> -> memref<10112x16xf32, #tpu.memory_space<vmem_shared>>
        tpu.wait_indirect_dma semaphore(%arg12 : memref<!tpu.dma_semaphore, #tpu.memory_space<semaphore_mem>>) src(%dma_wait3A_329 : memref<128x16xf32, #tpu.memory_space<vmem>>) dst(%dma_wait3A_334 : memref<10112x16xf32, #tpu.memory_space<vmem_shared>>)
      } else {
      }
      %add3A_204 = arith.constant 3 : i32
      %add3A_205 = arith.addi %add3A_176, %add3A_204 : i32
      %lt3A_206 = arith.constant 78 : i32
      %lt3A_207 = arith.cmpi slt, %add3A_205, %lt3A_206 : i32
      %convert_element_type3A_208 = arith.extui %lt3A_207 : i1 to i32
      %cond3A_209 = arith.constant 0 : i32
      %cond3A_210 = arith.cmpi ne, %convert_element_type3A_208, %cond3A_209 : i32
      scf.if %cond3A_210 {
        %add3A_325 = arith.constant 3 : i32
        %add3A_326 = arith.addi %add3A_176, %add3A_325 : i32
        %mul3A_327 = arith.constant 128 : i32
        %mul3A_328 = arith.muli %add3A_326, %mul3A_327 : i32
        %dma_start3A_329 = arith.constant 5 : i32
        %dma_start3A_330 = arith.constant 0 : i32
        %dma_start3A_331 = arith.constant 0 : i32
        %dma_start3A_332 = tpu.memref_slice %arg8[%dma_start3A_329, %dma_start3A_330, %dma_start3A_331] : memref<6x128x16xf32, #tpu.memory_space<vmem>> -> memref<1x128x16xf32, #tpu.memory_space<vmem>>
        %dma_start3A_333 = tpu.memref_squeeze %dma_start3A_332 : memref<1x128x16xf32, #tpu.memory_space<vmem>> -> memref<128x16xf32, #tpu.memory_space<vmem>>
        %dma_start3A_334 = tpu.memref_slice %arg6[%mul3A_328] : memref<10112xi32, #tpu.memory_space<vmem>> -> memref<128xi32, #tpu.memory_space<vmem>>
        %dma_start3A_335 = arith.constant 0 : i32
        %dma_start3A_336 = arith.constant 0 : i32
        %dma_start3A_337 = tpu.memref_slice %arg9[%dma_start3A_335, %dma_start3A_336] : memref<10112x16xf32, #tpu.memory_space<vmem_shared>> -> memref<10112x16xf32, #tpu.memory_space<vmem_shared>>
        tpu.enqueue_indirect_dma source(%dma_start3A_337 : memref<10112x16xf32, #tpu.memory_space<vmem_shared>>) target(%dma_start3A_333 : memref<128x16xf32, #tpu.memory_space<vmem>>) offsets(%dma_start3A_334 : memref<128xi32, #tpu.memory_space<vmem>>) semaphore(%arg11 : memref<!tpu.dma_semaphore, #tpu.memory_space<semaphore_mem>>)
      } else {
      }
      %mul3A_211 = arith.constant 6 : i32
      %mul3A_212 = arith.muli %scan3A_97, %mul3A_211 : i32
      %add3A_213 = arith.constant 3 : i32
      %add3A_214 = arith.addi %mul3A_212, %add3A_213 : i32
      %mul3A_215 = arith.constant 128 : i32
      %mul3A_216 = arith.muli %add3A_214, %mul3A_215 : i32
      %dma_wait3A_217 = arith.constant 3 : i32
      %dma_wait3A_218 = arith.constant 0 : i32
      %dma_wait3A_219 = arith.constant 0 : i32
      %dma_wait3A_220 = tpu.memref_slice %arg8[%dma_wait3A_217, %dma_wait3A_218, %dma_wait3A_219] : memref<6x128x16xf32, #tpu.memory_space<vmem>> -> memref<1x128x16xf32, #tpu.memory_space<vmem>>
      %dma_wait3A_221 = tpu.memref_squeeze %dma_wait3A_220 : memref<1x128x16xf32, #tpu.memory_space<vmem>> -> memref<128x16xf32, #tpu.memory_space<vmem>>
      %dma_wait3A_222 = tpu.memref_slice %arg6[%mul3A_216] : memref<10112xi32, #tpu.memory_space<vmem>> -> memref<128xi32, #tpu.memory_space<vmem>>
      %dma_wait3A_223 = arith.constant 0 : i32
      %dma_wait3A_224 = arith.constant 0 : i32
      %dma_wait3A_225 = tpu.memref_slice %arg9[%dma_wait3A_223, %dma_wait3A_224] : memref<10112x16xf32, #tpu.memory_space<vmem_shared>> -> memref<10112x16xf32, #tpu.memory_space<vmem_shared>>
      tpu.wait_indirect_dma semaphore(%arg11 : memref<!tpu.dma_semaphore, #tpu.memory_space<semaphore_mem>>) src(%dma_wait3A_225 : memref<10112x16xf32, #tpu.memory_space<vmem_shared>>) dst(%dma_wait3A_221 : memref<128x16xf32, #tpu.memory_space<vmem>>)
      %mul3A_226 = arith.constant 128 : i32
      %mul3A_227 = arith.muli %add3A_214, %mul3A_226 : i32
      %dma_start3A_228 = arith.constant 3 : i32
      %dma_start3A_229 = arith.constant 0 : i32
      %dma_start3A_230 = arith.constant 0 : i32
      %dma_start3A_231 = tpu.memref_slice %arg8[%dma_start3A_228, %dma_start3A_229, %dma_start3A_230] : memref<6x128x16xf32, #tpu.memory_space<vmem>> -> memref<1x128x16xf32, #tpu.memory_space<vmem>>
      %dma_start3A_232 = tpu.memref_squeeze %dma_start3A_231 : memref<1x128x16xf32, #tpu.memory_space<vmem>> -> memref<128x16xf32, #tpu.memory_space<vmem>>
      %dma_start3A_233 = tpu.memref_slice %arg7[%mul3A_227] : memref<10112xi32, #tpu.memory_space<vmem>> -> memref<128xi32, #tpu.memory_space<vmem>>
      %dma_start3A_234 = arith.constant 0 : i32
      %dma_start3A_235 = arith.constant 0 : i32
      %dma_start3A_236 = tpu.memref_slice %arg10[%dma_start3A_234, %dma_start3A_235] : memref<10112x16xf32, #tpu.memory_space<vmem_shared>> -> memref<10112x16xf32, #tpu.memory_space<vmem_shared>>
      tpu.enqueue_indirect_dma source(%dma_start3A_232 : memref<128x16xf32, #tpu.memory_space<vmem>>) target(%dma_start3A_236 : memref<10112x16xf32, #tpu.memory_space<vmem_shared>>) offsets(%dma_start3A_233 : memref<128xi32, #tpu.memory_space<vmem>>) semaphore(%arg12 : memref<!tpu.dma_semaphore, #tpu.memory_space<semaphore_mem>>) {add = true}
      %ge3A_237 = arith.constant 3 : i32
      %ge3A_238 = arith.cmpi sge, %add3A_214, %ge3A_237 : i32
      %convert_element_type3A_239 = arith.extui %ge3A_238 : i1 to i32
      %cond3A_240 = arith.constant 0 : i32
      %cond3A_241 = arith.cmpi ne, %convert_element_type3A_239, %cond3A_240 : i32
      scf.if %cond3A_241 {
        %dma_wait3A_325 = arith.constant 3 : i32
        %dma_wait3A_326 = arith.constant 0 : i32
        %dma_wait3A_327 = arith.constant 0 : i32
        %dma_wait3A_328 = tpu.memref_slice %arg8[%dma_wait3A_325, %dma_wait3A_326, %dma_wait3A_327] : memref<6x128x16xf32, #tpu.memory_space<vmem>> -> memref<1x128x16xf32, #tpu.memory_space<vmem>>
        %dma_wait3A_329 = tpu.memref_squeeze %dma_wait3A_328 : memref<1x128x16xf32, #tpu.memory_space<vmem>> -> memref<128x16xf32, #tpu.memory_space<vmem>>
        %dma_wait3A_330 = arith.constant 384 : i32
        %dma_wait3A_331 = tpu.memref_slice %arg7[%dma_wait3A_330] : memref<10112xi32, #tpu.memory_space<vmem>> -> memref<128xi32, #tpu.memory_space<vmem>>
        %dma_wait3A_332 = arith.constant 0 : i32
        %dma_wait3A_333 = arith.constant 0 : i32
        %dma_wait3A_334 = tpu.memref_slice %arg10[%dma_wait3A_332, %dma_wait3A_333] : memref<10112x16xf32, #tpu.memory_space<vmem_shared>> -> memref<10112x16xf32, #tpu.memory_space<vmem_shared>>
        tpu.wait_indirect_dma semaphore(%arg12 : memref<!tpu.dma_semaphore, #tpu.memory_space<semaphore_mem>>) src(%dma_wait3A_329 : memref<128x16xf32, #tpu.memory_space<vmem>>) dst(%dma_wait3A_334 : memref<10112x16xf32, #tpu.memory_space<vmem_shared>>)
      } else {
      }
      %add3A_242 = arith.constant 3 : i32
      %add3A_243 = arith.addi %add3A_214, %add3A_242 : i32
      %lt3A_244 = arith.constant 78 : i32
      %lt3A_245 = arith.cmpi slt, %add3A_243, %lt3A_244 : i32
      %convert_element_type3A_246 = arith.extui %lt3A_245 : i1 to i32
      %cond3A_247 = arith.constant 0 : i32
      %cond3A_248 = arith.cmpi ne, %convert_element_type3A_246, %cond3A_247 : i32
      scf.if %cond3A_248 {
        %add3A_325 = arith.constant 3 : i32
        %add3A_326 = arith.addi %add3A_214, %add3A_325 : i32
        %mul3A_327 = arith.constant 128 : i32
        %mul3A_328 = arith.muli %add3A_326, %mul3A_327 : i32
        %dma_start3A_329 = arith.constant 0 : i32
        %dma_start3A_330 = arith.constant 0 : i32
        %dma_start3A_331 = arith.constant 0 : i32
        %dma_start3A_332 = tpu.memref_slice %arg8[%dma_start3A_329, %dma_start3A_330, %dma_start3A_331] : memref<6x128x16xf32, #tpu.memory_space<vmem>> -> memref<1x128x16xf32, #tpu.memory_space<vmem>>
        %dma_start3A_333 = tpu.memref_squeeze %dma_start3A_332 : memref<1x128x16xf32, #tpu.memory_space<vmem>> -> memref<128x16xf32, #tpu.memory_space<vmem>>
        %dma_start3A_334 = tpu.memref_slice %arg6[%mul3A_328] : memref<10112xi32, #tpu.memory_space<vmem>> -> memref<128xi32, #tpu.memory_space<vmem>>
        %dma_start3A_335 = arith.constant 0 : i32
        %dma_start3A_336 = arith.constant 0 : i32
        %dma_start3A_337 = tpu.memref_slice %arg9[%dma_start3A_335, %dma_start3A_336] : memref<10112x16xf32, #tpu.memory_space<vmem_shared>> -> memref<10112x16xf32, #tpu.memory_space<vmem_shared>>
        tpu.enqueue_indirect_dma source(%dma_start3A_337 : memref<10112x16xf32, #tpu.memory_space<vmem_shared>>) target(%dma_start3A_333 : memref<128x16xf32, #tpu.memory_space<vmem>>) offsets(%dma_start3A_334 : memref<128xi32, #tpu.memory_space<vmem>>) semaphore(%arg11 : memref<!tpu.dma_semaphore, #tpu.memory_space<semaphore_mem>>)
      } else {
      }
      %mul3A_249 = arith.constant 6 : i32
      %mul3A_250 = arith.muli %scan3A_97, %mul3A_249 : i32
      %add3A_251 = arith.constant 4 : i32
      %add3A_252 = arith.addi %mul3A_250, %add3A_251 : i32
      %mul3A_253 = arith.constant 128 : i32
      %mul3A_254 = arith.muli %add3A_252, %mul3A_253 : i32
      %dma_wait3A_255 = arith.constant 4 : i32
      %dma_wait3A_256 = arith.constant 0 : i32
      %dma_wait3A_257 = arith.constant 0 : i32
      %dma_wait3A_258 = tpu.memref_slice %arg8[%dma_wait3A_255, %dma_wait3A_256, %dma_wait3A_257] : memref<6x128x16xf32, #tpu.memory_space<vmem>> -> memref<1x128x16xf32, #tpu.memory_space<vmem>>
      %dma_wait3A_259 = tpu.memref_squeeze %dma_wait3A_258 : memref<1x128x16xf32, #tpu.memory_space<vmem>> -> memref<128x16xf32, #tpu.memory_space<vmem>>
      %dma_wait3A_260 = tpu.memref_slice %arg6[%mul3A_254] : memref<10112xi32, #tpu.memory_space<vmem>> -> memref<128xi32, #tpu.memory_space<vmem>>
      %dma_wait3A_261 = arith.constant 0 : i32
      %dma_wait3A_262 = arith.constant 0 : i32
      %dma_wait3A_263 = tpu.memref_slice %arg9[%dma_wait3A_261, %dma_wait3A_262] : memref<10112x16xf32, #tpu.memory_space<vmem_shared>> -> memref<10112x16xf32, #tpu.memory_space<vmem_shared>>
      tpu.wait_indirect_dma semaphore(%arg11 : memref<!tpu.dma_semaphore, #tpu.memory_space<semaphore_mem>>) src(%dma_wait3A_263 : memref<10112x16xf32, #tpu.memory_space<vmem_shared>>) dst(%dma_wait3A_259 : memref<128x16xf32, #tpu.memory_space<vmem>>)
      %mul3A_264 = arith.constant 128 : i32
      %mul3A_265 = arith.muli %add3A_252, %mul3A_264 : i32
      %dma_start3A_266 = arith.constant 4 : i32
      %dma_start3A_267 = arith.constant 0 : i32
      %dma_start3A_268 = arith.constant 0 : i32
      %dma_start3A_269 = tpu.memref_slice %arg8[%dma_start3A_266, %dma_start3A_267, %dma_start3A_268] : memref<6x128x16xf32, #tpu.memory_space<vmem>> -> memref<1x128x16xf32, #tpu.memory_space<vmem>>
      %dma_start3A_270 = tpu.memref_squeeze %dma_start3A_269 : memref<1x128x16xf32, #tpu.memory_space<vmem>> -> memref<128x16xf32, #tpu.memory_space<vmem>>
      %dma_start3A_271 = tpu.memref_slice %arg7[%mul3A_265] : memref<10112xi32, #tpu.memory_space<vmem>> -> memref<128xi32, #tpu.memory_space<vmem>>
      %dma_start3A_272 = arith.constant 0 : i32
      %dma_start3A_273 = arith.constant 0 : i32
      %dma_start3A_274 = tpu.memref_slice %arg10[%dma_start3A_272, %dma_start3A_273] : memref<10112x16xf32, #tpu.memory_space<vmem_shared>> -> memref<10112x16xf32, #tpu.memory_space<vmem_shared>>
      tpu.enqueue_indirect_dma source(%dma_start3A_270 : memref<128x16xf32, #tpu.memory_space<vmem>>) target(%dma_start3A_274 : memref<10112x16xf32, #tpu.memory_space<vmem_shared>>) offsets(%dma_start3A_271 : memref<128xi32, #tpu.memory_space<vmem>>) semaphore(%arg12 : memref<!tpu.dma_semaphore, #tpu.memory_space<semaphore_mem>>) {add = true}
      %ge3A_275 = arith.constant 3 : i32
      %ge3A_276 = arith.cmpi sge, %add3A_252, %ge3A_275 : i32
      %convert_element_type3A_277 = arith.extui %ge3A_276 : i1 to i32
      %cond3A_278 = arith.constant 0 : i32
      %cond3A_279 = arith.cmpi ne, %convert_element_type3A_277, %cond3A_278 : i32
      scf.if %cond3A_279 {
        %dma_wait3A_325 = arith.constant 4 : i32
        %dma_wait3A_326 = arith.constant 0 : i32
        %dma_wait3A_327 = arith.constant 0 : i32
        %dma_wait3A_328 = tpu.memref_slice %arg8[%dma_wait3A_325, %dma_wait3A_326, %dma_wait3A_327] : memref<6x128x16xf32, #tpu.memory_space<vmem>> -> memref<1x128x16xf32, #tpu.memory_space<vmem>>
        %dma_wait3A_329 = tpu.memref_squeeze %dma_wait3A_328 : memref<1x128x16xf32, #tpu.memory_space<vmem>> -> memref<128x16xf32, #tpu.memory_space<vmem>>
        %dma_wait3A_330 = arith.constant 512 : i32
        %dma_wait3A_331 = tpu.memref_slice %arg7[%dma_wait3A_330] : memref<10112xi32, #tpu.memory_space<vmem>> -> memref<128xi32, #tpu.memory_space<vmem>>
        %dma_wait3A_332 = arith.constant 0 : i32
        %dma_wait3A_333 = arith.constant 0 : i32
        %dma_wait3A_334 = tpu.memref_slice %arg10[%dma_wait3A_332, %dma_wait3A_333] : memref<10112x16xf32, #tpu.memory_space<vmem_shared>> -> memref<10112x16xf32, #tpu.memory_space<vmem_shared>>
        tpu.wait_indirect_dma semaphore(%arg12 : memref<!tpu.dma_semaphore, #tpu.memory_space<semaphore_mem>>) src(%dma_wait3A_329 : memref<128x16xf32, #tpu.memory_space<vmem>>) dst(%dma_wait3A_334 : memref<10112x16xf32, #tpu.memory_space<vmem_shared>>)
      } else {
      }
      %add3A_280 = arith.constant 3 : i32
      %add3A_281 = arith.addi %add3A_252, %add3A_280 : i32
      %lt3A_282 = arith.constant 78 : i32
      %lt3A_283 = arith.cmpi slt, %add3A_281, %lt3A_282 : i32
      %convert_element_type3A_284 = arith.extui %lt3A_283 : i1 to i32
      %cond3A_285 = arith.constant 0 : i32
      %cond3A_286 = arith.cmpi ne, %convert_element_type3A_284, %cond3A_285 : i32
      scf.if %cond3A_286 {
        %add3A_325 = arith.constant 3 : i32
        %add3A_326 = arith.addi %add3A_252, %add3A_325 : i32
        %mul3A_327 = arith.constant 128 : i32
        %mul3A_328 = arith.muli %add3A_326, %mul3A_327 : i32
        %dma_start3A_329 = arith.constant 1 : i32
        %dma_start3A_330 = arith.constant 0 : i32
        %dma_start3A_331 = arith.constant 0 : i32
        %dma_start3A_332 = tpu.memref_slice %arg8[%dma_start3A_329, %dma_start3A_330, %dma_start3A_331] : memref<6x128x16xf32, #tpu.memory_space<vmem>> -> memref<1x128x16xf32, #tpu.memory_space<vmem>>
        %dma_start3A_333 = tpu.memref_squeeze %dma_start3A_332 : memref<1x128x16xf32, #tpu.memory_space<vmem>> -> memref<128x16xf32, #tpu.memory_space<vmem>>
        %dma_start3A_334 = tpu.memref_slice %arg6[%mul3A_328] : memref<10112xi32, #tpu.memory_space<vmem>> -> memref<128xi32, #tpu.memory_space<vmem>>
        %dma_start3A_335 = arith.constant 0 : i32
        %dma_start3A_336 = arith.constant 0 : i32
        %dma_start3A_337 = tpu.memref_slice %arg9[%dma_start3A_335, %dma_start3A_336] : memref<10112x16xf32, #tpu.memory_space<vmem_shared>> -> memref<10112x16xf32, #tpu.memory_space<vmem_shared>>
        tpu.enqueue_indirect_dma source(%dma_start3A_337 : memref<10112x16xf32, #tpu.memory_space<vmem_shared>>) target(%dma_start3A_333 : memref<128x16xf32, #tpu.memory_space<vmem>>) offsets(%dma_start3A_334 : memref<128xi32, #tpu.memory_space<vmem>>) semaphore(%arg11 : memref<!tpu.dma_semaphore, #tpu.memory_space<semaphore_mem>>)
      } else {
      }
      %mul3A_287 = arith.constant 6 : i32
      %mul3A_288 = arith.muli %scan3A_97, %mul3A_287 : i32
      %add3A_289 = arith.constant 5 : i32
      %add3A_290 = arith.addi %mul3A_288, %add3A_289 : i32
      %mul3A_291 = arith.constant 128 : i32
      %mul3A_292 = arith.muli %add3A_290, %mul3A_291 : i32
      %dma_wait3A_293 = arith.constant 5 : i32
      %dma_wait3A_294 = arith.constant 0 : i32
      %dma_wait3A_295 = arith.constant 0 : i32
      %dma_wait3A_296 = tpu.memref_slice %arg8[%dma_wait3A_293, %dma_wait3A_294, %dma_wait3A_295] : memref<6x128x16xf32, #tpu.memory_space<vmem>> -> memref<1x128x16xf32, #tpu.memory_space<vmem>>
      %dma_wait3A_297 = tpu.memref_squeeze %dma_wait3A_296 : memref<1x128x16xf32, #tpu.memory_space<vmem>> -> memref<128x16xf32, #tpu.memory_space<vmem>>
      %dma_wait3A_298 = tpu.memref_slice %arg6[%mul3A_292] : memref<10112xi32, #tpu.memory_space<vmem>> -> memref<128xi32, #tpu.memory_space<vmem>>
      %dma_wait3A_299 = arith.constant 0 : i32
      %dma_wait3A_300 = arith.constant 0 : i32
      %dma_wait3A_301 = tpu.memref_slice %arg9[%dma_wait3A_299, %dma_wait3A_300] : memref<10112x16xf32, #tpu.memory_space<vmem_shared>> -> memref<10112x16xf32, #tpu.memory_space<vmem_shared>>
      tpu.wait_indirect_dma semaphore(%arg11 : memref<!tpu.dma_semaphore, #tpu.memory_space<semaphore_mem>>) src(%dma_wait3A_301 : memref<10112x16xf32, #tpu.memory_space<vmem_shared>>) dst(%dma_wait3A_297 : memref<128x16xf32, #tpu.memory_space<vmem>>)
      %mul3A_302 = arith.constant 128 : i32
      %mul3A_303 = arith.muli %add3A_290, %mul3A_302 : i32
      %dma_start3A_304 = arith.constant 5 : i32
      %dma_start3A_305 = arith.constant 0 : i32
      %dma_start3A_306 = arith.constant 0 : i32
      %dma_start3A_307 = tpu.memref_slice %arg8[%dma_start3A_304, %dma_start3A_305, %dma_start3A_306] : memref<6x128x16xf32, #tpu.memory_space<vmem>> -> memref<1x128x16xf32, #tpu.memory_space<vmem>>
      %dma_start3A_308 = tpu.memref_squeeze %dma_start3A_307 : memref<1x128x16xf32, #tpu.memory_space<vmem>> -> memref<128x16xf32, #tpu.memory_space<vmem>>
      %dma_start3A_309 = tpu.memref_slice %arg7[%mul3A_303] : memref<10112xi32, #tpu.memory_space<vmem>> -> memref<128xi32, #tpu.memory_space<vmem>>
      %dma_start3A_310 = arith.constant 0 : i32
      %dma_start3A_311 = arith.constant 0 : i32
      %dma_start3A_312 = tpu.memref_slice %arg10[%dma_start3A_310, %dma_start3A_311] : memref<10112x16xf32, #tpu.memory_space<vmem_shared>> -> memref<10112x16xf32, #tpu.memory_space<vmem_shared>>
      tpu.enqueue_indirect_dma source(%dma_start3A_308 : memref<128x16xf32, #tpu.memory_space<vmem>>) target(%dma_start3A_312 : memref<10112x16xf32, #tpu.memory_space<vmem_shared>>) offsets(%dma_start3A_309 : memref<128xi32, #tpu.memory_space<vmem>>) semaphore(%arg12 : memref<!tpu.dma_semaphore, #tpu.memory_space<semaphore_mem>>) {add = true}
      %ge3A_313 = arith.constant 3 : i32
      %ge3A_314 = arith.cmpi sge, %add3A_290, %ge3A_313 : i32
      %convert_element_type3A_315 = arith.extui %ge3A_314 : i1 to i32
      %cond3A_316 = arith.constant 0 : i32
      %cond3A_317 = arith.cmpi ne, %convert_element_type3A_315, %cond3A_316 : i32
      scf.if %cond3A_317 {
        %dma_wait3A_325 = arith.constant 5 : i32
        %dma_wait3A_326 = arith.constant 0 : i32
        %dma_wait3A_327 = arith.constant 0 : i32
        %dma_wait3A_328 = tpu.memref_slice %arg8[%dma_wait3A_325, %dma_wait3A_326, %dma_wait3A_327] : memref<6x128x16xf32, #tpu.memory_space<vmem>> -> memref<1x128x16xf32, #tpu.memory_space<vmem>>
        %dma_wait3A_329 = tpu.memref_squeeze %dma_wait3A_328 : memref<1x128x16xf32, #tpu.memory_space<vmem>> -> memref<128x16xf32, #tpu.memory_space<vmem>>
        %dma_wait3A_330 = arith.constant 640 : i32
        %dma_wait3A_331 = tpu.memref_slice %arg7[%dma_wait3A_330] : memref<10112xi32, #tpu.memory_space<vmem>> -> memref<128xi32, #tpu.memory_space<vmem>>
        %dma_wait3A_332 = arith.constant 0 : i32
        %dma_wait3A_333 = arith.constant 0 : i32
        %dma_wait3A_334 = tpu.memref_slice %arg10[%dma_wait3A_332, %dma_wait3A_333] : memref<10112x16xf32, #tpu.memory_space<vmem_shared>> -> memref<10112x16xf32, #tpu.memory_space<vmem_shared>>
        tpu.wait_indirect_dma semaphore(%arg12 : memref<!tpu.dma_semaphore, #tpu.memory_space<semaphore_mem>>) src(%dma_wait3A_329 : memref<128x16xf32, #tpu.memory_space<vmem>>) dst(%dma_wait3A_334 : memref<10112x16xf32, #tpu.memory_space<vmem_shared>>)
      } else {
      }
      %add3A_318 = arith.constant 3 : i32
      %add3A_319 = arith.addi %add3A_290, %add3A_318 : i32
      %lt3A_320 = arith.constant 78 : i32
      %lt3A_321 = arith.cmpi slt, %add3A_319, %lt3A_320 : i32
      %convert_element_type3A_322 = arith.extui %lt3A_321 : i1 to i32
      %cond3A_323 = arith.constant 0 : i32
      %cond3A_324 = arith.cmpi ne, %convert_element_type3A_322, %cond3A_323 : i32
      scf.if %cond3A_324 {
        %add3A_325 = arith.constant 3 : i32
        %add3A_326 = arith.addi %add3A_290, %add3A_325 : i32
        %mul3A_327 = arith.constant 128 : i32
        %mul3A_328 = arith.muli %add3A_326, %mul3A_327 : i32
        %dma_start3A_329 = arith.constant 2 : i32
        %dma_start3A_330 = arith.constant 0 : i32
        %dma_start3A_331 = arith.constant 0 : i32
        %dma_start3A_332 = tpu.memref_slice %arg8[%dma_start3A_329, %dma_start3A_330, %dma_start3A_331] : memref<6x128x16xf32, #tpu.memory_space<vmem>> -> memref<1x128x16xf32, #tpu.memory_space<vmem>>
        %dma_start3A_333 = tpu.memref_squeeze %dma_start3A_332 : memref<1x128x16xf32, #tpu.memory_space<vmem>> -> memref<128x16xf32, #tpu.memory_space<vmem>>
        %dma_start3A_334 = tpu.memref_slice %arg6[%mul3A_328] : memref<10112xi32, #tpu.memory_space<vmem>> -> memref<128xi32, #tpu.memory_space<vmem>>
        %dma_start3A_335 = arith.constant 0 : i32
        %dma_start3A_336 = arith.constant 0 : i32
        %dma_start3A_337 = tpu.memref_slice %arg9[%dma_start3A_335, %dma_start3A_336] : memref<10112x16xf32, #tpu.memory_space<vmem_shared>> -> memref<10112x16xf32, #tpu.memory_space<vmem_shared>>
        tpu.enqueue_indirect_dma source(%dma_start3A_337 : memref<10112x16xf32, #tpu.memory_space<vmem_shared>>) target(%dma_start3A_333 : memref<128x16xf32, #tpu.memory_space<vmem>>) offsets(%dma_start3A_334 : memref<128xi32, #tpu.memory_space<vmem>>) semaphore(%arg11 : memref<!tpu.dma_semaphore, #tpu.memory_space<semaphore_mem>>)
      } else {
      }
    }
    %scan3A_54 = arith.constant 13 : i32
    %lt3A_55 = arith.constant 4 : i32
    %lt3A_56 = arith.cmpi slt, %add3A, %lt3A_55 : i32
    %convert_element_type3A_57 = arith.extui %lt3A_56 : i1 to i32
    %cond3A_58 = arith.constant 0 : i32
    %cond3A_59 = arith.cmpi ne, %convert_element_type3A_57, %cond3A_58 : i32
    scf.if %cond3A_59 {
      %dma_start3A_97 = arith.constant 0 : i32
      %dma_start3A_98 = arith.constant 0 : i32
      %dma_start3A_99 = arith.constant 0 : i32
      %dma_start3A_100 = tpu.memref_slice %arg8[%dma_start3A_97, %dma_start3A_98, %dma_start3A_99] : memref<6x128x16xf32, #tpu.memory_space<vmem>> -> memref<1x128x16xf32, #tpu.memory_space<vmem>>
      %dma_start3A_101 = tpu.memref_squeeze %dma_start3A_100 : memref<1x128x16xf32, #tpu.memory_space<vmem>> -> memref<128x16xf32, #tpu.memory_space<vmem>>
      %dma_start3A_102 = arith.constant 9984 : i32
      %dma_start3A_103 = tpu.memref_slice %arg6[%dma_start3A_102] : memref<10112xi32, #tpu.memory_space<vmem>> -> memref<128xi32, #tpu.memory_space<vmem>>
      %dma_start3A_104 = arith.constant 0 : i32
      %dma_start3A_105 = arith.constant 0 : i32
      %dma_start3A_106 = tpu.memref_slice %arg9[%dma_start3A_104, %dma_start3A_105] : memref<10112x16xf32, #tpu.memory_space<vmem_shared>> -> memref<10112x16xf32, #tpu.memory_space<vmem_shared>>
      tpu.enqueue_indirect_dma source(%dma_start3A_106 : memref<10112x16xf32, #tpu.memory_space<vmem_shared>>) target(%dma_start3A_101 : memref<128x16xf32, #tpu.memory_space<vmem>>) offsets(%dma_start3A_103 : memref<128xi32, #tpu.memory_space<vmem>>) semaphore(%arg11 : memref<!tpu.dma_semaphore, #tpu.memory_space<semaphore_mem>>)
      %dma_wait3A_107 = arith.constant 0 : i32
      %dma_wait3A_108 = arith.constant 0 : i32
      %dma_wait3A_109 = arith.constant 0 : i32
      %dma_wait3A_110 = tpu.memref_slice %arg8[%dma_wait3A_107, %dma_wait3A_108, %dma_wait3A_109] : memref<6x128x16xf32, #tpu.memory_space<vmem>> -> memref<1x128x16xf32, #tpu.memory_space<vmem>>
      %dma_wait3A_111 = tpu.memref_squeeze %dma_wait3A_110 : memref<1x128x16xf32, #tpu.memory_space<vmem>> -> memref<128x16xf32, #tpu.memory_space<vmem>>
      %dma_wait3A_112 = arith.constant 9984 : i32
      %dma_wait3A_113 = tpu.memref_slice %arg6[%dma_wait3A_112] : memref<10112xi32, #tpu.memory_space<vmem>> -> memref<128xi32, #tpu.memory_space<vmem>>
      %dma_wait3A_114 = arith.constant 0 : i32
      %dma_wait3A_115 = arith.constant 0 : i32
      %dma_wait3A_116 = tpu.memref_slice %arg9[%dma_wait3A_114, %dma_wait3A_115] : memref<10112x16xf32, #tpu.memory_space<vmem_shared>> -> memref<10112x16xf32, #tpu.memory_space<vmem_shared>>
      tpu.wait_indirect_dma semaphore(%arg11 : memref<!tpu.dma_semaphore, #tpu.memory_space<semaphore_mem>>) src(%dma_wait3A_116 : memref<10112x16xf32, #tpu.memory_space<vmem_shared>>) dst(%dma_wait3A_111 : memref<128x16xf32, #tpu.memory_space<vmem>>)
      %dma_start3A_117 = arith.constant 0 : i32
      %dma_start3A_118 = arith.constant 0 : i32
      %dma_start3A_119 = arith.constant 0 : i32
      %dma_start3A_120 = tpu.memref_slice %arg8[%dma_start3A_117, %dma_start3A_118, %dma_start3A_119] : memref<6x128x16xf32, #tpu.memory_space<vmem>> -> memref<1x128x16xf32, #tpu.memory_space<vmem>>
      %dma_start3A_121 = tpu.memref_squeeze %dma_start3A_120 : memref<1x128x16xf32, #tpu.memory_space<vmem>> -> memref<128x16xf32, #tpu.memory_space<vmem>>
      %dma_start3A_122 = arith.constant 9984 : i32
      %dma_start3A_123 = tpu.memref_slice %arg7[%dma_start3A_122] : memref<10112xi32, #tpu.memory_space<vmem>> -> memref<128xi32, #tpu.memory_space<vmem>>
      %dma_start3A_124 = arith.constant 0 : i32
      %dma_start3A_125 = arith.constant 0 : i32
      %dma_start3A_126 = tpu.memref_slice %arg10[%dma_start3A_124, %dma_start3A_125] : memref<10112x16xf32, #tpu.memory_space<vmem_shared>> -> memref<10112x16xf32, #tpu.memory_space<vmem_shared>>
      tpu.enqueue_indirect_dma source(%dma_start3A_121 : memref<128x16xf32, #tpu.memory_space<vmem>>) target(%dma_start3A_126 : memref<10112x16xf32, #tpu.memory_space<vmem_shared>>) offsets(%dma_start3A_123 : memref<128xi32, #tpu.memory_space<vmem>>) semaphore(%arg12 : memref<!tpu.dma_semaphore, #tpu.memory_space<semaphore_mem>>) {add = true}
      %dma_wait3A_127 = arith.constant 0 : i32
      %dma_wait3A_128 = arith.constant 0 : i32
      %dma_wait3A_129 = arith.constant 0 : i32
      %dma_wait3A_130 = tpu.memref_slice %arg8[%dma_wait3A_127, %dma_wait3A_128, %dma_wait3A_129] : memref<6x128x16xf32, #tpu.memory_space<vmem>> -> memref<1x128x16xf32, #tpu.memory_space<vmem>>
      %dma_wait3A_131 = tpu.memref_squeeze %dma_wait3A_130 : memref<1x128x16xf32, #tpu.memory_space<vmem>> -> memref<128x16xf32, #tpu.memory_space<vmem>>
      %dma_wait3A_132 = arith.constant 9984 : i32
      %dma_wait3A_133 = tpu.memref_slice %arg7[%dma_wait3A_132] : memref<10112xi32, #tpu.memory_space<vmem>> -> memref<128xi32, #tpu.memory_space<vmem>>
      %dma_wait3A_134 = arith.constant 0 : i32
      %dma_wait3A_135 = arith.constant 0 : i32
      %dma_wait3A_136 = tpu.memref_slice %arg10[%dma_wait3A_134, %dma_wait3A_135] : memref<10112x16xf32, #tpu.memory_space<vmem_shared>> -> memref<10112x16xf32, #tpu.memory_space<vmem_shared>>
      tpu.wait_indirect_dma semaphore(%arg12 : memref<!tpu.dma_semaphore, #tpu.memory_space<semaphore_mem>>) src(%dma_wait3A_131 : memref<128x16xf32, #tpu.memory_space<vmem>>) dst(%dma_wait3A_136 : memref<10112x16xf32, #tpu.memory_space<vmem_shared>>)
    } else {
    }
    %dma_wait3A = arith.constant 0 : i32
    %dma_wait3A_60 = arith.constant 0 : i32
    %dma_wait3A_61 = arith.constant 0 : i32
    %dma_wait3A_62 = tpu.memref_slice %arg8[%dma_wait3A, %dma_wait3A_60, %dma_wait3A_61] : memref<6x128x16xf32, #tpu.memory_space<vmem>> -> memref<1x128x16xf32, #tpu.memory_space<vmem>>
    %dma_wait3A_63 = tpu.memref_squeeze %dma_wait3A_62 : memref<1x128x16xf32, #tpu.memory_space<vmem>> -> memref<128x16xf32, #tpu.memory_space<vmem>>
    %dma_wait3A_64 = arith.constant 0 : i32
    %dma_wait3A_65 = tpu.memref_slice %arg7[%dma_wait3A_64] : memref<10112xi32, #tpu.memory_space<vmem>> -> memref<128xi32, #tpu.memory_space<vmem>>
    %dma_wait3A_66 = arith.constant 0 : i32
    %dma_wait3A_67 = arith.constant 0 : i32
    %dma_wait3A_68 = tpu.memref_slice %arg10[%dma_wait3A_66, %dma_wait3A_67] : memref<10112x16xf32, #tpu.memory_space<vmem_shared>> -> memref<10112x16xf32, #tpu.memory_space<vmem_shared>>
    tpu.wait_indirect_dma semaphore(%arg12 : memref<!tpu.dma_semaphore, #tpu.memory_space<semaphore_mem>>) src(%dma_wait3A_63 : memref<128x16xf32, #tpu.memory_space<vmem>>) dst(%dma_wait3A_68 : memref<10112x16xf32, #tpu.memory_space<vmem_shared>>)
    %dma_wait3A_69 = arith.constant 1 : i32
    %dma_wait3A_70 = arith.constant 0 : i32
    %dma_wait3A_71 = arith.constant 0 : i32
    %dma_wait3A_72 = tpu.memref_slice %arg8[%dma_wait3A_69, %dma_wait3A_70, %dma_wait3A_71] : memref<6x128x16xf32, #tpu.memory_space<vmem>> -> memref<1x128x16xf32, #tpu.memory_space<vmem>>
    %dma_wait3A_73 = tpu.memref_squeeze %dma_wait3A_72 : memref<1x128x16xf32, #tpu.memory_space<vmem>> -> memref<128x16xf32, #tpu.memory_space<vmem>>
    %dma_wait3A_74 = arith.constant 128 : i32
    %dma_wait3A_75 = tpu.memref_slice %arg7[%dma_wait3A_74] : memref<10112xi32, #tpu.memory_space<vmem>> -> memref<128xi32, #tpu.memory_space<vmem>>
    %dma_wait3A_76 = arith.constant 0 : i32
    %dma_wait3A_77 = arith.constant 0 : i32
    %dma_wait3A_78 = tpu.memref_slice %arg10[%dma_wait3A_76, %dma_wait3A_77] : memref<10112x16xf32, #tpu.memory_space<vmem_shared>> -> memref<10112x16xf32, #tpu.memory_space<vmem_shared>>
    tpu.wait_indirect_dma semaphore(%arg12 : memref<!tpu.dma_semaphore, #tpu.memory_space<semaphore_mem>>) src(%dma_wait3A_73 : memref<128x16xf32, #tpu.memory_space<vmem>>) dst(%dma_wait3A_78 : memref<10112x16xf32, #tpu.memory_space<vmem_shared>>)
    %dma_wait3A_79 = arith.constant 2 : i32
    %dma_wait3A_80 = arith.constant 0 : i32
    %dma_wait3A_81 = arith.constant 0 : i32
    %dma_wait3A_82 = tpu.memref_slice %arg8[%dma_wait3A_79, %dma_wait3A_80, %dma_wait3A_81] : memref<6x128x16xf32, #tpu.memory_space<vmem>> -> memref<1x128x16xf32, #tpu.memory_space<vmem>>
    %dma_wait3A_83 = tpu.memref_squeeze %dma_wait3A_82 : memref<1x128x16xf32, #tpu.memory_space<vmem>> -> memref<128x16xf32, #tpu.memory_space<vmem>>
    %dma_wait3A_84 = arith.constant 256 : i32
    %dma_wait3A_85 = tpu.memref_slice %arg7[%dma_wait3A_84] : memref<10112xi32, #tpu.memory_space<vmem>> -> memref<128xi32, #tpu.memory_space<vmem>>
    %dma_wait3A_86 = arith.constant 0 : i32
    %dma_wait3A_87 = arith.constant 0 : i32
    %dma_wait3A_88 = tpu.memref_slice %arg10[%dma_wait3A_86, %dma_wait3A_87] : memref<10112x16xf32, #tpu.memory_space<vmem_shared>> -> memref<10112x16xf32, #tpu.memory_space<vmem_shared>>
    tpu.wait_indirect_dma semaphore(%arg12 : memref<!tpu.dma_semaphore, #tpu.memory_space<semaphore_mem>>) src(%dma_wait3A_83 : memref<128x16xf32, #tpu.memory_space<vmem>>) dst(%dma_wait3A_88 : memref<10112x16xf32, #tpu.memory_space<vmem_shared>>)
    %barrier3A_89 = arith.constant 0 : index
    tpu.barrier barrier_id(%barrier3A_89)
    %mul3A_90 = arith.constant 632 : i32
    %mul3A_91 = arith.muli %arg1, %mul3A_90 : i32
    %mul3A_92 = arith.constant 10112 : i32
    %mul3A_93 = arith.muli %arg0, %mul3A_92 : i32
    %mul3A_94 = arith.constant 632 : i32
    %mul3A_95 = arith.muli %arg1, %mul3A_94 : i32
    %add3A_96 = arith.addi %mul3A_93, %mul3A_95 : i32
    "tpu.region"() ({
      %run_scoped3A_97 = tpu.sem_alloc : memref<!tpu.dma_semaphore, #tpu.memory_space<semaphore_mem>>
      %dma_start3A_98 = arith.constant 0 : i32
      %dma_start3A_99 = tpu.memref_slice %arg5[%add3A_96, %dma_start3A_98] : memref<20224x16xf32, #tpu.memory_space<hbm>> -> memref<632x16xf32, #tpu.memory_space<hbm>>
      %dma_start3A_100 = arith.constant 0 : i32
      %dma_start3A_101 = tpu.memref_slice %arg10[%mul3A_91, %dma_start3A_100] : memref<10112x16xf32, #tpu.memory_space<vmem_shared>> -> memref<632x16xf32, #tpu.memory_space<vmem_shared>>
      tpu.enqueue_dma source(%dma_start3A_101 : memref<632x16xf32, #tpu.memory_space<vmem_shared>>) target(%dma_start3A_99 : memref<632x16xf32, #tpu.memory_space<hbm>>) target_semaphore(%run_scoped3A_97 : memref<!tpu.dma_semaphore, #tpu.memory_space<semaphore_mem>>)
      %dma_wait3A_102 = arith.constant 0 : i32
      %dma_wait3A_103 = tpu.memref_slice %arg5[%add3A_96, %dma_wait3A_102] : memref<20224x16xf32, #tpu.memory_space<hbm>> -> memref<632x16xf32, #tpu.memory_space<hbm>>
      %dma_wait3A_104 = arith.constant 0 : i32
      %dma_wait3A_105 = tpu.memref_slice %arg10[%mul3A_91, %dma_wait3A_104] : memref<10112x16xf32, #tpu.memory_space<vmem_shared>> -> memref<632x16xf32, #tpu.memory_space<vmem_shared>>
      tpu.wait_dma2 semaphore(%run_scoped3A_97 : memref<!tpu.dma_semaphore, #tpu.memory_space<semaphore_mem>>) src(%dma_wait3A_105 : memref<632x16xf32, #tpu.memory_space<vmem_shared>>) dst(%dma_wait3A_103 : memref<632x16xf32, #tpu.memory_space<hbm>>)
      tpu.yield
    }) : () -> ()
    return
  }
}

module attributes {stable_mosaic.version = 14 : i64} {
  func.func @_fuse1_body(%arg0: memref<10000x128xf32, #tpu.memory_space<vmem>>, %arg1: memref<128x16xf32, #tpu.memory_space<vmem>>, %arg2: memref<20224xf32, #tpu.memory_space<vmem>>, %arg3: memref<10112x16xf32, #tpu.memory_space<vmem>>, %arg4: memref<10112x16xf32, #tpu.memory_space<vmem>>) attributes {dimension_semantics = [], scalar_prefetch = 0 : i64, scratch_operands = 0 : i64, tpu.core_type = #tpu.core_type<tc>} {
    %get3A = arith.constant 0 : index
    %get3A_0 = vector.load %arg2[%get3A] : memref<20224xf32, #tpu.memory_space<vmem>>, vector<10112xf32>
    %get3A_1 = arith.constant 10112 : index
    %get3A_2 = vector.load %arg2[%get3A_1] : memref<20224xf32, #tpu.memory_space<vmem>>, vector<10112xf32>
    %add3A = arith.addf %get3A_0, %get3A_2 : vector<10112xf32>
    %max3A = arith.constant 1.000000e+00 : f32
    %max3A_3 = vector.broadcast %max3A : f32 to vector<10112xf32>
    %max3A_4 = arith.maximumf %add3A, %max3A_3 : vector<10112xf32>
    %rsqrt3A = math.rsqrt %max3A_4 : vector<10112xf32>
    %broadcast_in_dim3A = vector.shape_cast %rsqrt3A : vector<10112xf32> to vector<10112x1xf32>
    %broadcast_in_dim3A_5 = vector.shape_cast %broadcast_in_dim3A : vector<10112x1xf32> to vector<10112x1xf32>
    %broadcast_in_dim3A_6 = vector.broadcast %broadcast_in_dim3A_5 : vector<10112x1xf32> to vector<10112x16xf32>
    %swap3A = arith.constant 0 : index
    %swap3A_7 = arith.constant 0 : index
    %swap3A_8 = vector.load %arg3[%swap3A, %swap3A_7] : memref<10112x16xf32, #tpu.memory_space<vmem>>, vector<10112x16xf32>
    tpu.vector_store %arg3[%swap3A, %swap3A_7], %broadcast_in_dim3A_6 {strides = array<i32>} : memref<10112x16xf32, #tpu.memory_space<vmem>>, vector<10112x16xf32>,
    %get3A_9 = arith.constant 0 : index
    %get3A_10 = arith.constant 0 : index
    %get3A_11 = vector.load %arg0[%get3A_9, %get3A_10] : memref<10000x128xf32, #tpu.memory_space<vmem>>, vector<10000x128xf32>
    %get3A_12 = arith.constant 0 : index
    %get3A_13 = arith.constant 0 : index
    %get3A_14 = vector.load %arg1[%get3A_12, %get3A_13] : memref<128x16xf32, #tpu.memory_space<vmem>>, vector<128x16xf32>
    %dot_general3A = arith.constant dense<0.000000e+00> : vector<10000x16xf32>
    %dot_general3A_15 = tpu.matmul %get3A_11, %get3A_14, %dot_general3A {dimension_numbers = #tpu.dot_dimension_numbers<[1], [0], [0], [1], [0, 0, 1, 1], [], []>, transpose_lhs_hint = false} : vector<10000x128xf32>, vector<128x16xf32>, vector<10000x16xf32> -> vector<10000x16xf32>
    %broadcast_in_dim3A_16 = arith.constant 0.000000e+00 : f32
    %broadcast_in_dim3A_17 = vector.broadcast %broadcast_in_dim3A_16 : f32 to vector<112x16xf32>
    %concatenate3A = tpu.concatenate %dot_general3A_15, %broadcast_in_dim3A_17 in 0 : vector<10000x16xf32>, vector<112x16xf32> -> vector<10112x16xf32>
    %mul3A = arith.mulf %concatenate3A, %broadcast_in_dim3A_6 : vector<10112x16xf32>
    %swap3A_18 = arith.constant 0 : index
    %swap3A_19 = arith.constant 0 : index
    %swap3A_20 = vector.load %arg4[%swap3A_18, %swap3A_19] : memref<10112x16xf32, #tpu.memory_space<vmem>>, vector<10112x16xf32>
    tpu.vector_store %arg4[%swap3A_18, %swap3A_19], %mul3A {strides = array<i32>} : memref<10112x16xf32, #tpu.memory_space<vmem>>, vector<10112x16xf32>,
    return
  }
}

module attributes {stable_mosaic.version = 14 : i64} {
  func.func @_fuse3_body(%arg0: memref<384x128xf32, #tpu.memory_space<vmem>>, %arg1: memref<128x320xf32, #tpu.memory_space<vmem>>, %arg2: memref<128x320xf32, #tpu.memory_space<vmem>>) attributes {dimension_semantics = [], scalar_prefetch = 0 : i64, scratch_operands = 0 : i64, tpu.core_type = #tpu.core_type<tc>} {
    %get3A = arith.constant 0 : index
    %get3A_0 = arith.constant 0 : index
    %get3A_1 = vector.load %arg0[%get3A, %get3A_0] : memref<384x128xf32, #tpu.memory_space<vmem>>, vector<128x128xf32>
    %get3A_2 = arith.constant 128 : index
    %get3A_3 = arith.constant 0 : index
    %get3A_4 = vector.load %arg0[%get3A_2, %get3A_3] : memref<384x128xf32, #tpu.memory_space<vmem>>, vector<128x128xf32>
    %add3A = arith.addf %get3A_1, %get3A_4 : vector<128x128xf32>
    %get3A_5 = arith.constant 256 : index
    %get3A_6 = arith.constant 0 : index
    %get3A_7 = vector.load %arg0[%get3A_5, %get3A_6] : memref<384x128xf32, #tpu.memory_space<vmem>>, vector<128x128xf32>
    %mul3A = arith.mulf %add3A, %get3A_7 : vector<128x128xf32>
    %get3A_8 = arith.constant 0 : index
    %get3A_9 = arith.constant 0 : index
    %get3A_10 = vector.load %arg1[%get3A_8, %get3A_9] : memref<128x320xf32, #tpu.memory_space<vmem>>, vector<128x320xf32>
    %dot_general3A = arith.constant dense<0.000000e+00> : vector<128x320xf32>
    %dot_general3A_11 = tpu.matmul %mul3A, %get3A_10, %dot_general3A {dimension_numbers = #tpu.dot_dimension_numbers<[1], [0], [0], [1], [0, 0, 1, 1], [], []>, transpose_lhs_hint = false} : vector<128x128xf32>, vector<128x320xf32>, vector<128x320xf32> -> vector<128x320xf32>
    %swap3A = arith.constant 0 : index
    %swap3A_12 = arith.constant 0 : index
    %swap3A_13 = vector.load %arg2[%swap3A, %swap3A_12] : memref<128x320xf32, #tpu.memory_space<vmem>>, vector<128x320xf32>
    tpu.vector_store %arg2[%swap3A, %swap3A_12], %dot_general3A_11 {strides = array<i32>} : memref<128x320xf32, #tpu.memory_space<vmem>>, vector<128x320xf32>,
    return
  }
}

</mosaic_0001>

<sc_bundles>
// kernel: kernel.10.cloned.1.call-start
scs
__scs_entry_jumppad:
0x0: {  	(pc) =	sbr.rel $0x88, $3  }
0x1: {  	(tag) =	ssettag $0x0;
	lr =	simm.s32 $0x1  }
0x2: {  	[smem:$0x3F9C] =	sst lr;
	_ =	strace $0xD0000000  }
0x3: {  	_ = 	snop  }
0x4: {  	_ = 	snop  }
0x5: {  	_ = 	snop  }
0x6: {  	_ = 	snop  }
0x7: {  	_ = 	snop  }
__scs_overlays_trampoline_lowered:
0x8: {  	[smem:$0x3FAB] =	sst s0  }
0x9: {  	[smem:$0x3FAC] =	sst s1  }
0xa: {  	[smem:$0x3FAD] =	sst s2  }
0xb: {  	[smem:$0x3FAE] =	sst s3  }
0xc: {  	[smem:$0x3FAF] =	sst s4  }
0xd: {  	[smem:$0x3FB0] =	sst s5  }
0xe: {  	[smem:$0x3FB1] =	sst s6  }
0xf: {  	[smem:$0x3FB2] =	sst s7  }
0x10: {  	[smem:$0x3FB3] =	sst s8  }
0x11: {  	[smem:$0x3FB4] =	sst s9;
	s0 =	simm.s32 @!p0 $0x0  }
0x12: {  	s1 =	sld [smem:$0x3F9A];
	s0 =	simm.s32 @p0 $0x1  }
0x13: {  	[smem:$0x3FB5] =	sst s0;
	s0 =	simm.s32 @!p1 $0x0  }
0x14: {  	s2 =	sld [smem:$0x3F99];
	s0 =	simm.s32 @p1 $0x1  }
0x15: {  	[smem:$0x3FB6] =	sst s0;
	s0 =	simm.s32 @!p2 $0x0  }
0x16: {  	s3 =	sld [smem:$0x3FDB];
	s0 =	simm.s32 @p2 $0x1  }
0x17: {  	s4 =	simm.s32 $0x1BF5;
	[smem:$0x3FB8] =	sst s0  }
0x18: {  	s0 =	sld [smem:$0x3F9B];
	_ =	swait.ge [sflag:s4], $0x0  }
0x19: {  	s7 =	sld [smem:$0x3F9C]  }
0x1a: {  	s8 =	sadd.s32 $0xFFFFE003, lr  }
0x1b: {  	s9 =	sadd.s32 $0xFFFFFEF7, lr;
	s5 =	simm.s32 $0xFFFFFFFF;
	p2 =	slt.u32 s8, $0xFFFFF086  }
0x1c: {  	p1 =	slt.u32 s9, $0xF7A;
	s5 =	simm.s32 @!p2 $0x0  }
0x1d: {  	s5 =	simm.s32 @p1 $0x1;
	p0 =	seq.s32 s7, s2  }
0x1e: {  	s7 =	smul.u32 @!p0 $0xF7A, s2;
	p2 =	seq.s32 @!p0 s5, $0x0  }
0x1f: {  	s9 =	smul.u32 $0xF7A, s1;
	s8 =	simm.s32 @!p0 $0x1BF5;
	p2 =	por !p2, p0  }
0x20: {  	[sflag:s8] =	ssyncset.s32 @!p0 $0xFFFFF086;
	s6 =	sadd.s32 @!p0 s3, s7;
	s7 =	simm.s32 @!p0 $0x108  }
0x21: {  	s3 =	sadd.s32 s3, s9;
	s6 =	sadd.s32 @!p0 $0x88, s6;
	s7 =	simm.s32 @p2 $0x1082  }
0x22: {  	[simem:s7], [sflag:s8] =	dma.local @!p0 [hbm:s6], $0xF7A  }
0x23: {  	s9 =	sor.u32 $0xD0000000, s2;
	s6 =	simm.s32 $0x108;
	_ =	swait.ge @!p0 [sflag:s8], $0x0  }
0x24: {  	s3 =	sadd.s32 $0x88, s3;
	s6 =	simm.s32 @!p1 $0x1082;
	[sflag:s4] =	ssyncset.s32 $0xFFFFF086  }
0x25: {  	[simem:s6], [sflag:s4] =	dma.local [hbm:s3], $0xF7A  }
0x26: {  	[smem:$0x3F9C] =	sst s1;
	(tag) =	ssettag s2;
	_ =	strace s9  }
0x27: {  	s1 =	sld [smem:$0x3FAC]  }
0x28: {  	s2 =	sld [smem:$0x3FAD]  }
0x29: {  	s4 =	sld [smem:$0x3FAF]  }
0x2a: {  	p0 =	seq.s32 s5, $0x0;
	s5 =	sld [smem:$0x3FB0]  }
0x2b: {  	s6 =	sld [smem:$0x3FB1]  }
0x2c: {  	s7 =	sld [smem:$0x3FB2]  }
0x2d: {  	s3 =	simm.s32 $0x108;
	s8 =	sld [smem:$0x3FB3]  }
0x2e: {  	s3 =	simm.s32 @!p0 $0x1082;
	s9 =	sld [smem:$0x3FB4]  }
0x2f: {  	lr =	sadd.s32 s0, s3;
	s0 =	sld [smem:$0x3FAB]  }
0x30: {  	s3 =	sld [smem:$0x3FAE]  }
0x31: {  	[smem:$0x3FB7] =	sst s10  }
0x32: {  	s10 =	sld [smem:$0x3FB5];
	_ =	sdelay $0x3  }
0x33: {  	p0 =	seq.s32 s10, $0x1;
	s10 =	sld [smem:$0x3FB7];
	_ =	sdelay $0x3  }
0x34: {  	[smem:$0x3FB7] =	sst s10  }
0x35: {  	s10 =	sld [smem:$0x3FB6];
	_ =	sdelay $0x3  }
0x36: {  	p1 =	seq.s32 s10, $0x1;
	s10 =	sld [smem:$0x3FB7];
	_ =	sdelay $0x3  }
0x37: {  	[smem:$0x3FB7] =	sst s10  }
0x38: {  	s10 =	sld [smem:$0x3FB8]  }
0x39: {  	_ = 	snop;
	(pc) =	sbr.ind lr, $3  }
0x3a: {  	_ = 	snop  }
0x3b: {  	_ = 	snop  }
0x3c: {  	p2 =	seq.s32 s10, $0x1;
	s10 =	sld [smem:$0x3FB7]  }
0x3d: {  	_ =	shalt  }
0x3e: {  	_ =	shalt  }
0x3f: {  	_ =	shalt  }
0x40: {  	_ =	shalt  }
0x41: {  	_ =	shalt  }
0x42: {  	_ =	shalt  }
0x43: {  	_ =	shalt  }
0x44: {  	_ =	shalt  }
0x45: {  	_ =	shalt  }
0x46: {  	_ =	shalt  }
0x47: {  	_ =	shalt  }
0x48: {  	_ =	shalt  }
0x49: {  	_ =	shalt  }
0x4a: {  	_ =	shalt  }
0x4b: {  	_ =	shalt  }
0x4c: {  	_ =	shalt  }
0x4d: {  	_ =	shalt  }
0x4e: {  	_ =	shalt  }
0x4f: {  	_ =	shalt  }
0x50: {  	_ =	shalt  }
0x51: {  	_ =	shalt  }
0x52: {  	_ =	shalt  }
0x53: {  	_ =	shalt  }
0x54: {  	_ =	shalt  }
0x55: {  	_ =	shalt  }
0x56: {  	_ =	shalt  }
0x57: {  	_ =	shalt  }
0x58: {  	_ =	shalt  }
0x59: {  	_ =	shalt  }
0x5a: {  	_ =	shalt  }
0x5b: {  	_ =	shalt  }
0x5c: {  	_ =	shalt  }
0x5d: {  	_ =	shalt  }
0x5e: {  	_ =	shalt  }
0x5f: {  	_ =	shalt  }
0x60: {  	_ =	shalt  }
0x61: {  	_ =	shalt  }
0x62: {  	_ =	shalt  }
0x63: {  	_ =	shalt  }
0x64: {  	_ =	shalt  }
0x65: {  	_ =	shalt  }
0x66: {  	_ =	shalt  }
0x67: {  	_ =	shalt  }
0x68: {  	_ =	shalt  }
0x69: {  	_ =	shalt  }
0x6a: {  	_ =	shalt  }
0x6b: {  	_ =	shalt  }
0x6c: {  	_ =	shalt  }
0x6d: {  	_ =	shalt  }
0x6e: {  	_ =	shalt  }
0x6f: {  	_ =	shalt  }
0x70: {  	_ =	shalt  }
0x71: {  	_ =	shalt  }
0x72: {  	_ =	shalt  }
0x73: {  	_ =	shalt  }
0x74: {  	_ =	shalt  }
0x75: {  	_ =	shalt  }
0x76: {  	_ =	shalt  }
0x77: {  	_ =	shalt  }
0x78: {  	_ =	shalt  }
0x79: {  	_ =	shalt  }
0x7a: {  	_ =	shalt  }
0x7b: {  	_ =	shalt  }
0x7c: {  	_ =	shalt  }
0x7d: {  	_ =	shalt  }
0x7e: {  	_ =	shalt  }
0x7f: {  	_ =	shalt  }
0x80: {  	_ =	shalt  }
0x81: {  	_ =	shalt  }
0x82: {  	_ =	shalt  }
0x83: {  	_ =	shalt  }
0x84: {  	_ =	shalt  }
0x85: {  	_ =	shalt  }
0x86: {  	_ =	shalt  }
0x87: {  	_ =	shalt  }
.Lfunc_end0:
.L_simem_size_0:
called_computation.1_lowered:
.L_overlay_start_0:
0x88: {  	s2 =	sld [smem:$0x3FD9]  }
0x89: {  	s3 =	sld [smem:$0x3FFE];
	_ =	sdelay $0x1  }
0x8a: {  	s1 =	srdreg.scid  }
0x8b: {  	s0 =	sand.u32 $0x1, s1  }
0x8c: {  	s16 =	sshll.u32 s0, $0xA;
	s2 =	sadd.s32 s3, s2  }
0x8d: {  	s2 =	sadd.s32 s2, s16  }
0x8e: {  	[smem:$0x3FC3] =	sst s2  }
0x8f: {  	_ = 	snop  }
0x90: {  	(tm) =	ssettm $0x1  }
0x91: {  	s17 =	sld [smem:$0x3FFB];
	_ =	sdelay $0x3  }
0x92: {  	_ =	strace s17  }
0x93: {  	s2 =	sld [smem:$0x3FFC];
	_ =	sdelay $0x3  }
0x94: {  	_ =	strace s2  }
0x95: {  	s2 =	sld [smem:$0x3FFD];
	_ =	sdelay $0x3  }
0x96: {  	_ =	strace s2  }
0x97: {  	_ =	strace $0x8FFFFFFF  }
0x98: {  	s18 =	sld [smem:$0x3FDB];
	_ =	sdelay $0x1  }
0x99: {  	s19 =	simm.s32 $_scs_section_size  }
0x9a: {  	s4 =	simm.s32 $_size__tile_overlayer_lowered;
	s5 =	simm.s32 $_tile_overlayer_lowered  }
0x9b: {  	s22 =	simm.s32 $0x1BFF;
	s21 =	sshll.u32 s5, $0x1;
	s2 =	sadd.s32 s19, s18  }
0x9c: {  	s6 =	simm.s32 $0x0;
	s20 =	sshll.u32 s4, $0x1;
	s4 =	sadd.s32 s21, s2  }
0x9d: {  	[timem:s6], [sflag:s22] =	dma.local [hbm:s4], s20  }
0x9e: {  	_ =	swait.ge [sflag:s22], s20  }
0x9f: {  	s3 =	ssub.s32 $0x0, s20;
	[sflag:s22] =	ssyncset.done $0x0  }
0xa0: {  	[sflag:s22] =	ssyncadd.s32 s3;
	_ =	sdelay $0x1  }
0xa1: {  	s23 =	simm.s32 $0x1B8B  }
0xa2: {  	_ =	swait.ge [sflag:s23], $0x1  }
0xa3: {  	[sflag:s23] =	ssyncset.done $0x0  }
0xa4: {  	s25 =	simm.s32 $0x1B8E;
	s24 =	sld [smem:$0x3FFE];
	[sflag:s23] =	ssyncadd.s32 $0xFFFFFFFF  }
0xa5: {  	s26 =	simm.s32 $execute0_lowered;
	[smem:$0x3FD2] =	sst s25  }
0xa6: {  	s4 =	sshll.u32 s26, $0x1;
	_ =	strace $0x80000049;
	[dreg:$0x1] =	wrdreg $0xFFFFFFFF  }
0xa7: {  	s28 =	simm.s32 $_size_execute0_lowered;
	s2 =	sadd.s32 s2, s4;
	[dreg:$0x0] =	wrdreg $0x0  }
0xa8: {  	s4 =	sshll.u32 s28, $0x1;
	[dreg:$0x2] =	wrdreg s2  }
0xa9: {  	[dreg:$0x3] =	wrdreg s4  }
0xaa: {  	[dreg:$0x4] =	wrdreg $0xC0  }
0xab: {  	_ =	task [dreg:s6], $0x5FFFF  }
0xac: {  	[dreg:$0x1] =	wrdreg $0xFFFFFFFF  }
0xad: {  	[dreg:$0x0] =	wrdreg $0x60  }
0xae: {  	[dreg:$0x2] =	wrdreg s24  }
0xaf: {  	[dreg:$0x3] =	wrdreg $0xA6800  }
0xb0: {  	[dreg:$0x4] =	wrdreg $0x7F000  }
0xb1: {  	[dreg:$0x5] =	wrdreg $0x9  }
0xb2: {  	_ =	task.clear_ibuf [dreg:s6], $0x6FFFF;
	_ =	strace $0x90000049  }
0xb3: {  	s29 =	simm.s32 $0x9;
	_ =	strace $0x8000004B  }
0xb4: {  	_ =	swait.ge [sflag:s29], $0x1  }
0xb5: {  	[sflag:s29] =	ssyncadd.s32 $0xFFFFFFFF  }
0xb6: {  	_ =	strace $0x9000004B  }
0xb7: {  	_ =	sfence  }
0xb8: {  	s30 =	sld [smem:$0x0];
	_ =	sdelay $0x2  }
0xb9: {  	s31 =	sshll.u32 s1, $0xD;
	s1 =	sshrl.u32 s1, $0x2  }
0xba: {  	s3 =	sand.u32 $0x4000, s31;
	s1 =	sadd.s32 s1, s30  }
0xbb: {  	s0 =	sor.u32 s3, s0;
	s1 =	sshll.u32 s1, $0x11  }
0xbc: {  	s0 =	sor.u32 s1, s0  }
0xbd: {  	s0 =	sadd.s32 $0x8F2B, s0  }
0xbe: {  	[sflag:s0] =	ssyncadd.remote.s32 $0x1  }
0xbf: {  	_ =	sfence.sel $0xFFFF  }
0xc0: {  	[dreg:$0x0] =	wrdreg $0xFFFFFFFF;
	(pc) =	sbr.abs _section_cstart, $3  }
0xc1: {  	[dreg:$0x1] =	wrdreg $0xFFFFFFFF  }
0xc2: {  	_ =	task.clear_ibuf [dreg:s6], $0x2FFFF;
	_ =	strace $0x9FFFFFFF  }
0xc3: {  	(tm) =	ssettm $0x7FFFFFFF  }
tec
execute0_lowered:
.L_overlay_start_1:
0x0: {  	(tag) =	ssettag $0x1  }
0x1: {  	s0 =	rddreg [dreg:$0x0]  }
0x2: {  	s2 =	rddreg [dreg:$0x1]  }
0x3: {  	s3 =	rddreg [dreg:$0x2]  }
0x4: {  	s13 =	stileid.u32;
	s5 =	srdreg.scid  }
0x5: {  	s4 =	simm.s32 $0x0;
	s17 =	simm.s32 $0x80;
	s18 =	simm.s32 $0x4F00  }
0x6: {  	s19 =	simm.s32 $0x5700;
	s21 =	simm.s32 $0x5F00;
	s29 =	simm.s32 $0x6F00  }
0x7: {  	s20 =	simm.s32 $0x2;
	s31 =	simm.s32 $0x0;
	s1 =	smul.u32 $0x2780, s13  }
0x8: {  	s5 =	sand.u32 $0x1, s5;
	s6 =	smul.u32 $0x4F0, s13;
	[smem:$0x7FF] =	sst s4  }
0x9: {  	s8 =	sshll.u32 s13, $0x1;
	s23 =	sadd.s32 $0x2000, s0;
	p0 =	sgt.u32 s13, $0x1  }
0xa: {  	s30 =	sshll.u32 s13, $0x6;
	s13 =	simm.s32 $0x3;
	s7 =	smul.u32 $0x4F00, s5  }
0xb: {  	_ =	strace $0x8000004A;
	s8 =	sor.u32 s5, s8;
	s24 =	ssub.s32 $0x2, s5  }
0xc: {  	s14 =	sor.u32 $0x1C03, s30;
	s9 =	sshrl.u32 s1, $0x3;
	s22 =	smul.u32 $0x2700, s8  }
0xd: {  	s26 =	sshll.u32 s8, $0x4;
	s28 =	sshrl.u32 s24, $0x1;
	s15 =	sadd.s32 s1, s2  }
0xe: {  	s1 =	sadd.s32 s1, s3;
	s6 =	sadd.s32 s6, s7;
	s10 =	sadd.s32 s9, s0  }
0xf: {  	s9 =	sadd.s32 s26, s23;
	s12 =	ssub.s32 s24, s28;
	s15 =	sshrl.u32 s15, $0x3  }
.Ltmp0:
0x10: {  	s16 =	sshrl.u32 s1, $0x3;
	s0 =	sadd.s32 s6, s0;
	(pc) =	sbr.rel .LBB2_1-.Ltmp0, $4  }
0x11: {  	s25 =	sshrl.u32 s22, $0x3;
	s7 =	sadd.s32 $0x9C00, s9;
	s8 =	sadd.s32 $0x13840, s9  }
0x12: {  	s9 =	sadd.s32 $0x1AA00, s10;
	s10 =	sadd.s32 $0x15A00, s10;
	s12 =	smax.u32 s12, $0x1  }
0x13: {  	s22 =	simm.s32 $0x1;
	s5 =	sadd.s32 s23, s25;
	s11 =	sadd.s32 $0x1FA00, s0  }
0x14: {  	s25 =	simm.s32 $0x6700;
	s0 =	simm.s32 $0x7700;
	s6 =	sadd.s32 $0x9C40, s5  }
.LBB2_4:
0x15: {  	s1 =	simm.s32 @!p0 $0x80;
	s23 =	simm.s32 @!p0 $0x2700;
	s24 =	simm.s32 @!p0 $0x4F00  }
0x16: {  	[tilespmem:s24], [sflag:$0x1] =	stream.indirect.gather @!p0 [spmem:s3], $0x10, s23, s1, $0xb8;
	[tilespmem:$0xCE00] =	vst v63  }
0x17: {  	s23 =	simm.s32 @!p0 $0x1  }
0x18: {  	_ =	swait.ge @!p0 [sflag:s23], $0x800  }
0x19: {  	[sflag:s23] =	ssyncset.done @!p0 $0x0  }
0x1a: {  	[sflag:s23] =	ssyncadd.s32 @!p0 $0xFFFFF800;
	s23 =	simm.s32 @!p0 $0x4E80  }
0x1b: {  	[spmem:s2] =	stream.indirect.scatter.add.f32 @!p0 [tilespmem:s24], [sflag:$0x2], $0x10, s23, s1, $0xb8;
	[tilespmem:$0xCE00] =	vst v63  }
0x1c: {  	s1 =	simm.s32 @!p0 $0x2  }
0x1d: {  	_ =	swait.ge @!p0 [sflag:s1], $0x800  }
0x1e: {  	[sflag:s1] =	ssyncset.done @!p0 $0x0  }
0x1f: {  	[sflag:s1] =	ssyncadd.s32 @!p0 $0xFFFFF800  }
0x20: {  	_ =	swait.ge [sflag:s20], $0x800  }
0x21: {  	[sflag:s20] =	ssyncset.done $0x0  }
0x22: {  	[sflag:s20] =	ssyncadd.s32 $0xFFFFF800  }
0x23: {  	_ =	swait.ge [sflag:s20], $0x800  }
0x24: {  	[sflag:s20] =	ssyncset.done $0x0  }
0x25: {  	[sflag:s20] =	ssyncadd.s32 $0xFFFFF800  }
0x26: {  	_ =	swait.ge [sflag:s20], $0x800  }
0x27: {  	s31 =	sadd.s32 $0x1, s31;
	[sflag:s20] =	ssyncset.done $0x0  }
0x28: {  	p1 =	sne.s32 s31, s12;
	[sflag:s20] =	ssyncadd.s32 $0xFFFFF800  }
.Ltmp1:
0x29: {  	[bflag:$0x0] =	sbarrier.arrive $0xFFFF;
	(pc) =	sbr.rel @!p1 .LBB2_5-.Ltmp1, $4  }
0x2a: {  	[hbm:s11], [sflag:s14] =	dma.local [spmem:s15], $0x4F0  }
0x2b: {  	_ =	swait.ge [sflag:s13], $0x4F0  }
0x2c: {  	[sflag:s13] =	ssyncset.done $0x0  }
0x2d: {  	[sflag:s13] =	ssyncadd.s32 $0xFFFFFB10  }
.LBB2_1:
0x2e: {  	[tilespmem:s4], [sflag:$0x3] =	stream.linear.gather [hbm4b:s5+s4], $0x2700, $0x38;
	[tilespmem:$0xCE00] =	vst v63  }
0x2f: {  	_ =	swait.ge [sflag:s13], $0x2700  }
0x30: {  	[sflag:s13] =	ssyncset.done $0x0  }
0x31: {  	s1 =	simm.s32 @p0 $0x0;
	s23 =	simm.s32 @p0 $0x2780;
	[sflag:s13] =	ssyncadd.s32 $0xFFFFD900  }
0x32: {  	[tilespmem:s23], [sflag:$0x3] =	stream.linear.gather @p0 [hbm4b:s6+s1], $0x2700, $0x38;
	[tilespmem:$0xCE00] =	vst v63  }
0x33: {  	s1 =	simm.s32 @p0 $0x3  }
0x34: {  	_ =	swait.ge @p0 [sflag:s1], $0x2700  }
0x35: {  	[sflag:s1] =	ssyncset.done @p0 $0x0  }
0x36: {  	s23 =	simm.s32 @!p0 $0x2700;
	[sflag:s1] =	ssyncadd.s32 @p0 $0xFFFFD900;
	s1 =	simm.s32 @!p0 $0x0  }
0x37: {  	[tilespmem:s23], [sflag:$0x3] =	stream.linear.gather @!p0 [hbm4b:s7+s1], $0x80, $0x38;
	[tilespmem:$0xCE00] =	vst v63  }
0x38: {  	s23 =	simm.s32 @!p0 $0x3  }
0x39: {  	_ =	swait.ge @!p0 [sflag:s23], $0x80  }
0x3a: {  	[sflag:s23] =	ssyncset.done @!p0 $0x0  }
0x3b: {  	s24 =	simm.s32 @!p0 $0x2780;
	[sflag:s23] =	ssyncadd.s32 @!p0 $0xFFFFFF80  }
0x3c: {  	[tilespmem:s24], [sflag:$0x3] =	stream.linear.gather @!p0 [hbm4b:s6+s1], $0x2700, $0x38;
	[tilespmem:$0xCE00] =	vst v63  }
0x3d: {  	_ =	swait.ge @!p0 [sflag:s23], $0x2700  }
0x3e: {  	[sflag:s23] =	ssyncset.done @!p0 $0x0  }
0x3f: {  	s24 =	simm.s32 @!p0 $0x4E80;
	[sflag:s23] =	ssyncadd.s32 @!p0 $0xFFFFD900  }
0x40: {  	[tilespmem:s24], [sflag:$0x3] =	stream.linear.gather @!p0 [hbm4b:s8+s1], $0x80, $0x38;
	[tilespmem:$0xCE00] =	vst v63  }
0x41: {  	_ =	swait.ge @!p0 [sflag:s23], $0x80  }
0x42: {  	[sflag:s23] =	ssyncset.done @!p0 $0x0  }
0x43: {  	[sflag:s23] =	ssyncadd.s32 @!p0 $0xFFFFFF80  }
0x44: {  	[spmem:s15], [sflag:s14] =	dma.local [hbm:s9], $0x4F0  }
0x45: {  	_ =	swait.ge [sflag:s13], $0x4F0  }
0x46: {  	[sflag:s13] =	ssyncset.done $0x0  }
0x47: {  	[sflag:s13] =	ssyncadd.s32 $0xFFFFFB10  }
0x48: {  	[spmem:s16], [sflag:s14] =	dma.local [hbm:s10], $0x4F0  }
0x49: {  	_ =	swait.ge [sflag:s13], $0x4F0  }
0x4a: {  	[sflag:s13] =	ssyncset.done $0x0  }
0x4b: {  	[sflag:s13] =	ssyncadd.s32 $0xFFFFFB10  }
0x4c: {  	[bflag:$0x0] =	sbarrier.arrive $0xFFFF  }
0x4d: {  	[tilespmem:s18], [sflag:$0x1] =	stream.indirect.gather [spmem:s3], $0x10, s4, s17, $0xb8;
	[tilespmem:$0xCE00] =	vst v63  }
0x4e: {  	_ = 	snop  }
0x4f: {  	[tilespmem:s19], [sflag:$0x1] =	stream.indirect.gather [spmem:s3], $0x10, s17, s17, $0xb8;
	[tilespmem:$0xCE00] =	vst v63  }
0x50: {  	s26 =	simm.s32 $0x100  }
0x51: {  	[tilespmem:s21], [sflag:$0x1] =	stream.indirect.gather [spmem:s3], $0x10, s26, s17, $0xb8;
	[tilespmem:$0xCE00] =	vst v63  }
0x52: {  	_ =	swait.ge [sflag:s22], $0x800  }
0x53: {  	[sflag:s22] =	ssyncset.done $0x0  }
0x54: {  	s28 =	simm.s32 $0x2780;
	[sflag:s22] =	ssyncadd.s32 $0xFFFFF800  }
0x55: {  	[spmem:s2] =	stream.indirect.scatter.add.f32 [tilespmem:s18], [sflag:$0x2], $0x10, s28, s17, $0xb8;
	[tilespmem:$0xCE00] =	vst v63  }
0x56: {  	s30 =	simm.s32 $0x180  }
0x57: {  	[tilespmem:s25], [sflag:$0x1] =	stream.indirect.gather [spmem:s3], $0x10, s30, s17, $0xb8;
	[tilespmem:$0xCE00] =	vst v63  }
0x58: {  	_ =	swait.ge [sflag:s22], $0x800  }
0x59: {  	[sflag:s22] =	ssyncset.done $0x0  }
0x5a: {  	s23 =	simm.s32 $0x2800;
	[sflag:s22] =	ssyncadd.s32 $0xFFFFF800  }
0x5b: {  	[spmem:s2] =	stream.indirect.scatter.add.f32 [tilespmem:s19], [sflag:$0x2], $0x10, s23, s17, $0xb8;
	[tilespmem:$0xCE00] =	vst v63  }
0x5c: {  	s24 =	simm.s32 $0x200  }
0x5d: {  	[tilespmem:s29], [sflag:$0x1] =	stream.indirect.gather [spmem:s3], $0x10, s24, s17, $0xb8;
	[tilespmem:$0xCE00] =	vst v63  }
0x5e: {  	_ =	swait.ge [sflag:s22], $0x800  }
0x5f: {  	[sflag:s22] =	ssyncset.done $0x0  }
0x60: {  	s26 =	simm.s32 $0x2880;
	[sflag:s22] =	ssyncadd.s32 $0xFFFFF800  }
0x61: {  	[spmem:s2] =	stream.indirect.scatter.add.f32 [tilespmem:s21], [sflag:$0x2], $0x10, s26, s17, $0xb8;
	[tilespmem:$0xCE00] =	vst v63  }
0x62: {  	s28 =	simm.s32 $0x280  }
0x63: {  	[tilespmem:s0], [sflag:$0x1] =	stream.indirect.gather [spmem:s3], $0x10, s28, s17, $0xb8;
	[tilespmem:$0xCE00] =	vst v63  }
0x64: {  	_ =	swait.ge [sflag:s22], $0x800  }
0x65: {  	[sflag:s22] =	ssyncset.done $0x0  }
0x66: {  	s30 =	simm.s32 $0x2900;
	[sflag:s22] =	ssyncadd.s32 $0xFFFFF800  }
0x67: {  	[spmem:s2] =	stream.indirect.scatter.add.f32 [tilespmem:s25], [sflag:$0x2], $0x10, s30, s17, $0xb8;
	[tilespmem:$0xCE00] =	vst v63  }
0x68: {  	_ =	swait.ge [sflag:s20], $0x800  }
0x69: {  	[sflag:s20] =	ssyncset.done $0x0  }
0x6a: {  	s23 =	simm.s32 $0x300;
	[sflag:s20] =	ssyncadd.s32 $0xFFFFF800  }
0x6b: {  	[tilespmem:s18], [sflag:$0x1] =	stream.indirect.gather [spmem:s3], $0x10, s23, s17, $0xb8;
	[tilespmem:$0xCE00] =	vst v63  }
0x6c: {  	_ =	swait.ge [sflag:s22], $0x800  }
0x6d: {  	[sflag:s22] =	ssyncset.done $0x0  }
0x6e: {  	s24 =	simm.s32 $0x2980;
	[sflag:s22] =	ssyncadd.s32 $0xFFFFF800  }
0x6f: {  	[spmem:s2] =	stream.indirect.scatter.add.f32 [tilespmem:s29], [sflag:$0x2], $0x10, s24, s17, $0xb8;
	[tilespmem:$0xCE00] =	vst v63  }
0x70: {  	_ =	swait.ge [sflag:s20], $0x800  }
0x71: {  	[sflag:s20] =	ssyncset.done $0x0  }
0x72: {  	s26 =	simm.s32 $0x380;
	[sflag:s20] =	ssyncadd.s32 $0xFFFFF800  }
0x73: {  	[tilespmem:s19], [sflag:$0x1] =	stream.indirect.gather [spmem:s3], $0x10, s26, s17, $0xb8;
	[tilespmem:$0xCE00] =	vst v63  }
0x74: {  	_ =	swait.ge [sflag:s22], $0x800  }
0x75: {  	[sflag:s22] =	ssyncset.done $0x0  }
0x76: {  	s28 =	simm.s32 $0x2A00;
	[sflag:s22] =	ssyncadd.s32 $0xFFFFF800  }
0x77: {  	[spmem:s2] =	stream.indirect.scatter.add.f32 [tilespmem:s0], [sflag:$0x2], $0x10, s28, s17, $0xb8;
	[tilespmem:$0xCE00] =	vst v63  }
0x78: {  	_ =	swait.ge [sflag:s20], $0x800  }
0x79: {  	[sflag:s20] =	ssyncset.done $0x0  }
0x7a: {  	s1 =	simm.s32 $0x0;
	s30 =	simm.s32 $0x400;
	[sflag:s20] =	ssyncadd.s32 $0xFFFFF800  }
0x7b: {  	[tilespmem:s21], [sflag:$0x1] =	stream.indirect.gather [spmem:s3], $0x10, s30, s17, $0xb8;
	[tilespmem:$0xCE00] =	vst v63  }
.LBB2_2:
0x7c: {  	_ =	swait.ge [sflag:s22], $0x800  }
0x7d: {  	s23 =	sshra.s32 s1, $0x2;
	[sflag:s22] =	ssyncset.done $0x0  }
0x7e: {  	s24 =	sadd.s32 $0x2A80, s23;
	[sflag:s22] =	ssyncadd.s32 $0xFFFFF800  }
0x7f: {  	[spmem:s2] =	stream.indirect.scatter.add.f32 [tilespmem:s18], [sflag:$0x2], $0x10, s24, s17, $0xb8;
	[tilespmem:$0xCE00] =	vst v63  }
0x80: {  	_ =	swait.ge [sflag:s20], $0x800  }
0x81: {  	[sflag:s20] =	ssyncset.done $0x0  }
0x82: {  	s30 =	sadd.s32 $0x480, s23;
	[sflag:s20] =	ssyncadd.s32 $0xFFFFF800  }
0x83: {  	[tilespmem:s25], [sflag:$0x1] =	stream.indirect.gather [spmem:s3], $0x10, s30, s17, $0xb8;
	[tilespmem:$0xCE00] =	vst v63  }
0x84: {  	_ =	swait.ge [sflag:s22], $0x800  }
0x85: {  	[sflag:s22] =	ssyncset.done $0x0  }
0x86: {  	s26 =	sadd.s32 $0x2B00, s23;
	[sflag:s22] =	ssyncadd.s32 $0xFFFFF800  }
0x87: {  	[spmem:s2] =	stream.indirect.scatter.add.f32 [tilespmem:s19], [sflag:$0x2], $0x10, s26, s17, $0xb8;
	[tilespmem:$0xCE00] =	vst v63  }
0x88: {  	_ =	swait.ge [sflag:s20], $0x800  }
0x89: {  	[sflag:s20] =	ssyncset.done $0x0  }
0x8a: {  	s28 =	sadd.s32 $0x500, s23;
	[sflag:s20] =	ssyncadd.s32 $0xFFFFF800  }
0x8b: {  	[tilespmem:s29], [sflag:$0x1] =	stream.indirect.gather [spmem:s3], $0x10, s28, s17, $0xb8;
	[tilespmem:$0xCE00] =	vst v63  }
0x8c: {  	_ =	swait.ge [sflag:s22], $0x800  }
0x8d: {  	[sflag:s22] =	ssyncset.done $0x0  }
0x8e: {  	s30 =	sadd.s32 $0x2B80, s23;
	[sflag:s22] =	ssyncadd.s32 $0xFFFFF800  }
0x8f: {  	[spmem:s2] =	stream.indirect.scatter.add.f32 [tilespmem:s21], [sflag:$0x2], $0x10, s30, s17, $0xb8;
	[tilespmem:$0xCE00] =	vst v63  }
0x90: {  	_ =	swait.ge [sflag:s20], $0x800  }
0x91: {  	[sflag:s20] =	ssyncset.done $0x0  }
0x92: {  	s26 =	sadd.s32 $0x580, s23;
	[sflag:s20] =	ssyncadd.s32 $0xFFFFF800  }
0x93: {  	[tilespmem:s0], [sflag:$0x1] =	stream.indirect.gather [spmem:s3], $0x10, s26, s17, $0xb8;
	[tilespmem:$0xCE00] =	vst v63  }
0x94: {  	_ =	swait.ge [sflag:s22], $0x800  }
0x95: {  	[sflag:s22] =	ssyncset.done $0x0  }
0x96: {  	s28 =	sadd.s32 $0x2C00, s23;
	[sflag:s22] =	ssyncadd.s32 $0xFFFFF800  }
0x97: {  	[spmem:s2] =	stream.indirect.scatter.add.f32 [tilespmem:s25], [sflag:$0x2], $0x10, s28, s17, $0xb8;
	[tilespmem:$0xCE00] =	vst v63  }
0x98: {  	_ =	swait.ge [sflag:s20], $0x800  }
0x99: {  	p1 =	seq.s32 s1, $0x8400;
	[sflag:s20] =	ssyncset.done $0x0  }
0x9a: {  	s24 =	simm.s32 @p1 $0x1;
	[sflag:s20] =	ssyncadd.s32 $0xFFFFF800  }
0x9b: {  	_ =	swait.ge @p1 [sflag:s24], $0x800  }
0x9c: {  	[sflag:s24] =	ssyncset.done @p1 $0x0  }
0x9d: {  	[sflag:s24] =	ssyncadd.s32 @p1 $0xFFFFF800;
	s24 =	sshra.s32 @p1 s1, $0x2  }
0x9e: {  	s26 =	simm.s32 @p1 $0x80;
	s28 =	simm.s32 @p1 $0x6F00;
	s24 =	sadd.s32 @p1 $0x2C80, s24  }
0x9f: {  	[spmem:s2] =	stream.indirect.scatter.add.f32 @p1 [tilespmem:s28], [sflag:$0x2], $0x10, s24, s26, $0xb8;
	[tilespmem:$0xCE00] =	vst v63  }
0xa0: {  	s24 =	simm.s32 @p1 $0x2  }
0xa1: {  	_ =	swait.ge @p1 [sflag:s24], $0x800  }
0xa2: {  	[sflag:s24] =	ssyncset.done @p1 $0x0  }
0xa3: {  	[sflag:s24] =	ssyncadd.s32 @p1 $0xFFFFF800;
	s24 =	sshra.s32 @!p1 s1, $0x2  }
0xa4: {  	s30 =	simm.s32 @!p1 $0x4F00;
	s28 =	simm.s32 @!p1 $0x80;
	s26 =	sadd.s32 @!p1 $0x600, s24  }
0xa5: {  	[tilespmem:s30], [sflag:$0x1] =	stream.indirect.gather @!p1 [spmem:s3], $0x10, s26, s28, $0xb8;
	[tilespmem:$0xCE00] =	vst v63  }
0xa6: {  	s26 =	simm.s32 @!p1 $0x1  }
0xa7: {  	_ =	swait.ge @!p1 [sflag:s26], $0x800  }
0xa8: {  	[sflag:s26] =	ssyncset.done @!p1 $0x0  }
0xa9: {  	s30 =	simm.s32 @!p1 $0x6F00;
	[sflag:s26] =	ssyncadd.s32 @!p1 $0xFFFFF800;
	s26 =	sadd.s32 @!p1 $0x2C80, s24  }
0xaa: {  	[spmem:s2] =	stream.indirect.scatter.add.f32 @!p1 [tilespmem:s30], [sflag:$0x2], $0x10, s26, s28, $0xb8;
	[tilespmem:$0xCE00] =	vst v63  }
0xab: {  	s26 =	simm.s32 @!p1 $0x2  }
0xac: {  	_ =	swait.ge @!p1 [sflag:s26], $0x800  }
0xad: {  	[sflag:s26] =	ssyncset.done @!p1 $0x0  }
0xae: {  	s24 =	sadd.s32 @!p1 $0x680, s24;
	[sflag:s26] =	ssyncadd.s32 @!p1 $0xFFFFF800;
	s26 =	simm.s32 @!p1 $0x5700  }
0xaf: {  	[tilespmem:s26], [sflag:$0x1] =	stream.indirect.gather @!p1 [spmem:s3], $0x10, s24, s28, $0xb8;
	[tilespmem:$0xCE00] =	vst v63  }
0xb0: {  	_ =	swait.ge [sflag:s22], $0x800  }
0xb1: {  	[sflag:s22] =	ssyncset.done $0x0  }
.Ltmp2:
0xb2: {  	s30 =	sadd.s32 $0x2D00, s23;
	[sflag:s22] =	ssyncadd.s32 $0xFFFFF800;
	(pc) =	sbr.rel @p1 .LBB2_4-.Ltmp2, $4  }
0xb3: {  	[spmem:s2] =	stream.indirect.scatter.add.f32 [tilespmem:s0], [sflag:$0x2], $0x10, s30, s17, $0xb8;
	[tilespmem:$0xCE00] =	vst v63  }
0xb4: {  	_ =	swait.ge [sflag:s20], $0x800  }
0xb5: {  	[sflag:s20] =	ssyncset.done $0x0  }
0xb6: {  	[sflag:s20] =	ssyncadd.s32 $0xFFFFF800  }
.Ltmp3:
0xb7: {  	(pc) =	sbr.rel .LBB2_2-.Ltmp3, $3  }
0xb8: {  	_ =	sdelay $0x1  }
0xb9: {  	s23 =	sadd.s32 $0x700, s23;
	s1 =	sadd.s32 $0xC00, s1  }
0xba: {  	[tilespmem:s21], [sflag:$0x1] =	stream.indirect.gather [spmem:s3], $0x10, s23, s17, $0xb8;
	[tilespmem:$0xCE00] =	vst v63  }
.LBB2_5:
0xbb: {  	_ =	sfence.sel $0x180000  }
0xbc: {  	[bflag:$0x0] =	sbarrier.arrive $0xFFFF  }
0xbd: {  	_ =	strace $0x9000004A  }
0xbe: {  	s0 =	stileid.u32;
	[bflag:$0x2] =	sbarrier.arrive $0xFFFF  }
0xbf: {  	p0 =	sne.s32 s0, $0x0;
	s0 =	rddreg [dreg:$0x3]  }
0xc0: {  	s0 =	sadd.s32 @!p0 $0x100000, s0  }
0xc1: {  	[sflag:s0] =	ssyncadd.tile.s32 @!p0 $0x1;
	_ =	shalt  }
.Lfunc_end2:
_tile_overlayer_lowered:
.L_overlay_start_2:
0xc2: {  	(tag) =	ssettag $0x2  }
0xc3: {  	s0 =	rddreg [dreg:$0x0];
	s2 =	stileid.u32  }
0xc4: {  	s1 =	rddreg [dreg:$0x1];
	p0 =	sne.s32 s2, $0x0  }
0xc5: {  	s3 =	rddreg [dreg:$0x2];
	[bflag:$0x3] =	sbarrier.arrive $0xFFFF;
	s2 =	simm.s32 @!p0 $0x1C03  }
0xc6: {  	[timem:s3], [sflag:s2] =	dma.local @!p0 [hbm:s0], s1  }
0xc7: {  	s0 =	simm.s32 @!p0 $0x3  }
0xc8: {  	_ =	swait.ge @!p0 [sflag:s0], s1  }
0xc9: {  	s1 =	ssub.s32 @!p0 $0x0, s1;
	[sflag:s0] =	ssyncset.done @!p0 $0x0  }
0xca: {  	[sflag:s0] =	ssyncadd.s32 @!p0 s1  }
0xcb: {  	[bflag:$0x3] =	sbarrier.arrive $0xFFFF  }
0xcc: {  	_ =	shalt  }

// kernel: kernel.13.cloned.1.call-start
scs
__scs_entry_jumppad:
0x0: {  	(pc) =	sbr.rel $0x88, $3  }
0x1: {  	(tag) =	ssettag $0x0;
	lr =	simm.s32 $0x1  }
0x2: {  	[smem:$0x3F9C] =	sst lr;
	_ =	strace $0xD0000000  }
0x3: {  	_ = 	snop  }
0x4: {  	_ = 	snop  }
0x5: {  	_ = 	snop  }
0x6: {  	_ = 	snop  }
0x7: {  	_ = 	snop  }
__scs_overlays_trampoline_lowered:
0x8: {  	[smem:$0x3FAB] =	sst s0  }
0x9: {  	[smem:$0x3FAC] =	sst s1  }
0xa: {  	[smem:$0x3FAD] =	sst s2  }
0xb: {  	[smem:$0x3FAE] =	sst s3  }
0xc: {  	[smem:$0x3FAF] =	sst s4  }
0xd: {  	[smem:$0x3FB0] =	sst s5  }
0xe: {  	[smem:$0x3FB1] =	sst s6  }
0xf: {  	[smem:$0x3FB2] =	sst s7  }
0x10: {  	[smem:$0x3FB3] =	sst s8  }
0x11: {  	[smem:$0x3FB4] =	sst s9;
	s0 =	simm.s32 @!p0 $0x0  }
0x12: {  	s1 =	sld [smem:$0x3F9A];
	s0 =	simm.s32 @p0 $0x1  }
0x13: {  	[smem:$0x3FB5] =	sst s0;
	s0 =	simm.s32 @!p1 $0x0  }
0x14: {  	s2 =	sld [smem:$0x3F99];
	s0 =	simm.s32 @p1 $0x1  }
0x15: {  	[smem:$0x3FB6] =	sst s0;
	s0 =	simm.s32 @!p2 $0x0  }
0x16: {  	s3 =	sld [smem:$0x3FDB];
	s0 =	simm.s32 @p2 $0x1  }
0x17: {  	s4 =	simm.s32 $0x1BF5;
	[smem:$0x3FB8] =	sst s0  }
0x18: {  	s0 =	sld [smem:$0x3F9B];
	_ =	swait.ge [sflag:s4], $0x0  }
0x19: {  	s7 =	sld [smem:$0x3F9C]  }
0x1a: {  	s8 =	sadd.s32 $0xFFFFE003, lr  }
0x1b: {  	s9 =	sadd.s32 $0xFFFFFEF7, lr;
	s5 =	simm.s32 $0xFFFFFFFF;
	p2 =	slt.u32 s8, $0xFFFFF086  }
0x1c: {  	p1 =	slt.u32 s9, $0xF7A;
	s5 =	simm.s32 @!p2 $0x0  }
0x1d: {  	s5 =	simm.s32 @p1 $0x1;
	p0 =	seq.s32 s7, s2  }
0x1e: {  	s7 =	smul.u32 @!p0 $0xF7A, s2;
	p2 =	seq.s32 @!p0 s5, $0x0  }
0x1f: {  	s9 =	smul.u32 $0xF7A, s1;
	s8 =	simm.s32 @!p0 $0x1BF5;
	p2 =	por !p2, p0  }
0x20: {  	[sflag:s8] =	ssyncset.s32 @!p0 $0xFFFFF086;
	s6 =	sadd.s32 @!p0 s3, s7;
	s7 =	simm.s32 @!p0 $0x108  }
0x21: {  	s3 =	sadd.s32 s3, s9;
	s6 =	sadd.s32 @!p0 $0x88, s6;
	s7 =	simm.s32 @p2 $0x1082  }
0x22: {  	[simem:s7], [sflag:s8] =	dma.local @!p0 [hbm:s6], $0xF7A  }
0x23: {  	s9 =	sor.u32 $0xD0000000, s2;
	s6 =	simm.s32 $0x108;
	_ =	swait.ge @!p0 [sflag:s8], $0x0  }
0x24: {  	s3 =	sadd.s32 $0x88, s3;
	s6 =	simm.s32 @!p1 $0x1082;
	[sflag:s4] =	ssyncset.s32 $0xFFFFF086  }
0x25: {  	[simem:s6], [sflag:s4] =	dma.local [hbm:s3], $0xF7A  }
0x26: {  	[smem:$0x3F9C] =	sst s1;
	(tag) =	ssettag s2;
	_ =	strace s9  }
0x27: {  	s1 =	sld [smem:$0x3FAC]  }
0x28: {  	s2 =	sld [smem:$0x3FAD]  }
0x29: {  	s4 =	sld [smem:$0x3FAF]  }
0x2a: {  	p0 =	seq.s32 s5, $0x0;
	s5 =	sld [smem:$0x3FB0]  }
0x2b: {  	s6 =	sld [smem:$0x3FB1]  }
0x2c: {  	s7 =	sld [smem:$0x3FB2]  }
0x2d: {  	s3 =	simm.s32 $0x108;
	s8 =	sld [smem:$0x3FB3]  }
0x2e: {  	s3 =	simm.s32 @!p0 $0x1082;
	s9 =	sld [smem:$0x3FB4]  }
0x2f: {  	lr =	sadd.s32 s0, s3;
	s0 =	sld [smem:$0x3FAB]  }
0x30: {  	s3 =	sld [smem:$0x3FAE]  }
0x31: {  	[smem:$0x3FB7] =	sst s10  }
0x32: {  	s10 =	sld [smem:$0x3FB5];
	_ =	sdelay $0x3  }
0x33: {  	p0 =	seq.s32 s10, $0x1;
	s10 =	sld [smem:$0x3FB7];
	_ =	sdelay $0x3  }
0x34: {  	[smem:$0x3FB7] =	sst s10  }
0x35: {  	s10 =	sld [smem:$0x3FB6];
	_ =	sdelay $0x3  }
0x36: {  	p1 =	seq.s32 s10, $0x1;
	s10 =	sld [smem:$0x3FB7];
	_ =	sdelay $0x3  }
0x37: {  	[smem:$0x3FB7] =	sst s10  }
0x38: {  	s10 =	sld [smem:$0x3FB8]  }
0x39: {  	_ = 	snop;
	(pc) =	sbr.ind lr, $3  }
0x3a: {  	_ = 	snop  }
0x3b: {  	_ = 	snop  }
0x3c: {  	p2 =	seq.s32 s10, $0x1;
	s10 =	sld [smem:$0x3FB7]  }
0x3d: {  	_ =	shalt  }
0x3e: {  	_ =	shalt  }
0x3f: {  	_ =	shalt  }
0x40: {  	_ =	shalt  }
0x41: {  	_ =	shalt  }
0x42: {  	_ =	shalt  }
0x43: {  	_ =	shalt  }
0x44: {  	_ =	shalt  }
0x45: {  	_ =	shalt  }
0x46: {  	_ =	shalt  }
0x47: {  	_ =	shalt  }
0x48: {  	_ =	shalt  }
0x49: {  	_ =	shalt  }
0x4a: {  	_ =	shalt  }
0x4b: {  	_ =	shalt  }
0x4c: {  	_ =	shalt  }
0x4d: {  	_ =	shalt  }
0x4e: {  	_ =	shalt  }
0x4f: {  	_ =	shalt  }
0x50: {  	_ =	shalt  }
0x51: {  	_ =	shalt  }
0x52: {  	_ =	shalt  }
0x53: {  	_ =	shalt  }
0x54: {  	_ =	shalt  }
0x55: {  	_ =	shalt  }
0x56: {  	_ =	shalt  }
0x57: {  	_ =	shalt  }
0x58: {  	_ =	shalt  }
0x59: {  	_ =	shalt  }
0x5a: {  	_ =	shalt  }
0x5b: {  	_ =	shalt  }
0x5c: {  	_ =	shalt  }
0x5d: {  	_ =	shalt  }
0x5e: {  	_ =	shalt  }
0x5f: {  	_ =	shalt  }
0x60: {  	_ =	shalt  }
0x61: {  	_ =	shalt  }
0x62: {  	_ =	shalt  }
0x63: {  	_ =	shalt  }
0x64: {  	_ =	shalt  }
0x65: {  	_ =	shalt  }
0x66: {  	_ =	shalt  }
0x67: {  	_ =	shalt  }
0x68: {  	_ =	shalt  }
0x69: {  	_ =	shalt  }
0x6a: {  	_ =	shalt  }
0x6b: {  	_ =	shalt  }
0x6c: {  	_ =	shalt  }
0x6d: {  	_ =	shalt  }
0x6e: {  	_ =	shalt  }
0x6f: {  	_ =	shalt  }
0x70: {  	_ =	shalt  }
0x71: {  	_ =	shalt  }
0x72: {  	_ =	shalt  }
0x73: {  	_ =	shalt  }
0x74: {  	_ =	shalt  }
0x75: {  	_ =	shalt  }
0x76: {  	_ =	shalt  }
0x77: {  	_ =	shalt  }
0x78: {  	_ =	shalt  }
0x79: {  	_ =	shalt  }
0x7a: {  	_ =	shalt  }
0x7b: {  	_ =	shalt  }
0x7c: {  	_ =	shalt  }
0x7d: {  	_ =	shalt  }
0x7e: {  	_ =	shalt  }
0x7f: {  	_ =	shalt  }
0x80: {  	_ =	shalt  }
0x81: {  	_ =	shalt  }
0x82: {  	_ =	shalt  }
0x83: {  	_ =	shalt  }
0x84: {  	_ =	shalt  }
0x85: {  	_ =	shalt  }
0x86: {  	_ =	shalt  }
0x87: {  	_ =	shalt  }
.Lfunc_end0:
.L_simem_size_0:
called_computation.2_lowered:
.L_overlay_start_0:
0x88: {  	s2 =	sld [smem:$0x3FD9]  }
0x89: {  	s3 =	sld [smem:$0x3FFE];
	_ =	sdelay $0x1  }
0x8a: {  	s1 =	srdreg.scid  }
0x8b: {  	s0 =	sand.u32 $0x1, s1  }
0x8c: {  	s17 =	sshll.u32 s0, $0xA;
	s2 =	sadd.s32 s3, s2  }
0x8d: {  	s2 =	sadd.s32 s2, s17  }
0x8e: {  	[smem:$0x3FC3] =	sst s2  }
0x8f: {  	_ = 	snop  }
0x90: {  	s2 =	sld [smem:$0x3FD0];
	(tm) =	ssettm $0x1  }
0x91: {  	s18 =	sld [smem:$0x3FFB];
	_ =	sdelay $0x3  }
0x92: {  	_ =	strace s18  }
0x93: {  	s3 =	sld [smem:$0x3FFC];
	_ =	sdelay $0x3  }
0x94: {  	_ =	strace s3  }
0x95: {  	s3 =	sld [smem:$0x3FFD];
	_ =	sdelay $0x3  }
0x96: {  	_ =	strace s3  }
0x97: {  	_ =	strace $0x8FFFFFFF  }
0x98: {  	s19 =	sld [smem:$0x3FDB];
	_ =	sdelay $0x1  }
0x99: {  	s4 =	simm.s32 $_scs_section_size  }
0x9a: {  	s5 =	simm.s32 $_size__tile_overlayer_lowered;
	s6 =	simm.s32 $_tile_overlayer_lowered  }
0x9b: {  	s22 =	simm.s32 $0x1BFF;
	s21 =	sshll.u32 s6, $0x1;
	s3 =	sadd.s32 s4, s19  }
0x9c: {  	s7 =	simm.s32 $0x0;
	s20 =	sshll.u32 s5, $0x1;
	s5 =	sadd.s32 s21, s3  }
0x9d: {  	[timem:s7], [sflag:s22] =	dma.local [hbm:s5], s20  }
0x9e: {  	_ =	swait.ge [sflag:s22], s20  }
0x9f: {  	s4 =	ssub.s32 $0x0, s20;
	[sflag:s22] =	ssyncset.done $0x0  }
0xa0: {  	[sflag:s22] =	ssyncadd.s32 s4;
	_ =	sdelay $0x1  }
0xa1: {  	s23 =	simm.s32 $0x1B8B  }
0xa2: {  	_ =	swait.ge [sflag:s23], $0x1  }
0xa3: {  	[sflag:s23] =	ssyncset.done $0x0  }
0xa4: {  	s25 =	simm.s32 $0x1B8E;
	s24 =	sld [smem:$0x3FFE];
	[sflag:s23] =	ssyncadd.s32 $0xFFFFFFFF  }
0xa5: {  	s26 =	simm.s32 $execute0_lowered;
	[smem:$0x3FD2] =	sst s25  }
0xa6: {  	s5 =	sshll.u32 s26, $0x1;
	_ =	strace $0x8000004C;
	[dreg:$0x1] =	wrdreg $0xFFFFFFFF  }
0xa7: {  	s28 =	simm.s32 $_size_execute0_lowered;
	s3 =	sadd.s32 s3, s5;
	[dreg:$0x0] =	wrdreg $0x0  }
0xa8: {  	s5 =	sshll.u32 s28, $0x1;
	[dreg:$0x2] =	wrdreg s3  }
0xa9: {  	[dreg:$0x3] =	wrdreg s5  }
0xaa: {  	[dreg:$0x4] =	wrdreg $0xC0  }
0xab: {  	_ =	task [dreg:s7], $0x5FFFF  }
0xac: {  	[dreg:$0x1] =	wrdreg $0xFFFFFFFF  }
0xad: {  	[dreg:$0x0] =	wrdreg $0x60  }
0xae: {  	[dreg:$0x2] =	wrdreg s24  }
0xaf: {  	[dreg:$0x3] =	wrdreg s2  }
0xb0: {  	[dreg:$0x4] =	wrdreg $0x14D000  }
0xb1: {  	[dreg:$0x5] =	wrdreg $0x125800  }
0xb2: {  	[dreg:$0x6] =	wrdreg $0x9  }
0xb3: {  	_ =	task.clear_ibuf [dreg:s7], $0x7FFFF;
	_ =	strace $0x9000004C  }
0xb4: {  	s29 =	simm.s32 $0x9;
	_ =	strace $0x8000004E  }
0xb5: {  	_ =	swait.ge [sflag:s29], $0x1  }
0xb6: {  	[sflag:s29] =	ssyncadd.s32 $0xFFFFFFFF  }
0xb7: {  	_ =	strace $0x9000004E  }
0xb8: {  	_ =	sfence  }
0xb9: {  	s30 =	sld [smem:$0x0];
	_ =	sdelay $0x2  }
0xba: {  	s31 =	sshll.u32 s1, $0xD;
	s1 =	sshrl.u32 s1, $0x2  }
0xbb: {  	s3 =	sand.u32 $0x4000, s31;
	s1 =	sadd.s32 s1, s30  }
0xbc: {  	s0 =	sor.u32 s3, s0;
	s1 =	sshll.u32 s1, $0x11  }
0xbd: {  	s0 =	sor.u32 s1, s0  }
0xbe: {  	s0 =	sadd.s32 $0x8F2B, s0  }
0xbf: {  	[sflag:s0] =	ssyncadd.remote.s32 $0x1  }
0xc0: {  	_ =	sfence.sel $0xFFFF  }
0xc1: {  	[dreg:$0x0] =	wrdreg $0xFFFFFFFF;
	(pc) =	sbr.abs _section_cstart, $3  }
0xc2: {  	[dreg:$0x1] =	wrdreg $0xFFFFFFFF  }
0xc3: {  	_ =	task.clear_ibuf [dreg:s7], $0x2FFFF;
	_ =	strace $0x9FFFFFFF  }
0xc4: {  	(tm) =	ssettm $0x7FFFFFFF  }
0xc5: {  	_ =	shalt  }
tec
execute0_lowered:
.L_overlay_start_1:
0x0: {  	(tag) =	ssettag $0x1  }
0x1: {  	s0 =	rddreg [dreg:$0x0]  }
0x2: {  	s1 =	rddreg [dreg:$0x1]  }
0x3: {  	s2 =	rddreg [dreg:$0x2]  }
0x4: {  	s3 =	rddreg [dreg:$0x3];
	s22 =	stileid.u32  }
0x5: {  	s4 =	simm.s32 $0x0;
	s6 =	srdreg.scid;
	s28 =	simm.s32 $0x4F00  }
0x6: {  	s29 =	simm.s32 $0x5700;
	s31 =	simm.s32 $0x5F00;
	s5 =	smul.u32 $0x2780, s22  }
0x7: {  	[smem:$0x7FF] =	sst s4;
	s15 =	sand.u32 $0x1, s6;
	s20 =	sshll.u32 s22, $0x1  }
0x8: {  	s7 =	sadd.s32 $0x2000, s0;
	s8 =	sshll.u32 s22, $0x8;
	s19 =	sadd.s32 $0x29800, s0  }
0x9: {  	s14 =	sshll.u32 s22, $0x7;
	s25 =	sshll.u32 s22, $0x4;
	p0 =	sgt.u32 s22, $0x1  }
0xa: {  	p2 =	sgt.u32 s22, $0x7;
	s22 =	simm.s32 $0x0;
	_ =	strace $0x8000004D  }
0xb: {  	s6 =	sor.u32 s15, s20;
	s21 =	ssub.s32 $0x2, s15;
	s18 =	sadd.s32 $0xFFFFFC00, s14  }
0xc: {  	[dreg:$0x5] =	wrdreg s19;
	s26 =	sshll.u32 s15, $0xB;
	s20 =	simm.s32 $0x3  }
0xd: {  	p1 =	sne.s32 s15, $0x0;
	s15 =	simm.s32 $0x2;
	s13 =	sshrl.u32 s5, $0x3  }
0xe: {  	s9 =	smul.u32 $0x2700, s6;
	s10 =	sshrl.u32 s21, $0x1;
	s11 =	sshll.u32 s6, $0x4  }
0xf: {  	s17 =	sadd.s32 s5, s2;
	s14 =	sadd.s32 s5, s3;
	s24 =	sshrl.u32 s18, $0x3  }
0x10: {  	s18 =	simm.s32 $0x7700;
	s12 =	sadd.s32 s13, s0;
	s0 =	sadd.s32 s8, s0  }
0x11: {  	s16 =	ssub.s32 s21, s10;
	s23 =	sadd.s32 s11, s7;
	s13 =	sadd.s32 s19, s13  }
0x12: {  	s5 =	sadd.s32 s1, s24;
	s1 =	sadd.s32 s1, s25;
	s21 =	sshrl.u32 s17, $0x3  }
0x13: {  	s24 =	simm.s32 $0x6F00;
	s9 =	sshrl.u32 s9, $0x3;
	s8 =	sadd.s32 $0x9C00, s23  }
0x14: {  	s10 =	sadd.s32 $0x1AA00, s12;
	s11 =	sadd.s32 $0x1FA00, s12;
	s12 =	sadd.s32 $0x24900, s12  }
.Ltmp0:
0x15: {  	[dreg:$0x6] =	wrdreg s5;
	s30 =	sadd.s32 $0x16200, s0;
	(pc) =	sbr.rel .LBB2_1-.Ltmp0, $4  }
0x16: {  	[dreg:$0x8] =	wrdreg s1;
	s0 =	sadd.s32 s26, s0;
	s19 =	smax.u32 s16, $0x1  }
0x17: {  	s26 =	simm.s32 $0x80;
	s5 =	simm.s32 $0x6700;
	s6 =	sadd.s32 s7, s9  }
0x18: {  	s9 =	sadd.s32 $0x13840, s23;
	[dreg:$0x7] =	wrdreg s30;
	s0 =	sadd.s32 $0x15A00, s0  }
0x19: {  	s7 =	sadd.s32 $0x9C40, s6;
	[dreg:$0x9] =	wrdreg s0;
	s0 =	simm.s32 $0x1  }
.LBB2_7:
0x1a: {  	s1 =	rddreg [dreg:$0x8];
	s16 =	simm.s32 $0x11D00  }
0x1b: {  	[tilespmem:s16], [sflag:$0x3] =	stream.linear.gather [hbm4b:s1+s4], $0x80, $0x38;
	[tilespmem:$0x17480] =	vst v63  }
0x1c: {  	_ =	swait.ge [sflag:s20], $0x80  }
0x1d: {  	[sflag:s20] =	ssyncset.done $0x0  }
0x1e: {  	s17 =	simm.s32 $0x11D80;
	s1 =	rddreg [dreg:$0x9];
	[sflag:s20] =	ssyncadd.s32 $0xFFFFFF80  }
0x1f: {  	[tilespmem:s17], [sflag:$0x1] =	stream.indirect.gather [spmem:s2], $0x10, s16, s26, $0xb8;
	[tilespmem:$0x17480] =	vst v63  }
.LBB2_10:
0x20: {  	_ =	swait.ge [sflag:s0], $0x800  }
0x21: {  	[sflag:s0] =	ssyncset.done $0x0  }
0x22: {  	[sflag:s0] =	ssyncadd.s32 $0xFFFFF800  }
0x23: {  	[hbm4b:s1+s4] =	stream.linear.scatter [tilespmem:s17], [sflag:$0x3], $0x800, $0x38;
	[tilespmem:$0x17480] =	vst v63  }
0x24: {  	_ =	swait.ge [sflag:s20], $0x800  }
0x25: {  	[sflag:s20] =	ssyncset.done $0x0  }
0x26: {  	[sflag:s20] =	ssyncadd.s32 $0xFFFFF800  }
.LBB2_11:
0x27: {  	s22 =	sadd.s32 $0x1, s22  }
0x28: {  	p3 =	sne.s32 s22, s19  }
.Ltmp1:
0x29: {  	_ = 	snop;
	(pc) =	sbr.rel @!p3 .LBB2_12-.Ltmp1, $1  }
0x2a: {  	_ =	sdelay $0x3  }
.LBB2_1:
0x2b: {  	[tilespmem:s4], [sflag:$0x3] =	stream.linear.gather [hbm4b:s6+s4], $0x2700, $0x38;
	[tilespmem:$0x17480] =	vst v63  }
0x2c: {  	_ =	swait.ge [sflag:s20], $0x2700  }
0x2d: {  	[sflag:s20] =	ssyncset.done $0x0  }
0x2e: {  	s1 =	simm.s32 @p0 $0x0;
	s17 =	simm.s32 @p0 $0x2780;
	[sflag:s20] =	ssyncadd.s32 $0xFFFFD900  }
0x2f: {  	[tilespmem:s17], [sflag:$0x3] =	stream.linear.gather @p0 [hbm4b:s7+s1], $0x2700, $0x38;
	[tilespmem:$0x17480] =	vst v63  }
0x30: {  	s1 =	simm.s32 @p0 $0x3  }
0x31: {  	_ =	swait.ge @p0 [sflag:s1], $0x2700  }
0x32: {  	[sflag:s1] =	ssyncset.done @p0 $0x0  }
0x33: {  	s17 =	simm.s32 @!p0 $0x2700;
	[sflag:s1] =	ssyncadd.s32 @p0 $0xFFFFD900;
	s1 =	simm.s32 @!p0 $0x0  }
0x34: {  	[tilespmem:s17], [sflag:$0x3] =	stream.linear.gather @!p0 [hbm4b:s8+s1], $0x80, $0x38;
	[tilespmem:$0x17480] =	vst v63  }
0x35: {  	s17 =	simm.s32 @!p0 $0x3  }
0x36: {  	_ =	swait.ge @!p0 [sflag:s17], $0x80  }
0x37: {  	[sflag:s17] =	ssyncset.done @!p0 $0x0  }
0x38: {  	s23 =	simm.s32 @!p0 $0x2780;
	[sflag:s17] =	ssyncadd.s32 @!p0 $0xFFFFFF80  }
0x39: {  	[tilespmem:s23], [sflag:$0x3] =	stream.linear.gather @!p0 [hbm4b:s7+s1], $0x2700, $0x38;
	[tilespmem:$0x17480] =	vst v63  }
0x3a: {  	_ =	swait.ge @!p0 [sflag:s17], $0x2700  }
0x3b: {  	[sflag:s17] =	ssyncset.done @!p0 $0x0  }
0x3c: {  	s23 =	simm.s32 @!p0 $0x4E80;
	[sflag:s17] =	ssyncadd.s32 @!p0 $0xFFFFD900  }
0x3d: {  	[tilespmem:s23], [sflag:$0x3] =	stream.linear.gather @!p0 [hbm4b:s9+s1], $0x80, $0x38;
	[tilespmem:$0x17480] =	vst v63  }
0x3e: {  	s16 =	stileid.u32;
	_ =	swait.ge @!p0 [sflag:s17], $0x80  }
0x3f: {  	s1 =	sshll.u32 s16, $0x6;
	[sflag:s17] =	ssyncset.done @!p0 $0x0  }
0x40: {  	s1 =	sor.u32 $0x1C03, s1;
	[sflag:s17] =	ssyncadd.s32 @!p0 $0xFFFFFF80  }
0x41: {  	[spmem:s21], [sflag:s1] =	dma.local [hbm:s10], $0x4F0  }
0x42: {  	_ =	swait.ge [sflag:s20], $0x4F0  }
0x43: {  	[sflag:s20] =	ssyncset.done $0x0  }
0x44: {  	s23 =	simm.s32 $0x7F00;
	[sflag:s20] =	ssyncadd.s32 $0xFFFFFB10  }
0x45: {  	[tilespmem:s23], [sflag:$0x3] =	stream.linear.gather [hbm4b:s11+s4], $0x2780, $0x38;
	[tilespmem:$0x17480] =	vst v63  }
0x46: {  	_ =	swait.ge [sflag:s20], $0x2780  }
0x47: {  	[sflag:s20] =	ssyncset.done $0x0  }
0x48: {  	s25 =	simm.s32 $0xA680;
	[sflag:s20] =	ssyncadd.s32 $0xFFFFD880  }
0x49: {  	[tilespmem:s25], [sflag:$0x3] =	stream.linear.gather [hbm4b:s12+s4], $0x2780, $0x38;
	[tilespmem:$0x17480] =	vst v63  }
0x4a: {  	_ =	swait.ge [sflag:s20], $0x2780  }
0x4b: {  	[sflag:s20] =	ssyncset.done $0x0  }
0x4c: {  	s30 =	simm.s32 $0xCE00;
	[sflag:s20] =	ssyncadd.s32 $0xFFFFD880  }
0x4d: {  	[tilespmem:s30], [sflag:$0x3] =	stream.linear.gather [hbm4b:s13+s4], $0x2780, $0x38;
	[tilespmem:$0x17480] =	vst v63  }
0x4e: {  	_ =	swait.ge [sflag:s20], $0x2780  }
0x4f: {  	[sflag:s20] =	ssyncset.done $0x0  }
0x50: {  	s1 =	simm.s32 $0x0;
	[sflag:s20] =	ssyncadd.s32 $0xFFFFD880  }
0x51: {  	v0 =	vld [tilespmem:s1+$0x7F00]  }
0x52: {  	v1 =	vld [tilespmem:s1+$0xA680];
	_ =	sdelay $0x1  }
0x53: {  	v3 =	vld [tilespmem:s1+$0xCE00];
	_ =	sdelay $0x1  }
0x54: {  	s23 =	simm.s32 $0x10  }
0x55: {  	v2 =	vld [tilespmem:s23+$0xA680];
	v1 =	vadd.f32 v1, v0  }
0x56: {  	v0 =	vld [tilespmem:s23+$0x7F00]  }
0x57: {  	v4 =	vmul.f32 v3, v1  }
0x58: {  	v1 =	vld [tilespmem:s23+$0xCE00]  }
0x59: {  	s17 =	simm.s32 $0x80;
	v4 =	vmax.f32 v4, $0.0e+00  }
.LBB2_2:
0x5a: {  	s25 =	sshra.s32 s17, $0x2;
	v5 =	vmul.f32 v4, v3;
	p3 =	sne.s32 s17, $0x9DC0  }
.Ltmp2:
0x5b: {  	s17 =	sadd.s32 $0x40, s17;
	v4 =	vadd.f32 v2, v0;
	v0 =	vld [tilespmem:s25+$0x7F00];
	(pc) =	sbr.rel @p3 .LBB2_2-.Ltmp2, $4  }
0x5c: {  	v2 =	vld [tilespmem:s25+$0xA680];
	[tilespmem:s1+$0xF580] =	vst v5;
	s1 =	smov.u32 s23;
	s23 =	smov.u32 s25  }
0x5d: {  	v4 =	vmul.f32 v1, v4;
	v3 =	vmov v1  }
0x5e: {  	v1 =	vld [tilespmem:s23+$0xCE00]  }
0x5f: {  	v4 =	vmax.f32 v4, $0.0e+00  }
0x60: {  	_ = 	snop  }
0x61: {  	v0 =	vadd.f32 v2, v0;
	_ =	sdelay $0x1  }
0x62: {  	v0 =	vmul.f32 v1, v0;
	_ =	sdelay $0x1  }
0x63: {  	v63 =	vmul.f32 v4, v3;
	v0 =	vmax.f32 v0, $0.0e+00  }
0x64: {  	v0 =	vmul.f32 v0, v1  }
0x65: {  	[tilespmem:s1+$0xF580] =	vst v63  }
0x66: {  	s25 =	simm.s32 $0xF580;
	[tilespmem:s23+$0xF580] =	vst v0  }
0x67: {  	[spmem:s14] =	stream.linear.scatter [tilespmem:s25], [sflag:$0x3], $0x2780, $0x38;
	[tilespmem:$0x17480] =	vst v63  }
0x68: {  	_ =	swait.ge [sflag:s20], $0x2780  }
0x69: {  	[sflag:s20] =	ssyncset.done $0x0  }
0x6a: {  	[sflag:s20] =	ssyncadd.s32 $0xFFFFD880  }
0x6b: {  	s23 =	simm.s32 $0x0;
	[bflag:$0x0] =	sbarrier.arrive $0xFFFF  }
0x6c: {  	[tilespmem:s28], [sflag:$0x1] =	stream.indirect.gather [spmem:s3], $0x10, s23, s26, $0xb8;
	[tilespmem:$0x17480] =	vst v63  }
0x6d: {  	_ = 	snop  }
0x6e: {  	[tilespmem:s29], [sflag:$0x1] =	stream.indirect.gather [spmem:s3], $0x10, s26, s26, $0xb8;
	[tilespmem:$0x17480] =	vst v63  }
0x6f: {  	s30 =	simm.s32 $0x100  }
0x70: {  	[tilespmem:s31], [sflag:$0x1] =	stream.indirect.gather [spmem:s3], $0x10, s30, s26, $0xb8;
	[tilespmem:$0x17480] =	vst v63  }
0x71: {  	_ =	swait.ge [sflag:s0], $0x800  }
0x72: {  	[sflag:s0] =	ssyncset.done $0x0  }
0x73: {  	s16 =	simm.s32 $0x2780;
	[sflag:s0] =	ssyncadd.s32 $0xFFFFF800  }
0x74: {  	[spmem:s2] =	stream.indirect.scatter.add.f32 [tilespmem:s28], [sflag:$0x2], $0x10, s16, s26, $0xb8;
	[tilespmem:$0x17480] =	vst v63  }
0x75: {  	s17 =	simm.s32 $0x180  }
0x76: {  	[tilespmem:s5], [sflag:$0x1] =	stream.indirect.gather [spmem:s3], $0x10, s17, s26, $0xb8;
	[tilespmem:$0x17480] =	vst v63  }
0x77: {  	_ =	swait.ge [sflag:s0], $0x800  }
0x78: {  	[sflag:s0] =	ssyncset.done $0x0  }
0x79: {  	s25 =	simm.s32 $0x2800;
	[sflag:s0] =	ssyncadd.s32 $0xFFFFF800  }
0x7a: {  	[spmem:s2] =	stream.indirect.scatter.add.f32 [tilespmem:s29], [sflag:$0x2], $0x10, s25, s26, $0xb8;
	[tilespmem:$0x17480] =	vst v63  }
0x7b: {  	s30 =	simm.s32 $0x200  }
0x7c: {  	[tilespmem:s24], [sflag:$0x1] =	stream.indirect.gather [spmem:s3], $0x10, s30, s26, $0xb8;
	[tilespmem:$0x17480] =	vst v63  }
0x7d: {  	_ =	swait.ge [sflag:s0], $0x800  }
0x7e: {  	[sflag:s0] =	ssyncset.done $0x0  }
0x7f: {  	s16 =	simm.s32 $0x2880;
	[sflag:s0] =	ssyncadd.s32 $0xFFFFF800  }
0x80: {  	[spmem:s2] =	stream.indirect.scatter.add.f32 [tilespmem:s31], [sflag:$0x2], $0x10, s16, s26, $0xb8;
	[tilespmem:$0x17480] =	vst v63  }
0x81: {  	s17 =	simm.s32 $0x280  }
0x82: {  	[tilespmem:s18], [sflag:$0x1] =	stream.indirect.gather [spmem:s3], $0x10, s17, s26, $0xb8;
	[tilespmem:$0x17480] =	vst v63  }
0x83: {  	_ =	swait.ge [sflag:s0], $0x800  }
0x84: {  	[sflag:s0] =	ssyncset.done $0x0  }
0x85: {  	s25 =	simm.s32 $0x2900;
	[sflag:s0] =	ssyncadd.s32 $0xFFFFF800  }
0x86: {  	[spmem:s2] =	stream.indirect.scatter.add.f32 [tilespmem:s5], [sflag:$0x2], $0x10, s25, s26, $0xb8;
	[tilespmem:$0x17480] =	vst v63  }
0x87: {  	_ =	swait.ge [sflag:s15], $0x800  }
0x88: {  	[sflag:s15] =	ssyncset.done $0x0  }
0x89: {  	s30 =	simm.s32 $0x300;
	[sflag:s15] =	ssyncadd.s32 $0xFFFFF800  }
0x8a: {  	[tilespmem:s28], [sflag:$0x1] =	stream.indirect.gather [spmem:s3], $0x10, s30, s26, $0xb8;
	[tilespmem:$0x17480] =	vst v63  }
0x8b: {  	_ =	swait.ge [sflag:s0], $0x800  }
0x8c: {  	[sflag:s0] =	ssyncset.done $0x0  }
0x8d: {  	s16 =	simm.s32 $0x2980;
	[sflag:s0] =	ssyncadd.s32 $0xFFFFF800  }
0x8e: {  	[spmem:s2] =	stream.indirect.scatter.add.f32 [tilespmem:s24], [sflag:$0x2], $0x10, s16, s26, $0xb8;
	[tilespmem:$0x17480] =	vst v63  }
0x8f: {  	_ =	swait.ge [sflag:s15], $0x800  }
0x90: {  	[sflag:s15] =	ssyncset.done $0x0  }
0x91: {  	s17 =	simm.s32 $0x380;
	[sflag:s15] =	ssyncadd.s32 $0xFFFFF800  }
0x92: {  	[tilespmem:s29], [sflag:$0x1] =	stream.indirect.gather [spmem:s3], $0x10, s17, s26, $0xb8;
	[tilespmem:$0x17480] =	vst v63  }
0x93: {  	_ =	swait.ge [sflag:s0], $0x800  }
0x94: {  	[sflag:s0] =	ssyncset.done $0x0  }
0x95: {  	s25 =	simm.s32 $0x2A00;
	[sflag:s0] =	ssyncadd.s32 $0xFFFFF800  }
0x96: {  	[spmem:s2] =	stream.indirect.scatter.add.f32 [tilespmem:s18], [sflag:$0x2], $0x10, s25, s26, $0xb8;
	[tilespmem:$0x17480] =	vst v63  }
0x97: {  	_ =	swait.ge [sflag:s15], $0x800  }
0x98: {  	[sflag:s15] =	ssyncset.done $0x0  }
0x99: {  	s30 =	simm.s32 $0x400;
	[sflag:s15] =	ssyncadd.s32 $0xFFFFF800  }
0x9a: {  	[tilespmem:s31], [sflag:$0x1] =	stream.indirect.gather [spmem:s3], $0x10, s30, s26, $0xb8;
	[tilespmem:$0x17480] =	vst v63  }
.LBB2_4:
0x9b: {  	_ =	swait.ge [sflag:s0], $0x800  }
0x9c: {  	s1 =	sshra.s32 s23, $0x2;
	[sflag:s0] =	ssyncset.done $0x0  }
0x9d: {  	s17 =	sadd.s32 $0x2A80, s1;
	[sflag:s0] =	ssyncadd.s32 $0xFFFFF800  }
0x9e: {  	[spmem:s2] =	stream.indirect.scatter.add.f32 [tilespmem:s28], [sflag:$0x2], $0x10, s17, s26, $0xb8;
	[tilespmem:$0x17480] =	vst v63  }
0x9f: {  	_ =	swait.ge [sflag:s15], $0x800  }
0xa0: {  	[sflag:s15] =	ssyncset.done $0x0  }
0xa1: {  	s30 =	sadd.s32 $0x480, s1;
	[sflag:s15] =	ssyncadd.s32 $0xFFFFF800  }
0xa2: {  	[tilespmem:s5], [sflag:$0x1] =	stream.indirect.gather [spmem:s3], $0x10, s30, s26, $0xb8;
	[tilespmem:$0x17480] =	vst v63  }
0xa3: {  	_ =	swait.ge [sflag:s0], $0x800  }
0xa4: {  	[sflag:s0] =	ssyncset.done $0x0  }
0xa5: {  	s16 =	sadd.s32 $0x2B00, s1;
	[sflag:s0] =	ssyncadd.s32 $0xFFFFF800  }
0xa6: {  	[spmem:s2] =	stream.indirect.scatter.add.f32 [tilespmem:s29], [sflag:$0x2], $0x10, s16, s26, $0xb8;
	[tilespmem:$0x17480] =	vst v63  }
0xa7: {  	_ =	swait.ge [sflag:s15], $0x800  }
0xa8: {  	[sflag:s15] =	ssyncset.done $0x0  }
0xa9: {  	s25 =	sadd.s32 $0x500, s1;
	[sflag:s15] =	ssyncadd.s32 $0xFFFFF800  }
0xaa: {  	[tilespmem:s24], [sflag:$0x1] =	stream.indirect.gather [spmem:s3], $0x10, s25, s26, $0xb8;
	[tilespmem:$0x17480] =	vst v63  }
0xab: {  	_ =	swait.ge [sflag:s0], $0x800  }
0xac: {  	[sflag:s0] =	ssyncset.done $0x0  }
0xad: {  	s30 =	sadd.s32 $0x2B80, s1;
	[sflag:s0] =	ssyncadd.s32 $0xFFFFF800  }
0xae: {  	[spmem:s2] =	stream.indirect.scatter.add.f32 [tilespmem:s31], [sflag:$0x2], $0x10, s30, s26, $0xb8;
	[tilespmem:$0x17480] =	vst v63  }
0xaf: {  	_ =	swait.ge [sflag:s15], $0x800  }
0xb0: {  	[sflag:s15] =	ssyncset.done $0x0  }
0xb1: {  	s16 =	sadd.s32 $0x580, s1;
	[sflag:s15] =	ssyncadd.s32 $0xFFFFF800  }
0xb2: {  	[tilespmem:s18], [sflag:$0x1] =	stream.indirect.gather [spmem:s3], $0x10, s16, s26, $0xb8;
	[tilespmem:$0x17480] =	vst v63  }
0xb3: {  	_ =	swait.ge [sflag:s0], $0x800  }
0xb4: {  	[sflag:s0] =	ssyncset.done $0x0  }
0xb5: {  	s25 =	sadd.s32 $0x2C00, s1;
	[sflag:s0] =	ssyncadd.s32 $0xFFFFF800  }
0xb6: {  	[spmem:s2] =	stream.indirect.scatter.add.f32 [tilespmem:s5], [sflag:$0x2], $0x10, s25, s26, $0xb8;
	[tilespmem:$0x17480] =	vst v63  }
0xb7: {  	_ =	swait.ge [sflag:s15], $0x800  }
0xb8: {  	p3 =	seq.s32 s23, $0x8400;
	[sflag:s15] =	ssyncset.done $0x0  }
0xb9: {  	s17 =	simm.s32 @p3 $0x1;
	[sflag:s15] =	ssyncadd.s32 $0xFFFFF800  }
0xba: {  	_ =	swait.ge @p3 [sflag:s17], $0x800  }
0xbb: {  	[sflag:s17] =	ssyncset.done @p3 $0x0  }
0xbc: {  	[sflag:s17] =	ssyncadd.s32 @p3 $0xFFFFF800;
	s17 =	sshra.s32 @p3 s23, $0x2  }
0xbd: {  	s30 =	simm.s32 @p3 $0x6F00;
	s25 =	simm.s32 @p3 $0x80;
	s17 =	sadd.s32 @p3 $0x2C80, s17  }
0xbe: {  	[spmem:s2] =	stream.indirect.scatter.add.f32 @p3 [tilespmem:s30], [sflag:$0x2], $0x10, s17, s25, $0xb8;
	[tilespmem:$0x17480] =	vst v63  }
0xbf: {  	s17 =	simm.s32 @p3 $0x2  }
0xc0: {  	_ =	swait.ge @p3 [sflag:s17], $0x800  }
0xc1: {  	[sflag:s17] =	ssyncset.done @p3 $0x0  }
0xc2: {  	[sflag:s17] =	ssyncadd.s32 @p3 $0xFFFFF800;
	s17 =	sshra.s32 @!p3 s23, $0x2  }
0xc3: {  	s16 =	simm.s32 @!p3 $0x4F00;
	s30 =	simm.s32 @!p3 $0x80;
	s25 =	sadd.s32 @!p3 $0x600, s17  }
0xc4: {  	[tilespmem:s16], [sflag:$0x1] =	stream.indirect.gather @!p3 [spmem:s3], $0x10, s25, s30, $0xb8;
	[tilespmem:$0x17480] =	vst v63  }
0xc5: {  	s16 =	simm.s32 @!p3 $0x1  }
0xc6: {  	_ =	swait.ge @!p3 [sflag:s16], $0x800  }
0xc7: {  	[sflag:s16] =	ssyncset.done @!p3 $0x0  }
0xc8: {  	s25 =	simm.s32 @!p3 $0x6F00;
	[sflag:s16] =	ssyncadd.s32 @!p3 $0xFFFFF800;
	s16 =	sadd.s32 @!p3 $0x2C80, s17  }
0xc9: {  	[spmem:s2] =	stream.indirect.scatter.add.f32 @!p3 [tilespmem:s25], [sflag:$0x2], $0x10, s16, s30, $0xb8;
	[tilespmem:$0x17480] =	vst v63  }
0xca: {  	s16 =	simm.s32 @!p3 $0x2  }
0xcb: {  	_ =	swait.ge @!p3 [sflag:s16], $0x800  }
0xcc: {  	[sflag:s16] =	ssyncset.done @!p3 $0x0  }
0xcd: {  	[sflag:s16] =	ssyncadd.s32 @!p3 $0xFFFFF800;
	s16 =	sadd.s32 @!p3 $0x680, s17;
	s17 =	simm.s32 @!p3 $0x5700  }
0xce: {  	[tilespmem:s17], [sflag:$0x1] =	stream.indirect.gather @!p3 [spmem:s3], $0x10, s16, s30, $0xb8;
	[tilespmem:$0x17480] =	vst v63  }
0xcf: {  	_ =	swait.ge [sflag:s0], $0x800  }
0xd0: {  	[sflag:s0] =	ssyncset.done $0x0  }
.Ltmp3:
0xd1: {  	s30 =	sadd.s32 $0x2D00, s1;
	[sflag:s0] =	ssyncadd.s32 $0xFFFFF800;
	(pc) =	sbr.rel @p3 .LBB2_6-.Ltmp3, $4  }
0xd2: {  	[spmem:s2] =	stream.indirect.scatter.add.f32 [tilespmem:s18], [sflag:$0x2], $0x10, s30, s26, $0xb8;
	[tilespmem:$0x17480] =	vst v63  }
0xd3: {  	_ =	swait.ge [sflag:s15], $0x800  }
0xd4: {  	[sflag:s15] =	ssyncset.done $0x0  }
0xd5: {  	[sflag:s15] =	ssyncadd.s32 $0xFFFFF800  }
.Ltmp4:
0xd6: {  	(pc) =	sbr.rel .LBB2_4-.Ltmp4, $3  }
0xd7: {  	_ =	sdelay $0x1  }
0xd8: {  	s1 =	sadd.s32 $0x700, s1;
	s23 =	sadd.s32 $0xC00, s23  }
0xd9: {  	[tilespmem:s31], [sflag:$0x1] =	stream.indirect.gather [spmem:s3], $0x10, s1, s26, $0xb8;
	[tilespmem:$0x17480] =	vst v63  }
.LBB2_6:
0xda: {  	s1 =	simm.s32 @!p0 $0x80;
	s16 =	simm.s32 @!p0 $0x2700;
	s17 =	simm.s32 @!p0 $0x4F00  }
0xdb: {  	[tilespmem:s17], [sflag:$0x1] =	stream.indirect.gather @!p0 [spmem:s3], $0x10, s16, s1, $0xb8;
	[tilespmem:$0x17480] =	vst v63  }
0xdc: {  	s16 =	simm.s32 @!p0 $0x1  }
0xdd: {  	_ =	swait.ge @!p0 [sflag:s16], $0x800  }
0xde: {  	[sflag:s16] =	ssyncset.done @!p0 $0x0  }
0xdf: {  	[sflag:s16] =	ssyncadd.s32 @!p0 $0xFFFFF800;
	s16 =	simm.s32 @!p0 $0x4E80  }
0xe0: {  	[spmem:s2] =	stream.indirect.scatter.add.f32 @!p0 [tilespmem:s17], [sflag:$0x2], $0x10, s16, s1, $0xb8;
	[tilespmem:$0x17480] =	vst v63  }
0xe1: {  	s1 =	simm.s32 @!p0 $0x2  }
0xe2: {  	_ =	swait.ge @!p0 [sflag:s1], $0x800  }
0xe3: {  	[sflag:s1] =	ssyncset.done @!p0 $0x0  }
0xe4: {  	[sflag:s1] =	ssyncadd.s32 @!p0 $0xFFFFF800  }
0xe5: {  	_ =	swait.ge [sflag:s15], $0x800  }
0xe6: {  	[sflag:s15] =	ssyncset.done $0x0  }
0xe7: {  	[sflag:s15] =	ssyncadd.s32 $0xFFFFF800  }
0xe8: {  	_ =	swait.ge [sflag:s15], $0x800  }
0xe9: {  	[sflag:s15] =	ssyncset.done $0x0  }
0xea: {  	[sflag:s15] =	ssyncadd.s32 $0xFFFFF800  }
.Ltmp5:
0xeb: {  	_ =	swait.ge [sflag:s15], $0x800;
	(pc) =	sbr.rel @!p2 .LBB2_7-.Ltmp5, $3  }
0xec: {  	[sflag:s15] =	ssyncset.done $0x0  }
0xed: {  	[sflag:s15] =	ssyncadd.s32 $0xFFFFF800  }
0xee: {  	[bflag:$0x0] =	sbarrier.arrive $0xFFFF;
	_ =	sdelay $0x1  }
.Ltmp6:
0xef: {  	(pc) =	sbr.rel @p1 .LBB2_11-.Ltmp6, $2  }
0xf0: {  	_ =	sdelay $0x2  }
0xf1: {  	s17 =	simm.s32 $0x11D80  }
0xf2: {  	s1 =	rddreg [dreg:$0x6];
	s16 =	simm.s32 $0x11D00  }
0xf3: {  	[tilespmem:s16], [sflag:$0x3] =	stream.linear.gather [hbm4b:s1+s4], $0x80, $0x38;
	[tilespmem:$0x17480] =	vst v63  }
.Ltmp7:
0xf4: {  	_ = 	snop;
	(pc) =	sbr.rel .LBB2_10-.Ltmp7, $4  }
0xf5: {  	_ =	swait.ge [sflag:s20], $0x80  }
0xf6: {  	[sflag:s20] =	ssyncset.done $0x0;
	s30 =	rddreg [dreg:$0x5]  }
0xf7: {  	s1 =	rddreg [dreg:$0x7];
	[sflag:s20] =	ssyncadd.s32 $0xFFFFFF80  }
0xf8: {  	[tilespmem:s17], [sflag:$0x1] =	stream.indirect.gather [hbm4b:s30+s26], $0x10, s16, s26, $0xb8;
	[tilespmem:$0x17480] =	vst v63  }
.LBB2_12:
0xf9: {  	_ =	sfence.sel $0x180000  }
0xfa: {  	[bflag:$0x0] =	sbarrier.arrive $0xFFFF  }
0xfb: {  	_ =	strace $0x9000004D  }
0xfc: {  	s0 =	stileid.u32;
	[bflag:$0x2] =	sbarrier.arrive $0xFFFF  }
0xfd: {  	p0 =	sne.s32 s0, $0x0;
	s0 =	rddreg [dreg:$0x4]  }
0xfe: {  	s0 =	sadd.s32 @!p0 $0x100000, s0  }
0xff: {  	[sflag:s0] =	ssyncadd.tile.s32 @!p0 $0x1;
	_ =	shalt  }
.Lfunc_end2:
_tile_overlayer_lowered:
.L_overlay_start_2:
0x100: {  	(tag) =	ssettag $0x2  }
0x101: {  	s0 =	rddreg [dreg:$0x0];
	s2 =	stileid.u32  }
0x102: {  	s1 =	rddreg [dreg:$0x1];
	p0 =	sne.s32 s2, $0x0  }
0x103: {  	s3 =	rddreg [dreg:$0x2];
	[bflag:$0x3] =	sbarrier.arrive $0xFFFF;
	s2 =	simm.s32 @!p0 $0x1C03  }
0x104: {  	[timem:s3], [sflag:s2] =	dma.local @!p0 [hbm:s0], s1  }
0x105: {  	s0 =	simm.s32 @!p0 $0x3  }
0x106: {  	_ =	swait.ge @!p0 [sflag:s0], s1  }
0x107: {  	s1 =	ssub.s32 @!p0 $0x0, s1;
	[sflag:s0] =	ssyncset.done @!p0 $0x0  }
0x108: {  	[sflag:s0] =	ssyncadd.s32 @!p0 s1  }
0x109: {  	[bflag:$0x3] =	sbarrier.arrive $0xFFFF  }
0x10a: {  	_ =	shalt  }

// kernel: kernel.7.cloned.1.call-start
scs
__scs_entry_jumppad:
0x0: {  	(pc) =	sbr.rel $0x88, $3  }
0x1: {  	(tag) =	ssettag $0x0;
	lr =	simm.s32 $0x1  }
0x2: {  	[smem:$0x3F9C] =	sst lr;
	_ =	strace $0xD0000000  }
0x3: {  	_ = 	snop  }
0x4: {  	_ = 	snop  }
0x5: {  	_ = 	snop  }
0x6: {  	_ = 	snop  }
0x7: {  	_ = 	snop  }
__scs_overlays_trampoline_lowered:
0x8: {  	[smem:$0x3FAB] =	sst s0  }
0x9: {  	[smem:$0x3FAC] =	sst s1  }
0xa: {  	[smem:$0x3FAD] =	sst s2  }
0xb: {  	[smem:$0x3FAE] =	sst s3  }
0xc: {  	[smem:$0x3FAF] =	sst s4  }
0xd: {  	[smem:$0x3FB0] =	sst s5  }
0xe: {  	[smem:$0x3FB1] =	sst s6  }
0xf: {  	[smem:$0x3FB2] =	sst s7  }
0x10: {  	[smem:$0x3FB3] =	sst s8  }
0x11: {  	[smem:$0x3FB4] =	sst s9;
	s0 =	simm.s32 @!p0 $0x0  }
0x12: {  	s1 =	sld [smem:$0x3F9A];
	s0 =	simm.s32 @p0 $0x1  }
0x13: {  	[smem:$0x3FB5] =	sst s0;
	s0 =	simm.s32 @!p1 $0x0  }
0x14: {  	s2 =	sld [smem:$0x3F99];
	s0 =	simm.s32 @p1 $0x1  }
0x15: {  	[smem:$0x3FB6] =	sst s0;
	s0 =	simm.s32 @!p2 $0x0  }
0x16: {  	s3 =	sld [smem:$0x3FDB];
	s0 =	simm.s32 @p2 $0x1  }
0x17: {  	s4 =	simm.s32 $0x1BF5;
	[smem:$0x3FB8] =	sst s0  }
0x18: {  	s0 =	sld [smem:$0x3F9B];
	_ =	swait.ge [sflag:s4], $0x0  }
0x19: {  	s7 =	sld [smem:$0x3F9C]  }
0x1a: {  	s8 =	sadd.s32 $0xFFFFE003, lr  }
0x1b: {  	s9 =	sadd.s32 $0xFFFFFEF7, lr;
	s5 =	simm.s32 $0xFFFFFFFF;
	p2 =	slt.u32 s8, $0xFFFFF086  }
0x1c: {  	p1 =	slt.u32 s9, $0xF7A;
	s5 =	simm.s32 @!p2 $0x0  }
0x1d: {  	s5 =	simm.s32 @p1 $0x1;
	p0 =	seq.s32 s7, s2  }
0x1e: {  	s7 =	smul.u32 @!p0 $0xF7A, s2;
	p2 =	seq.s32 @!p0 s5, $0x0  }
0x1f: {  	s9 =	smul.u32 $0xF7A, s1;
	s8 =	simm.s32 @!p0 $0x1BF5;
	p2 =	por !p2, p0  }
0x20: {  	[sflag:s8] =	ssyncset.s32 @!p0 $0xFFFFF086;
	s6 =	sadd.s32 @!p0 s3, s7;
	s7 =	simm.s32 @!p0 $0x108  }
0x21: {  	s3 =	sadd.s32 s3, s9;
	s6 =	sadd.s32 @!p0 $0x88, s6;
	s7 =	simm.s32 @p2 $0x1082  }
0x22: {  	[simem:s7], [sflag:s8] =	dma.local @!p0 [hbm:s6], $0xF7A  }
0x23: {  	s9 =	sor.u32 $0xD0000000, s2;
	s6 =	simm.s32 $0x108;
	_ =	swait.ge @!p0 [sflag:s8], $0x0  }
0x24: {  	s3 =	sadd.s32 $0x88, s3;
	s6 =	simm.s32 @!p1 $0x1082;
	[sflag:s4] =	ssyncset.s32 $0xFFFFF086  }
0x25: {  	[simem:s6], [sflag:s4] =	dma.local [hbm:s3], $0xF7A  }
0x26: {  	[smem:$0x3F9C] =	sst s1;
	(tag) =	ssettag s2;
	_ =	strace s9  }
0x27: {  	s1 =	sld [smem:$0x3FAC]  }
0x28: {  	s2 =	sld [smem:$0x3FAD]  }
0x29: {  	s4 =	sld [smem:$0x3FAF]  }
0x2a: {  	p0 =	seq.s32 s5, $0x0;
	s5 =	sld [smem:$0x3FB0]  }
0x2b: {  	s6 =	sld [smem:$0x3FB1]  }
0x2c: {  	s7 =	sld [smem:$0x3FB2]  }
0x2d: {  	s3 =	simm.s32 $0x108;
	s8 =	sld [smem:$0x3FB3]  }
0x2e: {  	s3 =	simm.s32 @!p0 $0x1082;
	s9 =	sld [smem:$0x3FB4]  }
0x2f: {  	lr =	sadd.s32 s0, s3;
	s0 =	sld [smem:$0x3FAB]  }
0x30: {  	s3 =	sld [smem:$0x3FAE]  }
0x31: {  	[smem:$0x3FB7] =	sst s10  }
0x32: {  	s10 =	sld [smem:$0x3FB5];
	_ =	sdelay $0x3  }
0x33: {  	p0 =	seq.s32 s10, $0x1;
	s10 =	sld [smem:$0x3FB7];
	_ =	sdelay $0x3  }
0x34: {  	[smem:$0x3FB7] =	sst s10  }
0x35: {  	s10 =	sld [smem:$0x3FB6];
	_ =	sdelay $0x3  }
0x36: {  	p1 =	seq.s32 s10, $0x1;
	s10 =	sld [smem:$0x3FB7];
	_ =	sdelay $0x3  }
0x37: {  	[smem:$0x3FB7] =	sst s10  }
0x38: {  	s10 =	sld [smem:$0x3FB8]  }
0x39: {  	_ = 	snop;
	(pc) =	sbr.ind lr, $3  }
0x3a: {  	_ = 	snop  }
0x3b: {  	_ = 	snop  }
0x3c: {  	p2 =	seq.s32 s10, $0x1;
	s10 =	sld [smem:$0x3FB7]  }
0x3d: {  	_ =	shalt  }
0x3e: {  	_ =	shalt  }
0x3f: {  	_ =	shalt  }
0x40: {  	_ =	shalt  }
0x41: {  	_ =	shalt  }
0x42: {  	_ =	shalt  }
0x43: {  	_ =	shalt  }
0x44: {  	_ =	shalt  }
0x45: {  	_ =	shalt  }
0x46: {  	_ =	shalt  }
0x47: {  	_ =	shalt  }
0x48: {  	_ =	shalt  }
0x49: {  	_ =	shalt  }
0x4a: {  	_ =	shalt  }
0x4b: {  	_ =	shalt  }
0x4c: {  	_ =	shalt  }
0x4d: {  	_ =	shalt  }
0x4e: {  	_ =	shalt  }
0x4f: {  	_ =	shalt  }
0x50: {  	_ =	shalt  }
0x51: {  	_ =	shalt  }
0x52: {  	_ =	shalt  }
0x53: {  	_ =	shalt  }
0x54: {  	_ =	shalt  }
0x55: {  	_ =	shalt  }
0x56: {  	_ =	shalt  }
0x57: {  	_ =	shalt  }
0x58: {  	_ =	shalt  }
0x59: {  	_ =	shalt  }
0x5a: {  	_ =	shalt  }
0x5b: {  	_ =	shalt  }
0x5c: {  	_ =	shalt  }
0x5d: {  	_ =	shalt  }
0x5e: {  	_ =	shalt  }
0x5f: {  	_ =	shalt  }
0x60: {  	_ =	shalt  }
0x61: {  	_ =	shalt  }
0x62: {  	_ =	shalt  }
0x63: {  	_ =	shalt  }
0x64: {  	_ =	shalt  }
0x65: {  	_ =	shalt  }
0x66: {  	_ =	shalt  }
0x67: {  	_ =	shalt  }
0x68: {  	_ =	shalt  }
0x69: {  	_ =	shalt  }
0x6a: {  	_ =	shalt  }
0x6b: {  	_ =	shalt  }
0x6c: {  	_ =	shalt  }
0x6d: {  	_ =	shalt  }
0x6e: {  	_ =	shalt  }
0x6f: {  	_ =	shalt  }
0x70: {  	_ =	shalt  }
0x71: {  	_ =	shalt  }
0x72: {  	_ =	shalt  }
0x73: {  	_ =	shalt  }
0x74: {  	_ =	shalt  }
0x75: {  	_ =	shalt  }
0x76: {  	_ =	shalt  }
0x77: {  	_ =	shalt  }
0x78: {  	_ =	shalt  }
0x79: {  	_ =	shalt  }
0x7a: {  	_ =	shalt  }
0x7b: {  	_ =	shalt  }
0x7c: {  	_ =	shalt  }
0x7d: {  	_ =	shalt  }
0x7e: {  	_ =	shalt  }
0x7f: {  	_ =	shalt  }
0x80: {  	_ =	shalt  }
0x81: {  	_ =	shalt  }
0x82: {  	_ =	shalt  }
0x83: {  	_ =	shalt  }
0x84: {  	_ =	shalt  }
0x85: {  	_ =	shalt  }
0x86: {  	_ =	shalt  }
0x87: {  	_ =	shalt  }
.Lfunc_end0:
.L_simem_size_0:
called_computation_lowered:
.L_overlay_start_0:
0x88: {  	s2 =	sld [smem:$0x3FD9]  }
0x89: {  	s3 =	sld [smem:$0x3FFE];
	_ =	sdelay $0x1  }
0x8a: {  	s1 =	srdreg.scid  }
0x8b: {  	s0 =	sand.u32 $0x1, s1  }
0x8c: {  	s17 =	sshll.u32 s0, $0xA;
	s2 =	sadd.s32 s3, s2  }
0x8d: {  	s2 =	sadd.s32 s2, s17  }
0x8e: {  	[smem:$0x3FC3] =	sst s2  }
0x8f: {  	_ = 	snop  }
0x90: {  	s2 =	sld [smem:$0x3FD0];
	(tm) =	ssettm $0x1  }
0x91: {  	s18 =	sld [smem:$0x3FFB];
	_ =	sdelay $0x3  }
0x92: {  	_ =	strace s18  }
0x93: {  	s3 =	sld [smem:$0x3FFC];
	_ =	sdelay $0x3  }
0x94: {  	_ =	strace s3  }
0x95: {  	s3 =	sld [smem:$0x3FFD];
	_ =	sdelay $0x3  }
0x96: {  	_ =	strace s3  }
0x97: {  	_ =	strace $0x8FFFFFFF  }
0x98: {  	s19 =	sld [smem:$0x3FDB];
	_ =	sdelay $0x1  }
0x99: {  	s4 =	simm.s32 $_scs_section_size  }
0x9a: {  	s5 =	simm.s32 $_size__tile_overlayer_lowered;
	s6 =	simm.s32 $_tile_overlayer_lowered  }
0x9b: {  	s22 =	simm.s32 $0x1BFF;
	s21 =	sshll.u32 s6, $0x1;
	s3 =	sadd.s32 s4, s19  }
0x9c: {  	s7 =	simm.s32 $0x0;
	s20 =	sshll.u32 s5, $0x1;
	s5 =	sadd.s32 s21, s3  }
0x9d: {  	[timem:s7], [sflag:s22] =	dma.local [hbm:s5], s20  }
0x9e: {  	_ =	swait.ge [sflag:s22], s20  }
0x9f: {  	s4 =	ssub.s32 $0x0, s20;
	[sflag:s22] =	ssyncset.done $0x0  }
0xa0: {  	[sflag:s22] =	ssyncadd.s32 s4;
	_ =	sdelay $0x1  }
0xa1: {  	s23 =	simm.s32 $0x1B8B  }
0xa2: {  	_ =	swait.ge [sflag:s23], $0x1  }
0xa3: {  	[sflag:s23] =	ssyncset.done $0x0  }
0xa4: {  	s25 =	simm.s32 $0x1B8E;
	s24 =	sld [smem:$0x3FFE];
	[sflag:s23] =	ssyncadd.s32 $0xFFFFFFFF  }
0xa5: {  	s26 =	simm.s32 $execute0_lowered;
	[smem:$0x3FD2] =	sst s25  }
0xa6: {  	s5 =	sshll.u32 s26, $0x1;
	_ =	strace $0x80000046;
	[dreg:$0x1] =	wrdreg $0xFFFFFFFF  }
0xa7: {  	s28 =	simm.s32 $_size_execute0_lowered;
	s3 =	sadd.s32 s3, s5;
	[dreg:$0x0] =	wrdreg $0x0  }
0xa8: {  	s5 =	sshll.u32 s28, $0x1;
	[dreg:$0x2] =	wrdreg s3  }
0xa9: {  	[dreg:$0x3] =	wrdreg s5  }
0xaa: {  	[dreg:$0x4] =	wrdreg $0xC0  }
0xab: {  	_ =	task [dreg:s7], $0x5FFFF  }
0xac: {  	[dreg:$0x1] =	wrdreg $0xFFFFFFFF  }
0xad: {  	[dreg:$0x0] =	wrdreg $0x60  }
0xae: {  	[dreg:$0x2] =	wrdreg s24  }
0xaf: {  	[dreg:$0x3] =	wrdreg s2  }
0xb0: {  	[dreg:$0x4] =	wrdreg $0x28000  }
0xb1: {  	[dreg:$0x5] =	wrdreg $0x9  }
0xb2: {  	_ =	task.clear_ibuf [dreg:s7], $0x6FFFF;
	_ =	strace $0x90000046  }
0xb3: {  	s29 =	simm.s32 $0x9;
	_ =	strace $0x80000048  }
0xb4: {  	_ =	swait.ge [sflag:s29], $0x1  }
0xb5: {  	[sflag:s29] =	ssyncadd.s32 $0xFFFFFFFF  }
0xb6: {  	_ =	strace $0x90000048  }
0xb7: {  	_ =	sfence  }
0xb8: {  	s30 =	sld [smem:$0x0];
	_ =	sdelay $0x2  }
0xb9: {  	s31 =	sshll.u32 s1, $0xD;
	s1 =	sshrl.u32 s1, $0x2  }
0xba: {  	s3 =	sand.u32 $0x4000, s31;
	s1 =	sadd.s32 s1, s30  }
0xbb: {  	s0 =	sor.u32 s3, s0;
	s1 =	sshll.u32 s1, $0x11  }
0xbc: {  	s0 =	sor.u32 s1, s0  }
0xbd: {  	s0 =	sadd.s32 $0x8F2B, s0  }
0xbe: {  	[sflag:s0] =	ssyncadd.remote.s32 $0x1  }
0xbf: {  	_ =	sfence.sel $0xFFFF  }
0xc0: {  	[dreg:$0x0] =	wrdreg $0xFFFFFFFF;
	(pc) =	sbr.abs _section_cstart, $3  }
0xc1: {  	[dreg:$0x1] =	wrdreg $0xFFFFFFFF  }
0xc2: {  	_ =	task.clear_ibuf [dreg:s7], $0x2FFFF;
	_ =	strace $0x9FFFFFFF  }
0xc3: {  	(tm) =	ssettm $0x7FFFFFFF  }
tec
execute0_lowered:
.L_overlay_start_1:
0x0: {  	(tag) =	ssettag $0x1  }
0x1: {  	s5 =	rddreg [dreg:$0x0]  }
0x2: {  	s8 =	rddreg [dreg:$0x1]  }
0x3: {  	s2 =	rddreg [dreg:$0x2]  }
0x4: {  	s0 =	rddreg [dreg:$0x3]  }
0x5: {  	s3 =	simm.s32 $0x0;
	s1 =	stileid.u32;
	s4 =	srdreg.scid  }
0x6: {  	s15 =	simm.s32 $0x1;
	s16 =	simm.s32 $0x0;
	[smem:$0x7FF] =	sst s3  }
0x7: {  	s7 =	smul.u32 $0x278, s1;
	s6 =	sand.u32 $0x1, s4;
	s25 =	sshll.u32 s1, $0x1  }
0x8: {  	s10 =	sadd.s32 $0x2000, s5;
	s4 =	sadd.s32 $0x16000, s5;
	p0 =	sgt.u32 s1, $0x1  }
0x9: {  	s31 =	sshll.u32 s1, $0x6;
	_ =	strace $0x80000047;
	s9 =	sor.u32 s6, s25  }
0xa: {  	s26 =	ssub.s32 $0x2, s6;
	s6 =	smul.u32 $0x2780, s6;
	s11 =	sshrl.u32 s7, $0x3  }
0xb: {  	s12 =	smul.u32 $0x2700, s9;
	s13 =	sshrl.u32 s26, $0x1;
	s9 =	sshll.u32 s9, $0x4  }
0xc: {  	s14 =	sadd.s32 s7, s2;
	s11 =	sadd.s32 s11, s5;
	s13 =	ssub.s32 s26, s13  }
0xd: {  	s9 =	sadd.s32 s9, s10;
	s29 =	sadd.s32 s7, s6;
	s12 =	sshrl.u32 s12, $0x3  }
0xe: {  	s6 =	sadd.s32 $0x13840, s9;
	s30 =	sshrl.u32 s29, $0x3;
	s7 =	sadd.s32 $0x15A00, s11  }
0xf: {  	s9 =	smax.u32 s13, $0x1;
	s11 =	simm.s32 $0x2780;
	s13 =	sshrl.u32 s14, $0x3  }
0x10: {  	s14 =	simm.s32 $0x80;
	s28 =	sadd.s32 s10, s12;
	s8 =	sadd.s32 s8, s30  }
0x11: {  	s10 =	simm.s32 $0x2;
	s12 =	sor.u32 $0x1C02, s31;
	s5 =	sadd.s32 $0x9C40, s28  }
.LBB2_1:
0x12: {  	[tilespmem:s3], [sflag:$0x2] =	stream.linear.gather [hbm4b:s5+s3], $0x2700, $0x38;
	[tilespmem:$0x2A78] =	vst v63  }
0x13: {  	_ =	swait.ge [sflag:s10], $0x2700  }
0x14: {  	[sflag:s10] =	ssyncset.done $0x0  }
0x15: {  	s17 =	simm.s32 @!p0 $0x0;
	s18 =	simm.s32 @!p0 $0x2700;
	[sflag:s10] =	ssyncadd.s32 $0xFFFFD900  }
0x16: {  	[tilespmem:s18], [sflag:$0x2] =	stream.linear.gather @!p0 [hbm4b:s6+s17], $0x80, $0x38;
	[tilespmem:$0x2A78] =	vst v63  }
0x17: {  	s17 =	simm.s32 @!p0 $0x2  }
0x18: {  	_ =	swait.ge @!p0 [sflag:s17], $0x80  }
0x19: {  	[sflag:s17] =	ssyncset.done @!p0 $0x0  }
0x1a: {  	[sflag:s17] =	ssyncadd.s32 @!p0 $0xFFFFFF80  }
0x1b: {  	[tilespmem:s11], [sflag:$0x2] =	stream.linear.gather [hbm4b:s4+s3], $0x80, $0x38;
	[tilespmem:$0x2A78] =	vst v63  }
0x1c: {  	_ =	swait.ge [sflag:s10], $0x80  }
0x1d: {  	[sflag:s10] =	ssyncset.done $0x0  }
0x1e: {  	[sflag:s10] =	ssyncadd.s32 $0xFFFFFF80  }
0x1f: {  	[spmem:s13], [sflag:s12] =	dma.local [hbm:s7], $0x4F  }
0x20: {  	_ =	swait.ge [sflag:s10], $0x4F  }
0x21: {  	[sflag:s10] =	ssyncset.done $0x0  }
0x22: {  	[sflag:s10] =	ssyncadd.s32 $0xFFFFFFB1  }
0x23: {  	s25 =	simm.s32 $0x0;
	[bflag:$0x0] =	sbarrier.arrive $0xFFFF  }
0x24: {  	[spmem:s2] =	stream.indirect.scatter.add.f32 [tilespmem:s11], [sflag:$0x1], $0x1, s25, s14, $0xb8;
	[tilespmem:$0x2A78] =	vst v63  }
0x25: {  	s26 =	simm.s32 $0x80  }
0x26: {  	[spmem:s2] =	stream.indirect.scatter.add.f32 [tilespmem:s11], [sflag:$0x1], $0x1, s26, s14, $0xb8;
	[tilespmem:$0x2A78] =	vst v63  }
0x27: {  	s28 =	simm.s32 $0x100  }
0x28: {  	[spmem:s2] =	stream.indirect.scatter.add.f32 [tilespmem:s11], [sflag:$0x1], $0x1, s28, s14, $0xb8;
	[tilespmem:$0x2A78] =	vst v63  }
0x29: {  	s29 =	simm.s32 $0x180  }
0x2a: {  	[spmem:s2] =	stream.indirect.scatter.add.f32 [tilespmem:s11], [sflag:$0x1], $0x1, s29, s14, $0xb8;
	[tilespmem:$0x2A78] =	vst v63  }
0x2b: {  	s30 =	simm.s32 $0x200  }
0x2c: {  	[spmem:s2] =	stream.indirect.scatter.add.f32 [tilespmem:s11], [sflag:$0x1], $0x1, s30, s14, $0xb8;
	[tilespmem:$0x2A78] =	vst v63  }
0x2d: {  	s31 =	simm.s32 $0x280  }
0x2e: {  	[spmem:s2] =	stream.indirect.scatter.add.f32 [tilespmem:s11], [sflag:$0x1], $0x1, s31, s14, $0xb8;
	[tilespmem:$0x2A78] =	vst v63  }
0x2f: {  	_ =	swait.ge [sflag:s15], $0x80  }
0x30: {  	[sflag:s15] =	ssyncset.done $0x0  }
0x31: {  	[sflag:s15] =	ssyncadd.s32 $0xFFFFFF80  }
0x32: {  	_ =	swait.ge [sflag:s15], $0x80  }
0x33: {  	[sflag:s15] =	ssyncset.done $0x0  }
0x34: {  	[sflag:s15] =	ssyncadd.s32 $0xFFFFFF80  }
0x35: {  	_ =	swait.ge [sflag:s15], $0x80  }
0x36: {  	[sflag:s15] =	ssyncset.done $0x0  }
0x37: {  	[sflag:s15] =	ssyncadd.s32 $0xFFFFFF80  }
0x38: {  	_ =	swait.ge [sflag:s15], $0x80  }
0x39: {  	[sflag:s15] =	ssyncset.done $0x0  }
0x3a: {  	[sflag:s15] =	ssyncadd.s32 $0xFFFFFF80  }
0x3b: {  	_ =	swait.ge [sflag:s15], $0x80  }
0x3c: {  	[sflag:s15] =	ssyncset.done $0x0  }
0x3d: {  	[sflag:s15] =	ssyncadd.s32 $0xFFFFFF80  }
0x3e: {  	_ =	swait.ge [sflag:s15], $0x80  }
0x3f: {  	s18 =	simm.s32 $0x1800;
	s17 =	simm.s32 $0xC00;
	[sflag:s15] =	ssyncset.done $0x0  }
.LBB2_2:
0x40: {  	s19 =	sshra.s32 s17, $0x2  }
0x41: {  	[sflag:s15] =	ssyncadd.s32 $0xFFFFFF80;
	s17 =	smov.u32 s18;
	s20 =	sadd.s32 $0xC00, s18  }
0x42: {  	[spmem:s2] =	stream.indirect.scatter.add.f32 [tilespmem:s11], [sflag:$0x1], $0x1, s19, s14, $0xb8;
	[tilespmem:$0x2A78] =	vst v63  }
0x43: {  	p1 =	sne.s32 s18, $0x9000;
	s18 =	sadd.s32 $0x80, s19  }
0x44: {  	[spmem:s2] =	stream.indirect.scatter.add.f32 [tilespmem:s11], [sflag:$0x1], $0x1, s18, s14, $0xb8;
	[tilespmem:$0x2A78] =	vst v63  }
0x45: {  	s18 =	sadd.s32 $0x100, s19  }
0x46: {  	[spmem:s2] =	stream.indirect.scatter.add.f32 [tilespmem:s11], [sflag:$0x1], $0x1, s18, s14, $0xb8;
	[tilespmem:$0x2A78] =	vst v63  }
0x47: {  	s18 =	sadd.s32 $0x180, s19  }
0x48: {  	[spmem:s2] =	stream.indirect.scatter.add.f32 [tilespmem:s11], [sflag:$0x1], $0x1, s18, s14, $0xb8;
	[tilespmem:$0x2A78] =	vst v63  }
0x49: {  	s18 =	sadd.s32 $0x200, s19  }
0x4a: {  	[spmem:s2] =	stream.indirect.scatter.add.f32 [tilespmem:s11], [sflag:$0x1], $0x1, s18, s14, $0xb8;
	[tilespmem:$0x2A78] =	vst v63  }
0x4b: {  	s18 =	sadd.s32 $0x280, s19  }
0x4c: {  	[spmem:s2] =	stream.indirect.scatter.add.f32 [tilespmem:s11], [sflag:$0x1], $0x1, s18, s14, $0xb8;
	[tilespmem:$0x2A78] =	vst v63  }
0x4d: {  	_ =	swait.ge [sflag:s15], $0x80  }
0x4e: {  	[sflag:s15] =	ssyncset.done $0x0  }
0x4f: {  	[sflag:s15] =	ssyncadd.s32 $0xFFFFFF80  }
0x50: {  	_ =	swait.ge [sflag:s15], $0x80  }
0x51: {  	[sflag:s15] =	ssyncset.done $0x0  }
0x52: {  	[sflag:s15] =	ssyncadd.s32 $0xFFFFFF80  }
0x53: {  	_ =	swait.ge [sflag:s15], $0x80  }
0x54: {  	[sflag:s15] =	ssyncset.done $0x0  }
0x55: {  	[sflag:s15] =	ssyncadd.s32 $0xFFFFFF80  }
0x56: {  	_ =	swait.ge [sflag:s15], $0x80  }
0x57: {  	[sflag:s15] =	ssyncset.done $0x0  }
0x58: {  	[sflag:s15] =	ssyncadd.s32 $0xFFFFFF80  }
.Ltmp0:
0x59: {  	_ =	swait.ge [sflag:s15], $0x80;
	(pc) =	sbr.rel @p1 .LBB2_2-.Ltmp0, $4  }
0x5a: {  	[sflag:s15] =	ssyncset.done $0x0  }
0x5b: {  	[sflag:s15] =	ssyncadd.s32 $0xFFFFFF80  }
0x5c: {  	_ =	swait.ge [sflag:s15], $0x80  }
0x5d: {  	s18 =	smov.u32 s20;
	[sflag:s15] =	ssyncset.done $0x0  }
0x5e: {  	s17 =	sshra.s32 s17, $0x2;
	[sflag:s15] =	ssyncadd.s32 $0xFFFFFF80  }
0x5f: {  	[spmem:s2] =	stream.indirect.scatter.add.f32 [tilespmem:s11], [sflag:$0x1], $0x1, s17, s14, $0xb8;
	[tilespmem:$0x2A78] =	vst v63  }
0x60: {  	s18 =	sadd.s32 $0x80, s17  }
0x61: {  	[spmem:s2] =	stream.indirect.scatter.add.f32 [tilespmem:s11], [sflag:$0x1], $0x1, s18, s14, $0xb8;
	[tilespmem:$0x2A78] =	vst v63  }
0x62: {  	s29 =	sadd.s32 $0x100, s17  }
0x63: {  	[spmem:s2] =	stream.indirect.scatter.add.f32 [tilespmem:s11], [sflag:$0x1], $0x1, s29, s14, $0xb8;
	[tilespmem:$0x2A78] =	vst v63  }
0x64: {  	s30 =	sadd.s32 $0x180, s17  }
0x65: {  	[spmem:s2] =	stream.indirect.scatter.add.f32 [tilespmem:s11], [sflag:$0x1], $0x1, s30, s14, $0xb8;
	[tilespmem:$0x2A78] =	vst v63  }
0x66: {  	s31 =	sadd.s32 $0x200, s17  }
0x67: {  	[spmem:s2] =	stream.indirect.scatter.add.f32 [tilespmem:s11], [sflag:$0x1], $0x1, s31, s14, $0xb8;
	[tilespmem:$0x2A78] =	vst v63  }
0x68: {  	s17 =	sadd.s32 $0x280, s17  }
0x69: {  	[spmem:s2] =	stream.indirect.scatter.add.f32 [tilespmem:s11], [sflag:$0x1], $0x1, s17, s14, $0xb8;
	[tilespmem:$0x2A78] =	vst v63  }
0x6a: {  	_ =	swait.ge [sflag:s15], $0x80  }
0x6b: {  	[sflag:s15] =	ssyncset.done $0x0  }
0x6c: {  	[sflag:s15] =	ssyncadd.s32 $0xFFFFFF80  }
0x6d: {  	_ =	swait.ge [sflag:s15], $0x80  }
0x6e: {  	[sflag:s15] =	ssyncset.done $0x0  }
0x6f: {  	[sflag:s15] =	ssyncadd.s32 $0xFFFFFF80  }
0x70: {  	_ =	swait.ge [sflag:s15], $0x80  }
0x71: {  	[sflag:s15] =	ssyncset.done $0x0  }
0x72: {  	[sflag:s15] =	ssyncadd.s32 $0xFFFFFF80  }
0x73: {  	_ =	swait.ge [sflag:s15], $0x80  }
0x74: {  	[sflag:s15] =	ssyncset.done $0x0  }
0x75: {  	[sflag:s15] =	ssyncadd.s32 $0xFFFFFF80  }
0x76: {  	_ =	swait.ge [sflag:s15], $0x80  }
0x77: {  	[sflag:s15] =	ssyncset.done $0x0  }
0x78: {  	[sflag:s15] =	ssyncadd.s32 $0xFFFFFF80  }
0x79: {  	_ =	swait.ge [sflag:s15], $0x80  }
0x7a: {  	s19 =	simm.s32 @!p0 $0x2780;
	[sflag:s15] =	ssyncset.done $0x0  }
0x7b: {  	s18 =	simm.s32 @!p0 $0x2700;
	s17 =	simm.s32 @!p0 $0x80;
	[sflag:s15] =	ssyncadd.s32 $0xFFFFFF80  }
0x7c: {  	[spmem:s2] =	stream.indirect.scatter.add.f32 @!p0 [tilespmem:s19], [sflag:$0x2], $0x1, s18, s17, $0xb8;
	[tilespmem:$0x2A78] =	vst v63  }
0x7d: {  	s17 =	simm.s32 @!p0 $0x2  }
0x7e: {  	_ =	swait.ge @!p0 [sflag:s17], $0x80  }
0x7f: {  	s16 =	sadd.s32 $0x1, s16;
	[sflag:s17] =	ssyncset.done @!p0 $0x0  }
0x80: {  	p1 =	sne.s32 s16, s9;
	[sflag:s17] =	ssyncadd.s32 @!p0 $0xFFFFFF80  }
.Ltmp1:
0x81: {  	[bflag:$0x0] =	sbarrier.arrive $0xFFFF;
	(pc) =	sbr.rel @p1 .LBB2_1-.Ltmp1, $4  }
0x82: {  	[hbm:s8], [sflag:s12] =	dma.local [spmem:s13], $0x4F  }
0x83: {  	_ =	swait.ge [sflag:s10], $0x4F  }
0x84: {  	[sflag:s10] =	ssyncset.done $0x0  }
0x85: {  	[sflag:s10] =	ssyncadd.s32 $0xFFFFFFB1  }
0x86: {  	_ =	sfence.sel $0x180000  }
0x87: {  	[bflag:$0x0] =	sbarrier.arrive $0xFFFF  }
0x88: {  	p0 =	sne.s32 s1, $0x0;
	_ =	strace $0x90000047  }
0x89: {  	s0 =	sadd.s32 @!p0 $0x100000, s0;
	[bflag:$0x2] =	sbarrier.arrive $0xFFFF  }
0x8a: {  	[sflag:s0] =	ssyncadd.tile.s32 @!p0 $0x1;
	_ =	shalt  }
.Lfunc_end2:
_tile_overlayer_lowered:
.L_overlay_start_2:
0x8b: {  	(tag) =	ssettag $0x2  }
0x8c: {  	s0 =	rddreg [dreg:$0x0];
	s2 =	stileid.u32  }
0x8d: {  	s1 =	rddreg [dreg:$0x1];
	p0 =	sne.s32 s2, $0x0  }
0x8e: {  	s3 =	rddreg [dreg:$0x2];
	[bflag:$0x3] =	sbarrier.arrive $0xFFFF;
	s2 =	simm.s32 @!p0 $0x1C02  }
0x8f: {  	[timem:s3], [sflag:s2] =	dma.local @!p0 [hbm:s0], s1  }
0x90: {  	s0 =	simm.s32 @!p0 $0x2  }
0x91: {  	_ =	swait.ge @!p0 [sflag:s0], s1  }
0x92: {  	s1 =	ssub.s32 @!p0 $0x0, s1;
	[sflag:s0] =	ssyncset.done @!p0 $0x0  }
0x93: {  	[sflag:s0] =	ssyncadd.s32 @!p0 s1  }
0x94: {  	[bflag:$0x3] =	sbarrier.arrive $0xFFFF  }
0x95: {  	_ =	shalt  }

</sc_bundles>
